<compile_context>
chip_gen: v7x
topology: tpu7x:2x2x1
jax: 0.10.2.dev20260603
libtpu: 0.0.44.dev20260713+nightly
codegen_flags: <defaults>
</compile_context>

<pallas_src>
import functools

import jax
import jax.numpy as jnp
from jax import lax
from jax.experimental import pallas as pl
from jax.experimental.pallas import tpu as pltpu
from jax.experimental.pallas import tpu_sc as plsc

NC = 2
NS = 16
CHUNK = 128


def _make_deg_kernel(N_pad, E_pad):
    per_w = E_pad // (NC * NS)
    n_chunks = per_w // CHUNK
    FIRE = 8 if n_chunks % 8 == 0 else 2
    rpt = N_pad // NS
    mesh = plsc.VectorSubcoreMesh(core_axis_name="c", subcore_axis_name="s")

    @functools.partial(
        pl.kernel,
        out_type=jax.ShapeDtypeStruct((NC, N_pad), jnp.float32),
        mesh=mesh,
        scratch_types=[
            pltpu.VMEM((n_chunks, CHUNK), jnp.int32),
            pltpu.VMEM((CHUNK,), jnp.float32),
            pltpu.VMEM((rpt,), jnp.float32),
            pltpu.VMEM_SHARED((N_pad,), jnp.float32),
            pltpu.SemaphoreType.DMA,
        ],
    )
    def deg_k(dst_hbm, ones_hbm, zeros_hbm, out_hbm, dst_v, ones_v, buf_v,
              acc_sh, sem):
        c = lax.axis_index("c")
        s = lax.axis_index("s")
        w = c * NS + s
        cbase = w * n_chunks
        pltpu.sync_copy(ones_hbm, ones_v)
        pltpu.sync_copy(dst_hbm.at[pl.ds(cbase, n_chunks)], dst_v)
        pltpu.sync_copy(zeros_hbm.at[pl.ds(0, rpt)], buf_v)
        pltpu.sync_copy(buf_v, acc_sh.at[pl.ds(s * rpt, rpt)])
        plsc.subcore_barrier()

        def body(j, carry):
            for b in range(FIRE):
                pltpu.async_copy(ones_v, acc_sh.at[dst_v.at[FIRE * j + b]],
                                 sem, add=True)
            for b in range(FIRE):
                pltpu.make_async_copy(ones_v, acc_sh.at[dst_v.at[0]], sem).wait()
            return carry

        lax.fori_loop(0, n_chunks // FIRE, body, 0)
        plsc.subcore_barrier()
        pltpu.sync_copy(acc_sh.at[pl.ds(s * rpt, rpt)], buf_v)
        pltpu.sync_copy(buf_v, out_hbm.at[c].at[pl.ds(s * rpt, rpt)])

    return deg_k


def _make_layer_kernel(N, N_pad, D, E_pad):
    per_w = E_pad // (NC * NS)
    n_chunks = per_w // CHUNK
    assert n_chunks % 2 == 0
    rpt = N_pad // NS
    mesh = plsc.VectorSubcoreMesh(core_axis_name="c", subcore_axis_name="s")

    @functools.partial(
        pl.kernel,
        out_type=jax.ShapeDtypeStruct((NC, N_pad, D), jnp.float32),
        mesh=mesh,
        scratch_types=[
            pltpu.VMEM((n_chunks, CHUNK), jnp.int32),
            pltpu.VMEM((CHUNK,), jnp.int32),
            pltpu.VMEM((CHUNK,), jnp.int32),
            pltpu.VMEM((CHUNK, D), jnp.float32),
            pltpu.VMEM((CHUNK, D), jnp.float32),
            pltpu.VMEM_SHARED((N_pad, D), jnp.float32),
            pltpu.SemaphoreType.DMA,
            pltpu.SemaphoreType.DMA,
            pltpu.SemaphoreType.DMA,
            pltpu.SemaphoreType.DMA,
        ],
    )
    def layer_k(src_hbm, dst_hbm, g_hbm, zeros_hbm, out_hbm,
                src_v, dstb0, dstb1, buf0, buf1, acc_sh,
                semg0, semg1, semd0, semd1):
        c = lax.axis_index("c")
        s = lax.axis_index("s")
        w = c * NS + s
        cbase = w * n_chunks
        pltpu.sync_copy(src_hbm.at[pl.ds(cbase, n_chunks)], src_v)
        pltpu.sync_copy(zeros_hbm, buf0)
        n_full0, rem0 = divmod(rpt, CHUNK)
        for j in range(n_full0):
            pltpu.sync_copy(buf0, acc_sh.at[pl.ds(s * rpt + j * CHUNK, CHUNK)])
        if rem0:
            pltpu.sync_copy(buf0.at[pl.ds(0, rem0)],
                            acc_sh.at[pl.ds(s * rpt + n_full0 * CHUNK, rem0)])
        plsc.subcore_barrier()

        ebase = cbase * CHUNK
        pltpu.async_copy(dst_hbm.at[pl.ds(ebase, CHUNK)], dstb0, semd0)
        pltpu.async_copy(g_hbm.at[src_v.at[0]], buf0, semg0)

        def body(j, carry):
            i0 = 2 * j
            pltpu.async_copy(dst_hbm.at[pl.ds(ebase + (i0 + 1) * CHUNK, CHUNK)],
                             dstb1, semd1)
            pltpu.async_copy(g_hbm.at[src_v.at[i0 + 1]], buf1, semg1)
            pltpu.make_async_copy(g_hbm.at[src_v.at[i0]], buf0, semg0).wait()
            pltpu.make_async_copy(dst_hbm.at[pl.ds(ebase, CHUNK)], dstb0,
                                  semd0).wait()
            pltpu.sync_copy(buf0, acc_sh.at[dstb0], add=True)

            @pl.when(i0 + 2 < n_chunks)
            def _():
                pltpu.async_copy(dst_hbm.at[pl.ds(ebase + (i0 + 2) * CHUNK, CHUNK)],
                                 dstb0, semd0)
                pltpu.async_copy(g_hbm.at[src_v.at[i0 + 2]], buf0, semg0)

            pltpu.make_async_copy(g_hbm.at[src_v.at[i0 + 1]], buf1, semg1).wait()
            pltpu.make_async_copy(dst_hbm.at[pl.ds(ebase, CHUNK)], dstb1,
                                  semd1).wait()
            pltpu.sync_copy(buf1, acc_sh.at[dstb1], add=True)
            return carry

        lax.fori_loop(0, n_chunks // 2, body, 0)
        plsc.subcore_barrier()
        n_full, rem = divmod(rpt, CHUNK)
        for j in range(n_full):
            r0 = s * rpt + j * CHUNK
            pltpu.sync_copy(acc_sh.at[pl.ds(r0, CHUNK)], buf0)
            pltpu.sync_copy(buf0, out_hbm.at[c].at[pl.ds(r0, CHUNK)])
        if rem:
            r0 = s * rpt + n_full * CHUNK
            pltpu.sync_copy(acc_sh.at[pl.ds(r0, rem)], buf0.at[pl.ds(0, rem)])
            pltpu.sync_copy(buf0.at[pl.ds(0, rem)], out_hbm.at[c].at[pl.ds(r0, rem)])

    return layer_k


def _prep_tc(x, W1, degp2, N_pad):
    N = x.shape[0]
    D_h = W1.shape[1]

    def body(x_ref, w_ref, degp_ref, g_ref, dinv_ref):
        dp = degp_ref[...]
        deg = dp[:, 0:1] + dp[:, 1:2] + 1.0
        dinv = lax.rsqrt(deg)
        h = jnp.dot(x_ref[...], w_ref[...], preferred_element_type=jnp.float32)
        g_ref[pl.ds(0, N), :] = h * dinv[:N]
        g_ref[pl.ds(N, N_pad - N), :] = jnp.zeros((N_pad - N, D_h), jnp.float32)
        dinv_ref[...] = dinv

    return pl.pallas_call(
        body,
        out_shape=[
            jax.ShapeDtypeStruct((N_pad, D_h), jnp.float32),
            jax.ShapeDtypeStruct((N_pad, 1), jnp.float32),
        ],
    )(x, W1, degp2)


def _mid_tc(p, g1, dinv, b1, W2, N):
    N_pad, D = g1.shape
    D_out = W2.shape[1]

    def body(p_ref, g1_ref, dinv_ref, b1_ref, w2_ref, g2_ref):
        sall = p_ref[0] + p_ref[1] + g1_ref[...]
        z = jnp.maximum(sall * dinv_ref[...] + b1_ref[...], 0.0)
        h2 = jnp.dot(z, w2_ref[...], preferred_element_type=jnp.float32)
        g2 = h2 * dinv_ref[...]
        g2_ref[pl.ds(0, N), :] = g2[:N]
        g2_ref[pl.ds(N, N_pad - N), :] = jnp.zeros((N_pad - N, D_out),
                                                   jnp.float32)

    return pl.pallas_call(
        body,
        out_shape=jax.ShapeDtypeStruct((N_pad, D_out), jnp.float32),
    )(p, g1, dinv, b1, W2)


def _final_tc(q, g2, dinv, b2, N):
    N_pad, D = g2.shape

    def body(q_ref, g2_ref, dinv_ref, b2_ref, o_ref):
        sall = q_ref[0, pl.ds(0, N), :] + q_ref[1, pl.ds(0, N), :] + \
            g2_ref[pl.ds(0, N), :]
        o_ref[...] = sall * dinv_ref[pl.ds(0, N), :] + b2_ref[...]

    return pl.pallas_call(
        body,
        out_shape=jax.ShapeDtypeStruct((N, D), jnp.float32),
    )(q, g2, dinv, b2)


def kernel(x, edge_index, W1, b1, W2, b2):
    N, D_in = x.shape
    E = edge_index.shape[1]
    D = W1.shape[1]

    W_TOT = NC * NS
    quant = W_TOT * CHUNK * 2
    E_pad = ((E + quant - 1) // quant) * quant
    pad = E_pad - E
    N_pad_l = ((N + 128) // 128) * 128
    N_pad_d = ((N + NS * 128) // (NS * 128)) * (NS * 128)
    src = edge_index[0].astype(jnp.int32)
    dst = edge_index[1].astype(jnp.int32)
    dst_deg = dst
    if pad:
        ar = jnp.arange(pad, dtype=jnp.int32)
        dst_deg = jnp.concatenate([dst, N + ar % (N_pad_d - N)])
        src = jnp.concatenate([src, N + ar % (N_pad_l - N)])
        dst = jnp.concatenate([dst, ar % N_pad_l])

    ones1 = jnp.ones((CHUNK,), jnp.float32)
    zeros1 = jnp.zeros((N_pad_d,), jnp.float32)
    zerosD = jnp.zeros((CHUNK, D), jnp.float32)

    deg_k = _make_deg_kernel(N_pad_d, E_pad)
    layer_k = _make_layer_kernel(N, N_pad_l, D, E_pad)

    dst_deg2d = jnp.reshape(dst_deg, (E_pad // CHUNK, CHUNK))
    degp = deg_k(dst_deg2d, ones1, zeros1)
    degp2 = jnp.transpose(degp[:, :N_pad_l])

    src2d = jnp.reshape(src, (E_pad // CHUNK, CHUNK))

    g1, dinv = _prep_tc(x, W1, degp2, N_pad_l)
    p = layer_k(src2d, dst, g1, zerosD)
    g2 = _mid_tc(p, g1, dinv, jnp.reshape(b1, (1, D)), W2, N)
    q = layer_k(src2d, dst, g2, zerosD)
    out = _final_tc(q, g2, dinv, jnp.reshape(b2, (1, W2.shape[1])), N)
    return out

# --- scband reference (transcript-rebuilt; emitter-appended) ---
"""Pipeline reference for scband-gcn-node-18081812316383 (READ-ONLY COPY).

The authoritative reference and input builder live on the scoring server;
editing this copy changes nothing except your own understanding.
"""

import jax, jax.numpy as jnp
import numpy as np

N = 10000
E = 320000
D_IN = 128
D_H = 128
D_OUT = 128


def setup_inputs(seed: int = 0) -> dict:
    key = jax.random.key(seed)
    k1, k2, k3, k4 = jax.random.split(key, 4)
    x = jax.random.normal(k1, (N, D_IN), dtype=jnp.float32)
    edge_index = jax.random.randint(k2, (2, E), 0, N)
    W1 = jax.random.normal(k3, (D_IN, D_H), dtype=jnp.float32) * (1.0 / np.sqrt(D_IN))
    b1 = jnp.zeros((D_H,), dtype=jnp.float32)
    W2 = jax.random.normal(k4, (D_H, D_OUT), dtype=jnp.float32) * (1.0 / np.sqrt(D_H))
    b2 = jnp.zeros((D_OUT,), dtype=jnp.float32)
    return {"x": x, "edge_index": edge_index, "W1": W1, "b1": b1, "W2": W2, "b2": b2}


def _gcn_conv(x, edge_index, W, b):
    # GCNConv: out = D^{-1/2} (A + I) D^{-1/2} X W + b (add_self_loops=True, symmetric norm)
    src = edge_index[0]
    dst = edge_index[1]
    loop = jnp.arange(N, dtype=src.dtype)
    src = jnp.concatenate([src, loop])
    dst = jnp.concatenate([dst, loop])
    deg = jax.ops.segment_sum(jnp.ones_like(src, dtype=x.dtype), dst, num_segments=N)
    deg_inv_sqrt = jnp.where(deg > 0, jax.lax.rsqrt(jnp.maximum(deg, 1e-12)), 0.0)
    norm = deg_inv_sqrt[src] * deg_inv_sqrt[dst]
    h = x @ W
    msg = h[src] * norm[:, None]
    out = jax.ops.segment_sum(msg, dst, num_segments=N)
    return out + b


def reference(x, edge_index, W1, b1, W2, b2):
    # GCN_Node.forward in eval mode (dropout p=0.5 is identity when training=False)
    h = _gcn_conv(x, edge_index, W1, b1)
    h = jax.nn.relu(h)
    out = _gcn_conv(h, edge_index, W2, b2)
    return out

if __name__ == "__main__":
    import jax
    _d = setup_inputs()
    print(jax.jit(kernel)(*tuple(_d.values())))

</pallas_src>

<mosaic_0001>
#map = affine_map<(d0, d1) -> (0, 0)>
#map1 = affine_map<(d0, d1) -> (0)>
#map2 = affine_map<(d0, d1) -> (0, 0, 0)>
module attributes {stable_mosaic.version = 14 : i64} {
  func.func @layer_k(%arg0: i32, %arg1: i32, %arg2: memref<2560x128xi32, #tpu.memory_space<hbm>>, %arg3: memref<327680xi32, #tpu.memory_space<hbm>>, %arg4: memref<10112x128xf32, #tpu.memory_space<hbm>>, %arg5: memref<128x128xf32, #tpu.memory_space<hbm>>, %arg6: memref<2x10112x128xf32, #tpu.memory_space<hbm>>, %arg7: memref<80x128xi32, #tpu.memory_space<vmem>>, %arg8: memref<128xi32, #tpu.memory_space<vmem>>, %arg9: memref<128xi32, #tpu.memory_space<vmem>>, %arg10: memref<128x128xf32, #tpu.memory_space<vmem>>, %arg11: memref<128x128xf32, #tpu.memory_space<vmem>>, %arg12: memref<10112x128xf32, #tpu.memory_space<vmem_shared>>, %arg13: memref<!tpu.dma_semaphore, #tpu.memory_space<semaphore_mem>>, %arg14: memref<!tpu.dma_semaphore, #tpu.memory_space<semaphore_mem>>, %arg15: memref<!tpu.dma_semaphore, #tpu.memory_space<semaphore_mem>>, %arg16: memref<!tpu.dma_semaphore, #tpu.memory_space<semaphore_mem>>) attributes {dimension_semantics = [#tpu.dimension_semantics<core_parallel>, #tpu.dimension_semantics<subcore_parallel>], iteration_bounds = array<i64: 2, 16>, scalar_prefetch = 0 : i64, scratch_operands = 10 : i64, tpu.core_type = #tpu.core_type<sc_vector_subcore>, window_params = [{transform_indices = #map}, {transform_indices = #map1}, {transform_indices = #map}, {transform_indices = #map}, {transform_indices = #map2}]} {
    %mul3A = arith.constant 16 : i32
    %mul3A_0 = arith.muli %arg0, %mul3A : i32
    %add3A = arith.addi %mul3A_0, %arg1 : i32
    %mul3A_1 = arith.constant 80 : i32
    %mul3A_2 = arith.muli %add3A, %mul3A_1 : i32
    "tpu.region"() ({
      %run_scoped3A = tpu.sem_alloc : memref<!tpu.dma_semaphore, #tpu.memory_space<semaphore_mem>>
      %dma_start3A_59 = arith.constant 0 : i32
      %dma_start3A_60 = tpu.memref_slice %arg2[%mul3A_2, %dma_start3A_59] : memref<2560x128xi32, #tpu.memory_space<hbm>> -> memref<80x128xi32, #tpu.memory_space<hbm>>
      %dma_start3A_61 = arith.constant 0 : i32
      %dma_start3A_62 = tpu.memref_slice %arg2[%mul3A_2, %dma_start3A_61] : memref<2560x128xi32, #tpu.memory_space<hbm>> -> memref<80x128xi32, #tpu.memory_space<hbm>>
      tpu.enqueue_dma source(%dma_start3A_62 : memref<80x128xi32, #tpu.memory_space<hbm>>) target(%arg7 : memref<80x128xi32, #tpu.memory_space<vmem>>) target_semaphore(%run_scoped3A : memref<!tpu.dma_semaphore, #tpu.memory_space<semaphore_mem>>)
      %dma_wait3A = arith.constant 0 : i32
      %dma_wait3A_63 = tpu.memref_slice %arg2[%mul3A_2, %dma_wait3A] : memref<2560x128xi32, #tpu.memory_space<hbm>> -> memref<80x128xi32, #tpu.memory_space<hbm>>
      %dma_wait3A_64 = arith.constant 0 : i32
      %dma_wait3A_65 = tpu.memref_slice %arg2[%mul3A_2, %dma_wait3A_64] : memref<2560x128xi32, #tpu.memory_space<hbm>> -> memref<80x128xi32, #tpu.memory_space<hbm>>
      tpu.wait_dma2 semaphore(%run_scoped3A : memref<!tpu.dma_semaphore, #tpu.memory_space<semaphore_mem>>) src(%dma_wait3A_65 : memref<80x128xi32, #tpu.memory_space<hbm>>) dst(%arg7 : memref<80x128xi32, #tpu.memory_space<vmem>>)
      tpu.yield
    }) : () -> ()
    "tpu.region"() ({
      %run_scoped3A = tpu.sem_alloc : memref<!tpu.dma_semaphore, #tpu.memory_space<semaphore_mem>>
      tpu.enqueue_dma source(%arg5 : memref<128x128xf32, #tpu.memory_space<hbm>>) target(%arg10 : memref<128x128xf32, #tpu.memory_space<vmem>>) target_semaphore(%run_scoped3A : memref<!tpu.dma_semaphore, #tpu.memory_space<semaphore_mem>>)
      tpu.wait_dma2 semaphore(%run_scoped3A : memref<!tpu.dma_semaphore, #tpu.memory_space<semaphore_mem>>) src(%arg5 : memref<128x128xf32, #tpu.memory_space<hbm>>) dst(%arg10 : memref<128x128xf32, #tpu.memory_space<vmem>>)
      tpu.yield
    }) : () -> ()
    %mul3A_3 = arith.constant 632 : i32
    %mul3A_4 = arith.muli %arg1, %mul3A_3 : i32
    %add3A_5 = arith.constant 0 : i32
    %add3A_6 = arith.addi %mul3A_4, %add3A_5 : i32
    "tpu.region"() ({
      %run_scoped3A = tpu.sem_alloc : memref<!tpu.dma_semaphore, #tpu.memory_space<semaphore_mem>>
      %dma_start3A_59 = arith.constant 0 : i32
      %dma_start3A_60 = tpu.memref_slice %arg12[%add3A_6, %dma_start3A_59] : memref<10112x128xf32, #tpu.memory_space<vmem_shared>> -> memref<128x128xf32, #tpu.memory_space<vmem_shared>>
      %dma_start3A_61 = arith.constant 0 : i32
      %dma_start3A_62 = tpu.memref_slice %arg12[%add3A_6, %dma_start3A_61] : memref<10112x128xf32, #tpu.memory_space<vmem_shared>> -> memref<128x128xf32, #tpu.memory_space<vmem_shared>>
      tpu.enqueue_dma source(%arg10 : memref<128x128xf32, #tpu.memory_space<vmem>>) target(%dma_start3A_62 : memref<128x128xf32, #tpu.memory_space<vmem_shared>>) target_semaphore(%run_scoped3A : memref<!tpu.dma_semaphore, #tpu.memory_space<semaphore_mem>>)
      %dma_wait3A = arith.constant 0 : i32
      %dma_wait3A_63 = tpu.memref_slice %arg12[%add3A_6, %dma_wait3A] : memref<10112x128xf32, #tpu.memory_space<vmem_shared>> -> memref<128x128xf32, #tpu.memory_space<vmem_shared>>
      %dma_wait3A_64 = arith.constant 0 : i32
      %dma_wait3A_65 = tpu.memref_slice %arg12[%add3A_6, %dma_wait3A_64] : memref<10112x128xf32, #tpu.memory_space<vmem_shared>> -> memref<128x128xf32, #tpu.memory_space<vmem_shared>>
      tpu.wait_dma2 semaphore(%run_scoped3A : memref<!tpu.dma_semaphore, #tpu.memory_space<semaphore_mem>>) src(%arg10 : memref<128x128xf32, #tpu.memory_space<vmem>>) dst(%dma_wait3A_65 : memref<128x128xf32, #tpu.memory_space<vmem_shared>>)
      tpu.yield
    }) : () -> ()
    %mul3A_7 = arith.constant 632 : i32
    %mul3A_8 = arith.muli %arg1, %mul3A_7 : i32
    %add3A_9 = arith.constant 128 : i32
    %add3A_10 = arith.addi %mul3A_8, %add3A_9 : i32
    "tpu.region"() ({
      %run_scoped3A = tpu.sem_alloc : memref<!tpu.dma_semaphore, #tpu.memory_space<semaphore_mem>>
      %dma_start3A_59 = arith.constant 0 : i32
      %dma_start3A_60 = tpu.memref_slice %arg12[%add3A_10, %dma_start3A_59] : memref<10112x128xf32, #tpu.memory_space<vmem_shared>> -> memref<128x128xf32, #tpu.memory_space<vmem_shared>>
      %dma_start3A_61 = arith.constant 0 : i32
      %dma_start3A_62 = tpu.memref_slice %arg12[%add3A_10, %dma_start3A_61] : memref<10112x128xf32, #tpu.memory_space<vmem_shared>> -> memref<128x128xf32, #tpu.memory_space<vmem_shared>>
      tpu.enqueue_dma source(%arg10 : memref<128x128xf32, #tpu.memory_space<vmem>>) target(%dma_start3A_62 : memref<128x128xf32, #tpu.memory_space<vmem_shared>>) target_semaphore(%run_scoped3A : memref<!tpu.dma_semaphore, #tpu.memory_space<semaphore_mem>>)
      %dma_wait3A = arith.constant 0 : i32
      %dma_wait3A_63 = tpu.memref_slice %arg12[%add3A_10, %dma_wait3A] : memref<10112x128xf32, #tpu.memory_space<vmem_shared>> -> memref<128x128xf32, #tpu.memory_space<vmem_shared>>
      %dma_wait3A_64 = arith.constant 0 : i32
      %dma_wait3A_65 = tpu.memref_slice %arg12[%add3A_10, %dma_wait3A_64] : memref<10112x128xf32, #tpu.memory_space<vmem_shared>> -> memref<128x128xf32, #tpu.memory_space<vmem_shared>>
      tpu.wait_dma2 semaphore(%run_scoped3A : memref<!tpu.dma_semaphore, #tpu.memory_space<semaphore_mem>>) src(%arg10 : memref<128x128xf32, #tpu.memory_space<vmem>>) dst(%dma_wait3A_65 : memref<128x128xf32, #tpu.memory_space<vmem_shared>>)
      tpu.yield
    }) : () -> ()
    %mul3A_11 = arith.constant 632 : i32
    %mul3A_12 = arith.muli %arg1, %mul3A_11 : i32
    %add3A_13 = arith.constant 256 : i32
    %add3A_14 = arith.addi %mul3A_12, %add3A_13 : i32
    "tpu.region"() ({
      %run_scoped3A = tpu.sem_alloc : memref<!tpu.dma_semaphore, #tpu.memory_space<semaphore_mem>>
      %dma_start3A_59 = arith.constant 0 : i32
      %dma_start3A_60 = tpu.memref_slice %arg12[%add3A_14, %dma_start3A_59] : memref<10112x128xf32, #tpu.memory_space<vmem_shared>> -> memref<128x128xf32, #tpu.memory_space<vmem_shared>>
      %dma_start3A_61 = arith.constant 0 : i32
      %dma_start3A_62 = tpu.memref_slice %arg12[%add3A_14, %dma_start3A_61] : memref<10112x128xf32, #tpu.memory_space<vmem_shared>> -> memref<128x128xf32, #tpu.memory_space<vmem_shared>>
      tpu.enqueue_dma source(%arg10 : memref<128x128xf32, #tpu.memory_space<vmem>>) target(%dma_start3A_62 : memref<128x128xf32, #tpu.memory_space<vmem_shared>>) target_semaphore(%run_scoped3A : memref<!tpu.dma_semaphore, #tpu.memory_space<semaphore_mem>>)
      %dma_wait3A = arith.constant 0 : i32
      %dma_wait3A_63 = tpu.memref_slice %arg12[%add3A_14, %dma_wait3A] : memref<10112x128xf32, #tpu.memory_space<vmem_shared>> -> memref<128x128xf32, #tpu.memory_space<vmem_shared>>
      %dma_wait3A_64 = arith.constant 0 : i32
      %dma_wait3A_65 = tpu.memref_slice %arg12[%add3A_14, %dma_wait3A_64] : memref<10112x128xf32, #tpu.memory_space<vmem_shared>> -> memref<128x128xf32, #tpu.memory_space<vmem_shared>>
      tpu.wait_dma2 semaphore(%run_scoped3A : memref<!tpu.dma_semaphore, #tpu.memory_space<semaphore_mem>>) src(%arg10 : memref<128x128xf32, #tpu.memory_space<vmem>>) dst(%dma_wait3A_65 : memref<128x128xf32, #tpu.memory_space<vmem_shared>>)
      tpu.yield
    }) : () -> ()
    %mul3A_15 = arith.constant 632 : i32
    %mul3A_16 = arith.muli %arg1, %mul3A_15 : i32
    %add3A_17 = arith.constant 384 : i32
    %add3A_18 = arith.addi %mul3A_16, %add3A_17 : i32
    "tpu.region"() ({
      %run_scoped3A = tpu.sem_alloc : memref<!tpu.dma_semaphore, #tpu.memory_space<semaphore_mem>>
      %dma_start3A_59 = arith.constant 0 : i32
      %dma_start3A_60 = tpu.memref_slice %arg12[%add3A_18, %dma_start3A_59] : memref<10112x128xf32, #tpu.memory_space<vmem_shared>> -> memref<128x128xf32, #tpu.memory_space<vmem_shared>>
      %dma_start3A_61 = arith.constant 0 : i32
      %dma_start3A_62 = tpu.memref_slice %arg12[%add3A_18, %dma_start3A_61] : memref<10112x128xf32, #tpu.memory_space<vmem_shared>> -> memref<128x128xf32, #tpu.memory_space<vmem_shared>>
      tpu.enqueue_dma source(%arg10 : memref<128x128xf32, #tpu.memory_space<vmem>>) target(%dma_start3A_62 : memref<128x128xf32, #tpu.memory_space<vmem_shared>>) target_semaphore(%run_scoped3A : memref<!tpu.dma_semaphore, #tpu.memory_space<semaphore_mem>>)
      %dma_wait3A = arith.constant 0 : i32
      %dma_wait3A_63 = tpu.memref_slice %arg12[%add3A_18, %dma_wait3A] : memref<10112x128xf32, #tpu.memory_space<vmem_shared>> -> memref<128x128xf32, #tpu.memory_space<vmem_shared>>
      %dma_wait3A_64 = arith.constant 0 : i32
      %dma_wait3A_65 = tpu.memref_slice %arg12[%add3A_18, %dma_wait3A_64] : memref<10112x128xf32, #tpu.memory_space<vmem_shared>> -> memref<128x128xf32, #tpu.memory_space<vmem_shared>>
      tpu.wait_dma2 semaphore(%run_scoped3A : memref<!tpu.dma_semaphore, #tpu.memory_space<semaphore_mem>>) src(%arg10 : memref<128x128xf32, #tpu.memory_space<vmem>>) dst(%dma_wait3A_65 : memref<128x128xf32, #tpu.memory_space<vmem_shared>>)
      tpu.yield
    }) : () -> ()
    %mul3A_19 = arith.constant 632 : i32
    %mul3A_20 = arith.muli %arg1, %mul3A_19 : i32
    %add3A_21 = arith.constant 512 : i32
    %add3A_22 = arith.addi %mul3A_20, %add3A_21 : i32
    "tpu.region"() ({
      %run_scoped3A = tpu.sem_alloc : memref<!tpu.dma_semaphore, #tpu.memory_space<semaphore_mem>>
      %dma_start3A_59 = arith.constant 0 : i32
      %dma_start3A_60 = arith.constant 0 : i32
      %dma_start3A_61 = tpu.memref_slice %arg10[%dma_start3A_59, %dma_start3A_60] : memref<128x128xf32, #tpu.memory_space<vmem>> -> memref<120x128xf32, #tpu.memory_space<vmem>>
      %dma_start3A_62 = arith.constant 0 : i32
      %dma_start3A_63 = tpu.memref_slice %arg12[%add3A_22, %dma_start3A_62] : memref<10112x128xf32, #tpu.memory_space<vmem_shared>> -> memref<120x128xf32, #tpu.memory_space<vmem_shared>>
      %dma_start3A_64 = arith.constant 0 : i32
      %dma_start3A_65 = tpu.memref_slice %arg12[%add3A_22, %dma_start3A_64] : memref<10112x128xf32, #tpu.memory_space<vmem_shared>> -> memref<120x128xf32, #tpu.memory_space<vmem_shared>>
      %dma_start3A_66 = arith.constant 0 : i32
      %dma_start3A_67 = arith.constant 0 : i32
      %dma_start3A_68 = tpu.memref_slice %arg10[%dma_start3A_66, %dma_start3A_67] : memref<128x128xf32, #tpu.memory_space<vmem>> -> memref<120x128xf32, #tpu.memory_space<vmem>>
      tpu.enqueue_dma source(%dma_start3A_68 : memref<120x128xf32, #tpu.memory_space<vmem>>) target(%dma_start3A_65 : memref<120x128xf32, #tpu.memory_space<vmem_shared>>) target_semaphore(%run_scoped3A : memref<!tpu.dma_semaphore, #tpu.memory_space<semaphore_mem>>)
      %dma_wait3A = arith.constant 0 : i32
      %dma_wait3A_69 = arith.constant 0 : i32
      %dma_wait3A_70 = tpu.memref_slice %arg10[%dma_wait3A, %dma_wait3A_69] : memref<128x128xf32, #tpu.memory_space<vmem>> -> memref<120x128xf32, #tpu.memory_space<vmem>>
      %dma_wait3A_71 = arith.constant 0 : i32
      %dma_wait3A_72 = tpu.memref_slice %arg12[%add3A_22, %dma_wait3A_71] : memref<10112x128xf32, #tpu.memory_space<vmem_shared>> -> memref<120x128xf32, #tpu.memory_space<vmem_shared>>
      %dma_wait3A_73 = arith.constant 0 : i32
      %dma_wait3A_74 = tpu.memref_slice %arg12[%add3A_22, %dma_wait3A_73] : memref<10112x128xf32, #tpu.memory_space<vmem_shared>> -> memref<120x128xf32, #tpu.memory_space<vmem_shared>>
      %dma_wait3A_75 = arith.constant 0 : i32
      %dma_wait3A_76 = arith.constant 0 : i32
      %dma_wait3A_77 = tpu.memref_slice %arg10[%dma_wait3A_75, %dma_wait3A_76] : memref<128x128xf32, #tpu.memory_space<vmem>> -> memref<120x128xf32, #tpu.memory_space<vmem>>
      tpu.wait_dma2 semaphore(%run_scoped3A : memref<!tpu.dma_semaphore, #tpu.memory_space<semaphore_mem>>) src(%dma_wait3A_77 : memref<120x128xf32, #tpu.memory_space<vmem>>) dst(%dma_wait3A_74 : memref<120x128xf32, #tpu.memory_space<vmem_shared>>)
      tpu.yield
    }) : () -> ()
    %barrier3A = arith.constant 0 : index
    tpu.barrier barrier_id(%barrier3A)
    %mul3A_23 = arith.constant 128 : i32
    %mul3A_24 = arith.muli %mul3A_2, %mul3A_23 : i32
    %dma_start3A = tpu.memref_slice %arg3[%mul3A_24] : memref<327680xi32, #tpu.memory_space<hbm>> -> memref<128xi32, #tpu.memory_space<hbm>>
    %dma_start3A_25 = tpu.memref_slice %arg3[%mul3A_24] : memref<327680xi32, #tpu.memory_space<hbm>> -> memref<128xi32, #tpu.memory_space<hbm>>
    tpu.enqueue_dma source(%dma_start3A_25 : memref<128xi32, #tpu.memory_space<hbm>>) target(%arg8 : memref<128xi32, #tpu.memory_space<vmem>>) target_semaphore(%arg15 : memref<!tpu.dma_semaphore, #tpu.memory_space<semaphore_mem>>)
    %dma_start3A_26 = arith.constant 0 : i32
    %dma_start3A_27 = arith.constant 0 : i32
    %dma_start3A_28 = tpu.memref_slice %arg7[%dma_start3A_26, %dma_start3A_27] : memref<80x128xi32, #tpu.memory_space<vmem>> -> memref<1x128xi32, #tpu.memory_space<vmem>>
    %dma_start3A_29 = tpu.memref_squeeze %dma_start3A_28 : memref<1x128xi32, #tpu.memory_space<vmem>> -> memref<128xi32, #tpu.memory_space<vmem>>
    %dma_start3A_30 = arith.constant 0 : i32
    %dma_start3A_31 = arith.constant 0 : i32
    %dma_start3A_32 = tpu.memref_slice %arg4[%dma_start3A_30, %dma_start3A_31] : memref<10112x128xf32, #tpu.memory_space<hbm>> -> memref<10112x128xf32, #tpu.memory_space<hbm>>
    tpu.enqueue_indirect_dma source(%dma_start3A_32 : memref<10112x128xf32, #tpu.memory_space<hbm>>) target(%arg10 : memref<128x128xf32, #tpu.memory_space<vmem>>) offsets(%dma_start3A_29 : memref<128xi32, #tpu.memory_space<vmem>>) semaphore(%arg13 : memref<!tpu.dma_semaphore, #tpu.memory_space<semaphore_mem>>)
    %scan3A = arith.constant 0 : i32
    %scan3A_33 = arith.constant 0 : i32
    %scan3A_34 = arith.constant 40 : i32
    %scan3A_35 = arith.addi %scan3A_33, %scan3A_34 : i32
    %scan3A_36 = arith.constant 1 : i32
    scf.for %scan3A_59 = %scan3A_33 to %scan3A_35 step %scan3A_36  : i32 {
      %mul3A_60 = arith.constant 2 : i32
      %mul3A_61 = arith.muli %mul3A_60, %scan3A_59 : i32
      %add3A_62 = arith.constant 1 : i32
      %add3A_63 = arith.addi %mul3A_61, %add3A_62 : i32
      %mul3A_64 = arith.constant 128 : i32
      %mul3A_65 = arith.muli %add3A_63, %mul3A_64 : i32
      %add3A_66 = arith.addi %mul3A_24, %mul3A_65 : i32
      %dma_start3A_67 = tpu.memref_slice %arg3[%add3A_66] : memref<327680xi32, #tpu.memory_space<hbm>> -> memref<128xi32, #tpu.memory_space<hbm>>
      %dma_start3A_68 = tpu.memref_slice %arg3[%add3A_66] : memref<327680xi32, #tpu.memory_space<hbm>> -> memref<128xi32, #tpu.memory_space<hbm>>
      tpu.enqueue_dma source(%dma_start3A_68 : memref<128xi32, #tpu.memory_space<hbm>>) target(%arg9 : memref<128xi32, #tpu.memory_space<vmem>>) target_semaphore(%arg16 : memref<!tpu.dma_semaphore, #tpu.memory_space<semaphore_mem>>)
      %add3A_69 = arith.constant 1 : i32
      %add3A_70 = arith.addi %mul3A_61, %add3A_69 : i32
      %dma_start3A_71 = arith.constant 0 : i32
      %dma_start3A_72 = tpu.memref_slice %arg7[%add3A_70, %dma_start3A_71] : memref<80x128xi32, #tpu.memory_space<vmem>> -> memref<1x128xi32, #tpu.memory_space<vmem>>
      %dma_start3A_73 = tpu.memref_squeeze %dma_start3A_72 : memref<1x128xi32, #tpu.memory_space<vmem>> -> memref<128xi32, #tpu.memory_space<vmem>>
      %dma_start3A_74 = arith.constant 0 : i32
      %dma_start3A_75 = arith.constant 0 : i32
      %dma_start3A_76 = tpu.memref_slice %arg4[%dma_start3A_74, %dma_start3A_75] : memref<10112x128xf32, #tpu.memory_space<hbm>> -> memref<10112x128xf32, #tpu.memory_space<hbm>>
      tpu.enqueue_indirect_dma source(%dma_start3A_76 : memref<10112x128xf32, #tpu.memory_space<hbm>>) target(%arg11 : memref<128x128xf32, #tpu.memory_space<vmem>>) offsets(%dma_start3A_73 : memref<128xi32, #tpu.memory_space<vmem>>) semaphore(%arg14 : memref<!tpu.dma_semaphore, #tpu.memory_space<semaphore_mem>>)
      %dma_wait3A = arith.constant 0 : i32
      %dma_wait3A_77 = tpu.memref_slice %arg7[%mul3A_61, %dma_wait3A] : memref<80x128xi32, #tpu.memory_space<vmem>> -> memref<1x128xi32, #tpu.memory_space<vmem>>
      %dma_wait3A_78 = tpu.memref_squeeze %dma_wait3A_77 : memref<1x128xi32, #tpu.memory_space<vmem>> -> memref<128xi32, #tpu.memory_space<vmem>>
      %dma_wait3A_79 = arith.constant 0 : i32
      %dma_wait3A_80 = arith.constant 0 : i32
      %dma_wait3A_81 = tpu.memref_slice %arg4[%dma_wait3A_79, %dma_wait3A_80] : memref<10112x128xf32, #tpu.memory_space<hbm>> -> memref<10112x128xf32, #tpu.memory_space<hbm>>
      tpu.wait_indirect_dma semaphore(%arg13 : memref<!tpu.dma_semaphore, #tpu.memory_space<semaphore_mem>>) src(%dma_wait3A_81 : memref<10112x128xf32, #tpu.memory_space<hbm>>) dst(%arg10 : memref<128x128xf32, #tpu.memory_space<vmem>>)
      %dma_wait3A_82 = tpu.memref_slice %arg3[%mul3A_24] : memref<327680xi32, #tpu.memory_space<hbm>> -> memref<128xi32, #tpu.memory_space<hbm>>
      %dma_wait3A_83 = tpu.memref_slice %arg3[%mul3A_24] : memref<327680xi32, #tpu.memory_space<hbm>> -> memref<128xi32, #tpu.memory_space<hbm>>
      tpu.wait_dma2 semaphore(%arg15 : memref<!tpu.dma_semaphore, #tpu.memory_space<semaphore_mem>>) src(%dma_wait3A_83 : memref<128xi32, #tpu.memory_space<hbm>>) dst(%arg8 : memref<128xi32, #tpu.memory_space<vmem>>)
      "tpu.region"() ({
        %run_scoped3A = tpu.sem_alloc : memref<!tpu.dma_semaphore, #tpu.memory_space<semaphore_mem>>
        %dma_start3A_98 = arith.constant 0 : i32
        %dma_start3A_99 = arith.constant 0 : i32
        %dma_start3A_100 = tpu.memref_slice %arg12[%dma_start3A_98, %dma_start3A_99] : memref<10112x128xf32, #tpu.memory_space<vmem_shared>> -> memref<10112x128xf32, #tpu.memory_space<vmem_shared>>
        tpu.enqueue_indirect_dma source(%arg10 : memref<128x128xf32, #tpu.memory_space<vmem>>) target(%dma_start3A_100 : memref<10112x128xf32, #tpu.memory_space<vmem_shared>>) offsets(%arg8 : memref<128xi32, #tpu.memory_space<vmem>>) semaphore(%run_scoped3A : memref<!tpu.dma_semaphore, #tpu.memory_space<semaphore_mem>>) {add = true}
        %dma_wait3A_101 = arith.constant 0 : i32
        %dma_wait3A_102 = arith.constant 0 : i32
        %dma_wait3A_103 = tpu.memref_slice %arg12[%dma_wait3A_101, %dma_wait3A_102] : memref<10112x128xf32, #tpu.memory_space<vmem_shared>> -> memref<10112x128xf32, #tpu.memory_space<vmem_shared>>
        tpu.wait_indirect_dma semaphore(%run_scoped3A : memref<!tpu.dma_semaphore, #tpu.memory_space<semaphore_mem>>) src(%arg10 : memref<128x128xf32, #tpu.memory_space<vmem>>) dst(%dma_wait3A_103 : memref<10112x128xf32, #tpu.memory_space<vmem_shared>>)
        tpu.yield
      }) : () -> ()
      %add3A_84 = arith.constant 2 : i32
      %add3A_85 = arith.addi %mul3A_61, %add3A_84 : i32
      %lt3A = arith.constant 80 : i32
      %lt3A_86 = arith.cmpi slt, %add3A_85, %lt3A : i32
      %convert_element_type3A = arith.extui %lt3A_86 : i1 to i32
      %cond3A = arith.constant 0 : i32
      %cond3A_87 = arith.cmpi ne, %convert_element_type3A, %cond3A : i32
      scf.if %cond3A_87 {
        %add3A_98 = arith.constant 2 : i32
        %add3A_99 = arith.addi %mul3A_61, %add3A_98 : i32
        %mul3A_100 = arith.constant 128 : i32
        %mul3A_101 = arith.muli %add3A_99, %mul3A_100 : i32
        %add3A_102 = arith.addi %mul3A_24, %mul3A_101 : i32
        %dma_start3A_103 = tpu.memref_slice %arg3[%add3A_102] : memref<327680xi32, #tpu.memory_space<hbm>> -> memref<128xi32, #tpu.memory_space<hbm>>
        %dma_start3A_104 = tpu.memref_slice %arg3[%add3A_102] : memref<327680xi32, #tpu.memory_space<hbm>> -> memref<128xi32, #tpu.memory_space<hbm>>
        tpu.enqueue_dma source(%dma_start3A_104 : memref<128xi32, #tpu.memory_space<hbm>>) target(%arg8 : memref<128xi32, #tpu.memory_space<vmem>>) target_semaphore(%arg15 : memref<!tpu.dma_semaphore, #tpu.memory_space<semaphore_mem>>)
        %add3A_105 = arith.constant 2 : i32
        %add3A_106 = arith.addi %mul3A_61, %add3A_105 : i32
        %dma_start3A_107 = arith.constant 0 : i32
        %dma_start3A_108 = tpu.memref_slice %arg7[%add3A_106, %dma_start3A_107] : memref<80x128xi32, #tpu.memory_space<vmem>> -> memref<1x128xi32, #tpu.memory_space<vmem>>
        %dma_start3A_109 = tpu.memref_squeeze %dma_start3A_108 : memref<1x128xi32, #tpu.memory_space<vmem>> -> memref<128xi32, #tpu.memory_space<vmem>>
        %dma_start3A_110 = arith.constant 0 : i32
        %dma_start3A_111 = arith.constant 0 : i32
        %dma_start3A_112 = tpu.memref_slice %arg4[%dma_start3A_110, %dma_start3A_111] : memref<10112x128xf32, #tpu.memory_space<hbm>> -> memref<10112x128xf32, #tpu.memory_space<hbm>>
        tpu.enqueue_indirect_dma source(%dma_start3A_112 : memref<10112x128xf32, #tpu.memory_space<hbm>>) target(%arg10 : memref<128x128xf32, #tpu.memory_space<vmem>>) offsets(%dma_start3A_109 : memref<128xi32, #tpu.memory_space<vmem>>) semaphore(%arg13 : memref<!tpu.dma_semaphore, #tpu.memory_space<semaphore_mem>>)
      } else {
      }
      %add3A_88 = arith.constant 1 : i32
      %add3A_89 = arith.addi %mul3A_61, %add3A_88 : i32
      %dma_wait3A_90 = arith.constant 0 : i32
      %dma_wait3A_91 = tpu.memref_slice %arg7[%add3A_89, %dma_wait3A_90] : memref<80x128xi32, #tpu.memory_space<vmem>> -> memref<1x128xi32, #tpu.memory_space<vmem>>
      %dma_wait3A_92 = tpu.memref_squeeze %dma_wait3A_91 : memref<1x128xi32, #tpu.memory_space<vmem>> -> memref<128xi32, #tpu.memory_space<vmem>>
      %dma_wait3A_93 = arith.constant 0 : i32
      %dma_wait3A_94 = arith.constant 0 : i32
      %dma_wait3A_95 = tpu.memref_slice %arg4[%dma_wait3A_93, %dma_wait3A_94] : memref<10112x128xf32, #tpu.memory_space<hbm>> -> memref<10112x128xf32, #tpu.memory_space<hbm>>
      tpu.wait_indirect_dma semaphore(%arg14 : memref<!tpu.dma_semaphore, #tpu.memory_space<semaphore_mem>>) src(%dma_wait3A_95 : memref<10112x128xf32, #tpu.memory_space<hbm>>) dst(%arg11 : memref<128x128xf32, #tpu.memory_space<vmem>>)
      %dma_wait3A_96 = tpu.memref_slice %arg3[%mul3A_24] : memref<327680xi32, #tpu.memory_space<hbm>> -> memref<128xi32, #tpu.memory_space<hbm>>
      %dma_wait3A_97 = tpu.memref_slice %arg3[%mul3A_24] : memref<327680xi32, #tpu.memory_space<hbm>> -> memref<128xi32, #tpu.memory_space<hbm>>
      tpu.wait_dma2 semaphore(%arg16 : memref<!tpu.dma_semaphore, #tpu.memory_space<semaphore_mem>>) src(%dma_wait3A_97 : memref<128xi32, #tpu.memory_space<hbm>>) dst(%arg9 : memref<128xi32, #tpu.memory_space<vmem>>)
      "tpu.region"() ({
        %run_scoped3A = tpu.sem_alloc : memref<!tpu.dma_semaphore, #tpu.memory_space<semaphore_mem>>
        %dma_start3A_98 = arith.constant 0 : i32
        %dma_start3A_99 = arith.constant 0 : i32
        %dma_start3A_100 = tpu.memref_slice %arg12[%dma_start3A_98, %dma_start3A_99] : memref<10112x128xf32, #tpu.memory_space<vmem_shared>> -> memref<10112x128xf32, #tpu.memory_space<vmem_shared>>
        tpu.enqueue_indirect_dma source(%arg11 : memref<128x128xf32, #tpu.memory_space<vmem>>) target(%dma_start3A_100 : memref<10112x128xf32, #tpu.memory_space<vmem_shared>>) offsets(%arg9 : memref<128xi32, #tpu.memory_space<vmem>>) semaphore(%run_scoped3A : memref<!tpu.dma_semaphore, #tpu.memory_space<semaphore_mem>>) {add = true}
        %dma_wait3A_101 = arith.constant 0 : i32
        %dma_wait3A_102 = arith.constant 0 : i32
        %dma_wait3A_103 = tpu.memref_slice %arg12[%dma_wait3A_101, %dma_wait3A_102] : memref<10112x128xf32, #tpu.memory_space<vmem_shared>> -> memref<10112x128xf32, #tpu.memory_space<vmem_shared>>
        tpu.wait_indirect_dma semaphore(%run_scoped3A : memref<!tpu.dma_semaphore, #tpu.memory_space<semaphore_mem>>) src(%arg11 : memref<128x128xf32, #tpu.memory_space<vmem>>) dst(%dma_wait3A_103 : memref<10112x128xf32, #tpu.memory_space<vmem_shared>>)
        tpu.yield
      }) : () -> ()
    }
    %scan3A_37 = arith.constant 40 : i32
    %barrier3A_38 = arith.constant 0 : index
    tpu.barrier barrier_id(%barrier3A_38)
    %mul3A_39 = arith.constant 632 : i32
    %mul3A_40 = arith.muli %arg1, %mul3A_39 : i32
    %add3A_41 = arith.constant 0 : i32
    %add3A_42 = arith.addi %mul3A_40, %add3A_41 : i32
    "tpu.region"() ({
      %run_scoped3A = tpu.sem_alloc : memref<!tpu.dma_semaphore, #tpu.memory_space<semaphore_mem>>
      %dma_start3A_59 = arith.constant 0 : i32
      %dma_start3A_60 = tpu.memref_slice %arg12[%add3A_42, %dma_start3A_59] : memref<10112x128xf32, #tpu.memory_space<vmem_shared>> -> memref<128x128xf32, #tpu.memory_space<vmem_shared>>
      %dma_start3A_61 = arith.constant 0 : i32
      %dma_start3A_62 = tpu.memref_slice %arg12[%add3A_42, %dma_start3A_61] : memref<10112x128xf32, #tpu.memory_space<vmem_shared>> -> memref<128x128xf32, #tpu.memory_space<vmem_shared>>
      tpu.enqueue_dma source(%dma_start3A_62 : memref<128x128xf32, #tpu.memory_space<vmem_shared>>) target(%arg10 : memref<128x128xf32, #tpu.memory_space<vmem>>) target_semaphore(%run_scoped3A : memref<!tpu.dma_semaphore, #tpu.memory_space<semaphore_mem>>)
      %dma_wait3A = arith.constant 0 : i32
      %dma_wait3A_63 = tpu.memref_slice %arg12[%add3A_42, %dma_wait3A] : memref<10112x128xf32, #tpu.memory_space<vmem_shared>> -> memref<128x128xf32, #tpu.memory_space<vmem_shared>>
      %dma_wait3A_64 = arith.constant 0 : i32
      %dma_wait3A_65 = tpu.memref_slice %arg12[%add3A_42, %dma_wait3A_64] : memref<10112x128xf32, #tpu.memory_space<vmem_shared>> -> memref<128x128xf32, #tpu.memory_space<vmem_shared>>
      tpu.wait_dma2 semaphore(%run_scoped3A : memref<!tpu.dma_semaphore, #tpu.memory_space<semaphore_mem>>) src(%dma_wait3A_65 : memref<128x128xf32, #tpu.memory_space<vmem_shared>>) dst(%arg10 : memref<128x128xf32, #tpu.memory_space<vmem>>)
      tpu.yield
    }) : () -> ()
    "tpu.region"() ({
      %run_scoped3A = tpu.sem_alloc : memref<!tpu.dma_semaphore, #tpu.memory_space<semaphore_mem>>
      %dma_start3A_59 = arith.constant 0 : i32
      %dma_start3A_60 = arith.constant 0 : i32
      %dma_start3A_61 = tpu.memref_slice %arg6[%arg0, %dma_start3A_59, %dma_start3A_60] : memref<2x10112x128xf32, #tpu.memory_space<hbm>> -> memref<1x10112x128xf32, #tpu.memory_space<hbm>>
      %dma_start3A_62 = tpu.memref_squeeze %dma_start3A_61 : memref<1x10112x128xf32, #tpu.memory_space<hbm>> -> memref<10112x128xf32, #tpu.memory_space<hbm>>
      %dma_start3A_63 = arith.constant 0 : i32
      %dma_start3A_64 = tpu.memref_slice %dma_start3A_62[%add3A_42, %dma_start3A_63] : memref<10112x128xf32, #tpu.memory_space<hbm>> -> memref<128x128xf32, #tpu.memory_space<hbm>>
      %dma_start3A_65 = arith.constant 0 : i32
      %dma_start3A_66 = arith.constant 0 : i32
      %dma_start3A_67 = tpu.memref_slice %arg6[%arg0, %dma_start3A_65, %dma_start3A_66] : memref<2x10112x128xf32, #tpu.memory_space<hbm>> -> memref<1x10112x128xf32, #tpu.memory_space<hbm>>
      %dma_start3A_68 = tpu.memref_squeeze %dma_start3A_67 : memref<1x10112x128xf32, #tpu.memory_space<hbm>> -> memref<10112x128xf32, #tpu.memory_space<hbm>>
      %dma_start3A_69 = arith.constant 0 : i32
      %dma_start3A_70 = tpu.memref_slice %dma_start3A_68[%add3A_42, %dma_start3A_69] : memref<10112x128xf32, #tpu.memory_space<hbm>> -> memref<128x128xf32, #tpu.memory_space<hbm>>
      tpu.enqueue_dma source(%arg10 : memref<128x128xf32, #tpu.memory_space<vmem>>) target(%dma_start3A_70 : memref<128x128xf32, #tpu.memory_space<hbm>>) target_semaphore(%run_scoped3A : memref<!tpu.dma_semaphore, #tpu.memory_space<semaphore_mem>>)
      %dma_wait3A = arith.constant 0 : i32
      %dma_wait3A_71 = arith.constant 0 : i32
      %dma_wait3A_72 = tpu.memref_slice %arg6[%arg0, %dma_wait3A, %dma_wait3A_71] : memref<2x10112x128xf32, #tpu.memory_space<hbm>> -> memref<1x10112x128xf32, #tpu.memory_space<hbm>>
      %dma_wait3A_73 = tpu.memref_squeeze %dma_wait3A_72 : memref<1x10112x128xf32, #tpu.memory_space<hbm>> -> memref<10112x128xf32, #tpu.memory_space<hbm>>
      %dma_wait3A_74 = arith.constant 0 : i32
      %dma_wait3A_75 = tpu.memref_slice %dma_wait3A_73[%add3A_42, %dma_wait3A_74] : memref<10112x128xf32, #tpu.memory_space<hbm>> -> memref<128x128xf32, #tpu.memory_space<hbm>>
      %dma_wait3A_76 = arith.constant 0 : i32
      %dma_wait3A_77 = arith.constant 0 : i32
      %dma_wait3A_78 = tpu.memref_slice %arg6[%arg0, %dma_wait3A_76, %dma_wait3A_77] : memref<2x10112x128xf32, #tpu.memory_space<hbm>> -> memref<1x10112x128xf32, #tpu.memory_space<hbm>>
      %dma_wait3A_79 = tpu.memref_squeeze %dma_wait3A_78 : memref<1x10112x128xf32, #tpu.memory_space<hbm>> -> memref<10112x128xf32, #tpu.memory_space<hbm>>
      %dma_wait3A_80 = arith.constant 0 : i32
      %dma_wait3A_81 = tpu.memref_slice %dma_wait3A_79[%add3A_42, %dma_wait3A_80] : memref<10112x128xf32, #tpu.memory_space<hbm>> -> memref<128x128xf32, #tpu.memory_space<hbm>>
      tpu.wait_dma2 semaphore(%run_scoped3A : memref<!tpu.dma_semaphore, #tpu.memory_space<semaphore_mem>>) src(%arg10 : memref<128x128xf32, #tpu.memory_space<vmem>>) dst(%dma_wait3A_81 : memref<128x128xf32, #tpu.memory_space<hbm>>)
      tpu.yield
    }) : () -> ()
    %mul3A_43 = arith.constant 632 : i32
    %mul3A_44 = arith.muli %arg1, %mul3A_43 : i32
    %add3A_45 = arith.constant 128 : i32
    %add3A_46 = arith.addi %mul3A_44, %add3A_45 : i32
    "tpu.region"() ({
      %run_scoped3A = tpu.sem_alloc : memref<!tpu.dma_semaphore, #tpu.memory_space<semaphore_mem>>
      %dma_start3A_59 = arith.constant 0 : i32
      %dma_start3A_60 = tpu.memref_slice %arg12[%add3A_46, %dma_start3A_59] : memref<10112x128xf32, #tpu.memory_space<vmem_shared>> -> memref<128x128xf32, #tpu.memory_space<vmem_shared>>
      %dma_start3A_61 = arith.constant 0 : i32
      %dma_start3A_62 = tpu.memref_slice %arg12[%add3A_46, %dma_start3A_61] : memref<10112x128xf32, #tpu.memory_space<vmem_shared>> -> memref<128x128xf32, #tpu.memory_space<vmem_shared>>
      tpu.enqueue_dma source(%dma_start3A_62 : memref<128x128xf32, #tpu.memory_space<vmem_shared>>) target(%arg10 : memref<128x128xf32, #tpu.memory_space<vmem>>) target_semaphore(%run_scoped3A : memref<!tpu.dma_semaphore, #tpu.memory_space<semaphore_mem>>)
      %dma_wait3A = arith.constant 0 : i32
      %dma_wait3A_63 = tpu.memref_slice %arg12[%add3A_46, %dma_wait3A] : memref<10112x128xf32, #tpu.memory_space<vmem_shared>> -> memref<128x128xf32, #tpu.memory_space<vmem_shared>>
      %dma_wait3A_64 = arith.constant 0 : i32
      %dma_wait3A_65 = tpu.memref_slice %arg12[%add3A_46, %dma_wait3A_64] : memref<10112x128xf32, #tpu.memory_space<vmem_shared>> -> memref<128x128xf32, #tpu.memory_space<vmem_shared>>
      tpu.wait_dma2 semaphore(%run_scoped3A : memref<!tpu.dma_semaphore, #tpu.memory_space<semaphore_mem>>) src(%dma_wait3A_65 : memref<128x128xf32, #tpu.memory_space<vmem_shared>>) dst(%arg10 : memref<128x128xf32, #tpu.memory_space<vmem>>)
      tpu.yield
    }) : () -> ()
    "tpu.region"() ({
      %run_scoped3A = tpu.sem_alloc : memref<!tpu.dma_semaphore, #tpu.memory_space<semaphore_mem>>
      %dma_start3A_59 = arith.constant 0 : i32
      %dma_start3A_60 = arith.constant 0 : i32
      %dma_start3A_61 = tpu.memref_slice %arg6[%arg0, %dma_start3A_59, %dma_start3A_60] : memref<2x10112x128xf32, #tpu.memory_space<hbm>> -> memref<1x10112x128xf32, #tpu.memory_space<hbm>>
      %dma_start3A_62 = tpu.memref_squeeze %dma_start3A_61 : memref<1x10112x128xf32, #tpu.memory_space<hbm>> -> memref<10112x128xf32, #tpu.memory_space<hbm>>
      %dma_start3A_63 = arith.constant 0 : i32
      %dma_start3A_64 = tpu.memref_slice %dma_start3A_62[%add3A_46, %dma_start3A_63] : memref<10112x128xf32, #tpu.memory_space<hbm>> -> memref<128x128xf32, #tpu.memory_space<hbm>>
      %dma_start3A_65 = arith.constant 0 : i32
      %dma_start3A_66 = arith.constant 0 : i32
      %dma_start3A_67 = tpu.memref_slice %arg6[%arg0, %dma_start3A_65, %dma_start3A_66] : memref<2x10112x128xf32, #tpu.memory_space<hbm>> -> memref<1x10112x128xf32, #tpu.memory_space<hbm>>
      %dma_start3A_68 = tpu.memref_squeeze %dma_start3A_67 : memref<1x10112x128xf32, #tpu.memory_space<hbm>> -> memref<10112x128xf32, #tpu.memory_space<hbm>>
      %dma_start3A_69 = arith.constant 0 : i32
      %dma_start3A_70 = tpu.memref_slice %dma_start3A_68[%add3A_46, %dma_start3A_69] : memref<10112x128xf32, #tpu.memory_space<hbm>> -> memref<128x128xf32, #tpu.memory_space<hbm>>
      tpu.enqueue_dma source(%arg10 : memref<128x128xf32, #tpu.memory_space<vmem>>) target(%dma_start3A_70 : memref<128x128xf32, #tpu.memory_space<hbm>>) target_semaphore(%run_scoped3A : memref<!tpu.dma_semaphore, #tpu.memory_space<semaphore_mem>>)
      %dma_wait3A = arith.constant 0 : i32
      %dma_wait3A_71 = arith.constant 0 : i32
      %dma_wait3A_72 = tpu.memref_slice %arg6[%arg0, %dma_wait3A, %dma_wait3A_71] : memref<2x10112x128xf32, #tpu.memory_space<hbm>> -> memref<1x10112x128xf32, #tpu.memory_space<hbm>>
      %dma_wait3A_73 = tpu.memref_squeeze %dma_wait3A_72 : memref<1x10112x128xf32, #tpu.memory_space<hbm>> -> memref<10112x128xf32, #tpu.memory_space<hbm>>
      %dma_wait3A_74 = arith.constant 0 : i32
      %dma_wait3A_75 = tpu.memref_slice %dma_wait3A_73[%add3A_46, %dma_wait3A_74] : memref<10112x128xf32, #tpu.memory_space<hbm>> -> memref<128x128xf32, #tpu.memory_space<hbm>>
      %dma_wait3A_76 = arith.constant 0 : i32
      %dma_wait3A_77 = arith.constant 0 : i32
      %dma_wait3A_78 = tpu.memref_slice %arg6[%arg0, %dma_wait3A_76, %dma_wait3A_77] : memref<2x10112x128xf32, #tpu.memory_space<hbm>> -> memref<1x10112x128xf32, #tpu.memory_space<hbm>>
      %dma_wait3A_79 = tpu.memref_squeeze %dma_wait3A_78 : memref<1x10112x128xf32, #tpu.memory_space<hbm>> -> memref<10112x128xf32, #tpu.memory_space<hbm>>
      %dma_wait3A_80 = arith.constant 0 : i32
      %dma_wait3A_81 = tpu.memref_slice %dma_wait3A_79[%add3A_46, %dma_wait3A_80] : memref<10112x128xf32, #tpu.memory_space<hbm>> -> memref<128x128xf32, #tpu.memory_space<hbm>>
      tpu.wait_dma2 semaphore(%run_scoped3A : memref<!tpu.dma_semaphore, #tpu.memory_space<semaphore_mem>>) src(%arg10 : memref<128x128xf32, #tpu.memory_space<vmem>>) dst(%dma_wait3A_81 : memref<128x128xf32, #tpu.memory_space<hbm>>)
      tpu.yield
    }) : () -> ()
    %mul3A_47 = arith.constant 632 : i32
    %mul3A_48 = arith.muli %arg1, %mul3A_47 : i32
    %add3A_49 = arith.constant 256 : i32
    %add3A_50 = arith.addi %mul3A_48, %add3A_49 : i32
    "tpu.region"() ({
      %run_scoped3A = tpu.sem_alloc : memref<!tpu.dma_semaphore, #tpu.memory_space<semaphore_mem>>
      %dma_start3A_59 = arith.constant 0 : i32
      %dma_start3A_60 = tpu.memref_slice %arg12[%add3A_50, %dma_start3A_59] : memref<10112x128xf32, #tpu.memory_space<vmem_shared>> -> memref<128x128xf32, #tpu.memory_space<vmem_shared>>
      %dma_start3A_61 = arith.constant 0 : i32
      %dma_start3A_62 = tpu.memref_slice %arg12[%add3A_50, %dma_start3A_61] : memref<10112x128xf32, #tpu.memory_space<vmem_shared>> -> memref<128x128xf32, #tpu.memory_space<vmem_shared>>
      tpu.enqueue_dma source(%dma_start3A_62 : memref<128x128xf32, #tpu.memory_space<vmem_shared>>) target(%arg10 : memref<128x128xf32, #tpu.memory_space<vmem>>) target_semaphore(%run_scoped3A : memref<!tpu.dma_semaphore, #tpu.memory_space<semaphore_mem>>)
      %dma_wait3A = arith.constant 0 : i32
      %dma_wait3A_63 = tpu.memref_slice %arg12[%add3A_50, %dma_wait3A] : memref<10112x128xf32, #tpu.memory_space<vmem_shared>> -> memref<128x128xf32, #tpu.memory_space<vmem_shared>>
      %dma_wait3A_64 = arith.constant 0 : i32
      %dma_wait3A_65 = tpu.memref_slice %arg12[%add3A_50, %dma_wait3A_64] : memref<10112x128xf32, #tpu.memory_space<vmem_shared>> -> memref<128x128xf32, #tpu.memory_space<vmem_shared>>
      tpu.wait_dma2 semaphore(%run_scoped3A : memref<!tpu.dma_semaphore, #tpu.memory_space<semaphore_mem>>) src(%dma_wait3A_65 : memref<128x128xf32, #tpu.memory_space<vmem_shared>>) dst(%arg10 : memref<128x128xf32, #tpu.memory_space<vmem>>)
      tpu.yield
    }) : () -> ()
    "tpu.region"() ({
      %run_scoped3A = tpu.sem_alloc : memref<!tpu.dma_semaphore, #tpu.memory_space<semaphore_mem>>
      %dma_start3A_59 = arith.constant 0 : i32
      %dma_start3A_60 = arith.constant 0 : i32
      %dma_start3A_61 = tpu.memref_slice %arg6[%arg0, %dma_start3A_59, %dma_start3A_60] : memref<2x10112x128xf32, #tpu.memory_space<hbm>> -> memref<1x10112x128xf32, #tpu.memory_space<hbm>>
      %dma_start3A_62 = tpu.memref_squeeze %dma_start3A_61 : memref<1x10112x128xf32, #tpu.memory_space<hbm>> -> memref<10112x128xf32, #tpu.memory_space<hbm>>
      %dma_start3A_63 = arith.constant 0 : i32
      %dma_start3A_64 = tpu.memref_slice %dma_start3A_62[%add3A_50, %dma_start3A_63] : memref<10112x128xf32, #tpu.memory_space<hbm>> -> memref<128x128xf32, #tpu.memory_space<hbm>>
      %dma_start3A_65 = arith.constant 0 : i32
      %dma_start3A_66 = arith.constant 0 : i32
      %dma_start3A_67 = tpu.memref_slice %arg6[%arg0, %dma_start3A_65, %dma_start3A_66] : memref<2x10112x128xf32, #tpu.memory_space<hbm>> -> memref<1x10112x128xf32, #tpu.memory_space<hbm>>
      %dma_start3A_68 = tpu.memref_squeeze %dma_start3A_67 : memref<1x10112x128xf32, #tpu.memory_space<hbm>> -> memref<10112x128xf32, #tpu.memory_space<hbm>>
      %dma_start3A_69 = arith.constant 0 : i32
      %dma_start3A_70 = tpu.memref_slice %dma_start3A_68[%add3A_50, %dma_start3A_69] : memref<10112x128xf32, #tpu.memory_space<hbm>> -> memref<128x128xf32, #tpu.memory_space<hbm>>
      tpu.enqueue_dma source(%arg10 : memref<128x128xf32, #tpu.memory_space<vmem>>) target(%dma_start3A_70 : memref<128x128xf32, #tpu.memory_space<hbm>>) target_semaphore(%run_scoped3A : memref<!tpu.dma_semaphore, #tpu.memory_space<semaphore_mem>>)
      %dma_wait3A = arith.constant 0 : i32
      %dma_wait3A_71 = arith.constant 0 : i32
      %dma_wait3A_72 = tpu.memref_slice %arg6[%arg0, %dma_wait3A, %dma_wait3A_71] : memref<2x10112x128xf32, #tpu.memory_space<hbm>> -> memref<1x10112x128xf32, #tpu.memory_space<hbm>>
      %dma_wait3A_73 = tpu.memref_squeeze %dma_wait3A_72 : memref<1x10112x128xf32, #tpu.memory_space<hbm>> -> memref<10112x128xf32, #tpu.memory_space<hbm>>
      %dma_wait3A_74 = arith.constant 0 : i32
      %dma_wait3A_75 = tpu.memref_slice %dma_wait3A_73[%add3A_50, %dma_wait3A_74] : memref<10112x128xf32, #tpu.memory_space<hbm>> -> memref<128x128xf32, #tpu.memory_space<hbm>>
      %dma_wait3A_76 = arith.constant 0 : i32
      %dma_wait3A_77 = arith.constant 0 : i32
      %dma_wait3A_78 = tpu.memref_slice %arg6[%arg0, %dma_wait3A_76, %dma_wait3A_77] : memref<2x10112x128xf32, #tpu.memory_space<hbm>> -> memref<1x10112x128xf32, #tpu.memory_space<hbm>>
      %dma_wait3A_79 = tpu.memref_squeeze %dma_wait3A_78 : memref<1x10112x128xf32, #tpu.memory_space<hbm>> -> memref<10112x128xf32, #tpu.memory_space<hbm>>
      %dma_wait3A_80 = arith.constant 0 : i32
      %dma_wait3A_81 = tpu.memref_slice %dma_wait3A_79[%add3A_50, %dma_wait3A_80] : memref<10112x128xf32, #tpu.memory_space<hbm>> -> memref<128x128xf32, #tpu.memory_space<hbm>>
      tpu.wait_dma2 semaphore(%run_scoped3A : memref<!tpu.dma_semaphore, #tpu.memory_space<semaphore_mem>>) src(%arg10 : memref<128x128xf32, #tpu.memory_space<vmem>>) dst(%dma_wait3A_81 : memref<128x128xf32, #tpu.memory_space<hbm>>)
      tpu.yield
    }) : () -> ()
    %mul3A_51 = arith.constant 632 : i32
    %mul3A_52 = arith.muli %arg1, %mul3A_51 : i32
    %add3A_53 = arith.constant 384 : i32
    %add3A_54 = arith.addi %mul3A_52, %add3A_53 : i32
    "tpu.region"() ({
      %run_scoped3A = tpu.sem_alloc : memref<!tpu.dma_semaphore, #tpu.memory_space<semaphore_mem>>
      %dma_start3A_59 = arith.constant 0 : i32
      %dma_start3A_60 = tpu.memref_slice %arg12[%add3A_54, %dma_start3A_59] : memref<10112x128xf32, #tpu.memory_space<vmem_shared>> -> memref<128x128xf32, #tpu.memory_space<vmem_shared>>
      %dma_start3A_61 = arith.constant 0 : i32
      %dma_start3A_62 = tpu.memref_slice %arg12[%add3A_54, %dma_start3A_61] : memref<10112x128xf32, #tpu.memory_space<vmem_shared>> -> memref<128x128xf32, #tpu.memory_space<vmem_shared>>
      tpu.enqueue_dma source(%dma_start3A_62 : memref<128x128xf32, #tpu.memory_space<vmem_shared>>) target(%arg10 : memref<128x128xf32, #tpu.memory_space<vmem>>) target_semaphore(%run_scoped3A : memref<!tpu.dma_semaphore, #tpu.memory_space<semaphore_mem>>)
      %dma_wait3A = arith.constant 0 : i32
      %dma_wait3A_63 = tpu.memref_slice %arg12[%add3A_54, %dma_wait3A] : memref<10112x128xf32, #tpu.memory_space<vmem_shared>> -> memref<128x128xf32, #tpu.memory_space<vmem_shared>>
      %dma_wait3A_64 = arith.constant 0 : i32
      %dma_wait3A_65 = tpu.memref_slice %arg12[%add3A_54, %dma_wait3A_64] : memref<10112x128xf32, #tpu.memory_space<vmem_shared>> -> memref<128x128xf32, #tpu.memory_space<vmem_shared>>
      tpu.wait_dma2 semaphore(%run_scoped3A : memref<!tpu.dma_semaphore, #tpu.memory_space<semaphore_mem>>) src(%dma_wait3A_65 : memref<128x128xf32, #tpu.memory_space<vmem_shared>>) dst(%arg10 : memref<128x128xf32, #tpu.memory_space<vmem>>)
      tpu.yield
    }) : () -> ()
    "tpu.region"() ({
      %run_scoped3A = tpu.sem_alloc : memref<!tpu.dma_semaphore, #tpu.memory_space<semaphore_mem>>
      %dma_start3A_59 = arith.constant 0 : i32
      %dma_start3A_60 = arith.constant 0 : i32
      %dma_start3A_61 = tpu.memref_slice %arg6[%arg0, %dma_start3A_59, %dma_start3A_60] : memref<2x10112x128xf32, #tpu.memory_space<hbm>> -> memref<1x10112x128xf32, #tpu.memory_space<hbm>>
      %dma_start3A_62 = tpu.memref_squeeze %dma_start3A_61 : memref<1x10112x128xf32, #tpu.memory_space<hbm>> -> memref<10112x128xf32, #tpu.memory_space<hbm>>
      %dma_start3A_63 = arith.constant 0 : i32
      %dma_start3A_64 = tpu.memref_slice %dma_start3A_62[%add3A_54, %dma_start3A_63] : memref<10112x128xf32, #tpu.memory_space<hbm>> -> memref<128x128xf32, #tpu.memory_space<hbm>>
      %dma_start3A_65 = arith.constant 0 : i32
      %dma_start3A_66 = arith.constant 0 : i32
      %dma_start3A_67 = tpu.memref_slice %arg6[%arg0, %dma_start3A_65, %dma_start3A_66] : memref<2x10112x128xf32, #tpu.memory_space<hbm>> -> memref<1x10112x128xf32, #tpu.memory_space<hbm>>
      %dma_start3A_68 = tpu.memref_squeeze %dma_start3A_67 : memref<1x10112x128xf32, #tpu.memory_space<hbm>> -> memref<10112x128xf32, #tpu.memory_space<hbm>>
      %dma_start3A_69 = arith.constant 0 : i32
      %dma_start3A_70 = tpu.memref_slice %dma_start3A_68[%add3A_54, %dma_start3A_69] : memref<10112x128xf32, #tpu.memory_space<hbm>> -> memref<128x128xf32, #tpu.memory_space<hbm>>
      tpu.enqueue_dma source(%arg10 : memref<128x128xf32, #tpu.memory_space<vmem>>) target(%dma_start3A_70 : memref<128x128xf32, #tpu.memory_space<hbm>>) target_semaphore(%run_scoped3A : memref<!tpu.dma_semaphore, #tpu.memory_space<semaphore_mem>>)
      %dma_wait3A = arith.constant 0 : i32
      %dma_wait3A_71 = arith.constant 0 : i32
      %dma_wait3A_72 = tpu.memref_slice %arg6[%arg0, %dma_wait3A, %dma_wait3A_71] : memref<2x10112x128xf32, #tpu.memory_space<hbm>> -> memref<1x10112x128xf32, #tpu.memory_space<hbm>>
      %dma_wait3A_73 = tpu.memref_squeeze %dma_wait3A_72 : memref<1x10112x128xf32, #tpu.memory_space<hbm>> -> memref<10112x128xf32, #tpu.memory_space<hbm>>
      %dma_wait3A_74 = arith.constant 0 : i32
      %dma_wait3A_75 = tpu.memref_slice %dma_wait3A_73[%add3A_54, %dma_wait3A_74] : memref<10112x128xf32, #tpu.memory_space<hbm>> -> memref<128x128xf32, #tpu.memory_space<hbm>>
      %dma_wait3A_76 = arith.constant 0 : i32
      %dma_wait3A_77 = arith.constant 0 : i32
      %dma_wait3A_78 = tpu.memref_slice %arg6[%arg0, %dma_wait3A_76, %dma_wait3A_77] : memref<2x10112x128xf32, #tpu.memory_space<hbm>> -> memref<1x10112x128xf32, #tpu.memory_space<hbm>>
      %dma_wait3A_79 = tpu.memref_squeeze %dma_wait3A_78 : memref<1x10112x128xf32, #tpu.memory_space<hbm>> -> memref<10112x128xf32, #tpu.memory_space<hbm>>
      %dma_wait3A_80 = arith.constant 0 : i32
      %dma_wait3A_81 = tpu.memref_slice %dma_wait3A_79[%add3A_54, %dma_wait3A_80] : memref<10112x128xf32, #tpu.memory_space<hbm>> -> memref<128x128xf32, #tpu.memory_space<hbm>>
      tpu.wait_dma2 semaphore(%run_scoped3A : memref<!tpu.dma_semaphore, #tpu.memory_space<semaphore_mem>>) src(%arg10 : memref<128x128xf32, #tpu.memory_space<vmem>>) dst(%dma_wait3A_81 : memref<128x128xf32, #tpu.memory_space<hbm>>)
      tpu.yield
    }) : () -> ()
    %mul3A_55 = arith.constant 632 : i32
    %mul3A_56 = arith.muli %arg1, %mul3A_55 : i32
    %add3A_57 = arith.constant 512 : i32
    %add3A_58 = arith.addi %mul3A_56, %add3A_57 : i32
    "tpu.region"() ({
      %run_scoped3A = tpu.sem_alloc : memref<!tpu.dma_semaphore, #tpu.memory_space<semaphore_mem>>
      %dma_start3A_59 = arith.constant 0 : i32
      %dma_start3A_60 = arith.constant 0 : i32
      %dma_start3A_61 = tpu.memref_slice %arg10[%dma_start3A_59, %dma_start3A_60] : memref<128x128xf32, #tpu.memory_space<vmem>> -> memref<120x128xf32, #tpu.memory_space<vmem>>
      %dma_start3A_62 = arith.constant 0 : i32
      %dma_start3A_63 = tpu.memref_slice %arg12[%add3A_58, %dma_start3A_62] : memref<10112x128xf32, #tpu.memory_space<vmem_shared>> -> memref<120x128xf32, #tpu.memory_space<vmem_shared>>
      %dma_start3A_64 = arith.constant 0 : i32
      %dma_start3A_65 = arith.constant 0 : i32
      %dma_start3A_66 = tpu.memref_slice %arg10[%dma_start3A_64, %dma_start3A_65] : memref<128x128xf32, #tpu.memory_space<vmem>> -> memref<120x128xf32, #tpu.memory_space<vmem>>
      %dma_start3A_67 = arith.constant 0 : i32
      %dma_start3A_68 = tpu.memref_slice %arg12[%add3A_58, %dma_start3A_67] : memref<10112x128xf32, #tpu.memory_space<vmem_shared>> -> memref<120x128xf32, #tpu.memory_space<vmem_shared>>
      tpu.enqueue_dma source(%dma_start3A_68 : memref<120x128xf32, #tpu.memory_space<vmem_shared>>) target(%dma_start3A_66 : memref<120x128xf32, #tpu.memory_space<vmem>>) target_semaphore(%run_scoped3A : memref<!tpu.dma_semaphore, #tpu.memory_space<semaphore_mem>>)
      %dma_wait3A = arith.constant 0 : i32
      %dma_wait3A_69 = arith.constant 0 : i32
      %dma_wait3A_70 = tpu.memref_slice %arg10[%dma_wait3A, %dma_wait3A_69] : memref<128x128xf32, #tpu.memory_space<vmem>> -> memref<120x128xf32, #tpu.memory_space<vmem>>
      %dma_wait3A_71 = arith.constant 0 : i32
      %dma_wait3A_72 = tpu.memref_slice %arg12[%add3A_58, %dma_wait3A_71] : memref<10112x128xf32, #tpu.memory_space<vmem_shared>> -> memref<120x128xf32, #tpu.memory_space<vmem_shared>>
      %dma_wait3A_73 = arith.constant 0 : i32
      %dma_wait3A_74 = arith.constant 0 : i32
      %dma_wait3A_75 = tpu.memref_slice %arg10[%dma_wait3A_73, %dma_wait3A_74] : memref<128x128xf32, #tpu.memory_space<vmem>> -> memref<120x128xf32, #tpu.memory_space<vmem>>
      %dma_wait3A_76 = arith.constant 0 : i32
      %dma_wait3A_77 = tpu.memref_slice %arg12[%add3A_58, %dma_wait3A_76] : memref<10112x128xf32, #tpu.memory_space<vmem_shared>> -> memref<120x128xf32, #tpu.memory_space<vmem_shared>>
      tpu.wait_dma2 semaphore(%run_scoped3A : memref<!tpu.dma_semaphore, #tpu.memory_space<semaphore_mem>>) src(%dma_wait3A_77 : memref<120x128xf32, #tpu.memory_space<vmem_shared>>) dst(%dma_wait3A_75 : memref<120x128xf32, #tpu.memory_space<vmem>>)
      tpu.yield
    }) : () -> ()
    "tpu.region"() ({
      %run_scoped3A = tpu.sem_alloc : memref<!tpu.dma_semaphore, #tpu.memory_space<semaphore_mem>>
      %dma_start3A_59 = arith.constant 0 : i32
      %dma_start3A_60 = arith.constant 0 : i32
      %dma_start3A_61 = tpu.memref_slice %arg10[%dma_start3A_59, %dma_start3A_60] : memref<128x128xf32, #tpu.memory_space<vmem>> -> memref<120x128xf32, #tpu.memory_space<vmem>>
      %dma_start3A_62 = arith.constant 0 : i32
      %dma_start3A_63 = arith.constant 0 : i32
      %dma_start3A_64 = tpu.memref_slice %arg6[%arg0, %dma_start3A_62, %dma_start3A_63] : memref<2x10112x128xf32, #tpu.memory_space<hbm>> -> memref<1x10112x128xf32, #tpu.memory_space<hbm>>
      %dma_start3A_65 = tpu.memref_squeeze %dma_start3A_64 : memref<1x10112x128xf32, #tpu.memory_space<hbm>> -> memref<10112x128xf32, #tpu.memory_space<hbm>>
      %dma_start3A_66 = arith.constant 0 : i32
      %dma_start3A_67 = tpu.memref_slice %dma_start3A_65[%add3A_58, %dma_start3A_66] : memref<10112x128xf32, #tpu.memory_space<hbm>> -> memref<120x128xf32, #tpu.memory_space<hbm>>
      %dma_start3A_68 = arith.constant 0 : i32
      %dma_start3A_69 = arith.constant 0 : i32
      %dma_start3A_70 = tpu.memref_slice %arg6[%arg0, %dma_start3A_68, %dma_start3A_69] : memref<2x10112x128xf32, #tpu.memory_space<hbm>> -> memref<1x10112x128xf32, #tpu.memory_space<hbm>>
      %dma_start3A_71 = tpu.memref_squeeze %dma_start3A_70 : memref<1x10112x128xf32, #tpu.memory_space<hbm>> -> memref<10112x128xf32, #tpu.memory_space<hbm>>
      %dma_start3A_72 = arith.constant 0 : i32
      %dma_start3A_73 = tpu.memref_slice %dma_start3A_71[%add3A_58, %dma_start3A_72] : memref<10112x128xf32, #tpu.memory_space<hbm>> -> memref<120x128xf32, #tpu.memory_space<hbm>>
      %dma_start3A_74 = arith.constant 0 : i32
      %dma_start3A_75 = arith.constant 0 : i32
      %dma_start3A_76 = tpu.memref_slice %arg10[%dma_start3A_74, %dma_start3A_75] : memref<128x128xf32, #tpu.memory_space<vmem>> -> memref<120x128xf32, #tpu.memory_space<vmem>>
      tpu.enqueue_dma source(%dma_start3A_76 : memref<120x128xf32, #tpu.memory_space<vmem>>) target(%dma_start3A_73 : memref<120x128xf32, #tpu.memory_space<hbm>>) target_semaphore(%run_scoped3A : memref<!tpu.dma_semaphore, #tpu.memory_space<semaphore_mem>>)
      %dma_wait3A = arith.constant 0 : i32
      %dma_wait3A_77 = arith.constant 0 : i32
      %dma_wait3A_78 = tpu.memref_slice %arg10[%dma_wait3A, %dma_wait3A_77] : memref<128x128xf32, #tpu.memory_space<vmem>> -> memref<120x128xf32, #tpu.memory_space<vmem>>
      %dma_wait3A_79 = arith.constant 0 : i32
      %dma_wait3A_80 = arith.constant 0 : i32
      %dma_wait3A_81 = tpu.memref_slice %arg6[%arg0, %dma_wait3A_79, %dma_wait3A_80] : memref<2x10112x128xf32, #tpu.memory_space<hbm>> -> memref<1x10112x128xf32, #tpu.memory_space<hbm>>
      %dma_wait3A_82 = tpu.memref_squeeze %dma_wait3A_81 : memref<1x10112x128xf32, #tpu.memory_space<hbm>> -> memref<10112x128xf32, #tpu.memory_space<hbm>>
      %dma_wait3A_83 = arith.constant 0 : i32
      %dma_wait3A_84 = tpu.memref_slice %dma_wait3A_82[%add3A_58, %dma_wait3A_83] : memref<10112x128xf32, #tpu.memory_space<hbm>> -> memref<120x128xf32, #tpu.memory_space<hbm>>
      %dma_wait3A_85 = arith.constant 0 : i32
      %dma_wait3A_86 = arith.constant 0 : i32
      %dma_wait3A_87 = tpu.memref_slice %arg6[%arg0, %dma_wait3A_85, %dma_wait3A_86] : memref<2x10112x128xf32, #tpu.memory_space<hbm>> -> memref<1x10112x128xf32, #tpu.memory_space<hbm>>
      %dma_wait3A_88 = tpu.memref_squeeze %dma_wait3A_87 : memref<1x10112x128xf32, #tpu.memory_space<hbm>> -> memref<10112x128xf32, #tpu.memory_space<hbm>>
      %dma_wait3A_89 = arith.constant 0 : i32
      %dma_wait3A_90 = tpu.memref_slice %dma_wait3A_88[%add3A_58, %dma_wait3A_89] : memref<10112x128xf32, #tpu.memory_space<hbm>> -> memref<120x128xf32, #tpu.memory_space<hbm>>
      %dma_wait3A_91 = arith.constant 0 : i32
      %dma_wait3A_92 = arith.constant 0 : i32
      %dma_wait3A_93 = tpu.memref_slice %arg10[%dma_wait3A_91, %dma_wait3A_92] : memref<128x128xf32, #tpu.memory_space<vmem>> -> memref<120x128xf32, #tpu.memory_space<vmem>>
      tpu.wait_dma2 semaphore(%run_scoped3A : memref<!tpu.dma_semaphore, #tpu.memory_space<semaphore_mem>>) src(%dma_wait3A_93 : memref<120x128xf32, #tpu.memory_space<vmem>>) dst(%dma_wait3A_90 : memref<120x128xf32, #tpu.memory_space<hbm>>)
      tpu.yield
    }) : () -> ()
    return
  }
}

#map = affine_map<(d0, d1) -> (0, 0)>
#map1 = affine_map<(d0, d1) -> (0)>
module attributes {stable_mosaic.version = 14 : i64} {
  func.func @deg_k(%arg0: i32, %arg1: i32, %arg2: memref<2560x128xi32, #tpu.memory_space<hbm>>, %arg3: memref<128xf32, #tpu.memory_space<hbm>>, %arg4: memref<10240xf32, #tpu.memory_space<hbm>>, %arg5: memref<2x10240xf32, #tpu.memory_space<hbm>>, %arg6: memref<80x128xi32, #tpu.memory_space<vmem>>, %arg7: memref<128xf32, #tpu.memory_space<vmem>>, %arg8: memref<640xf32, #tpu.memory_space<vmem>>, %arg9: memref<10240xf32, #tpu.memory_space<vmem_shared>>, %arg10: memref<!tpu.dma_semaphore, #tpu.memory_space<semaphore_mem>>) attributes {dimension_semantics = [#tpu.dimension_semantics<core_parallel>, #tpu.dimension_semantics<subcore_parallel>], iteration_bounds = array<i64: 2, 16>, scalar_prefetch = 0 : i64, scratch_operands = 5 : i64, tpu.core_type = #tpu.core_type<sc_vector_subcore>, window_params = [{transform_indices = #map}, {transform_indices = #map1}, {transform_indices = #map1}, {transform_indices = #map}]} {
    %mul3A = arith.constant 16 : i32
    %mul3A_0 = arith.muli %arg0, %mul3A : i32
    %add3A = arith.addi %mul3A_0, %arg1 : i32
    %mul3A_1 = arith.constant 80 : i32
    %mul3A_2 = arith.muli %add3A, %mul3A_1 : i32
    "tpu.region"() ({
      %run_scoped3A = tpu.sem_alloc : memref<!tpu.dma_semaphore, #tpu.memory_space<semaphore_mem>>
      tpu.enqueue_dma source(%arg3 : memref<128xf32, #tpu.memory_space<hbm>>) target(%arg7 : memref<128xf32, #tpu.memory_space<vmem>>) target_semaphore(%run_scoped3A : memref<!tpu.dma_semaphore, #tpu.memory_space<semaphore_mem>>)
      tpu.wait_dma2 semaphore(%run_scoped3A : memref<!tpu.dma_semaphore, #tpu.memory_space<semaphore_mem>>) src(%arg3 : memref<128xf32, #tpu.memory_space<hbm>>) dst(%arg7 : memref<128xf32, #tpu.memory_space<vmem>>)
      tpu.yield
    }) : () -> ()
    "tpu.region"() ({
      %run_scoped3A = tpu.sem_alloc : memref<!tpu.dma_semaphore, #tpu.memory_space<semaphore_mem>>
      %dma_start3A = arith.constant 0 : i32
      %dma_start3A_15 = tpu.memref_slice %arg2[%mul3A_2, %dma_start3A] : memref<2560x128xi32, #tpu.memory_space<hbm>> -> memref<80x128xi32, #tpu.memory_space<hbm>>
      %dma_start3A_16 = arith.constant 0 : i32
      %dma_start3A_17 = tpu.memref_slice %arg2[%mul3A_2, %dma_start3A_16] : memref<2560x128xi32, #tpu.memory_space<hbm>> -> memref<80x128xi32, #tpu.memory_space<hbm>>
      tpu.enqueue_dma source(%dma_start3A_17 : memref<80x128xi32, #tpu.memory_space<hbm>>) target(%arg6 : memref<80x128xi32, #tpu.memory_space<vmem>>) target_semaphore(%run_scoped3A : memref<!tpu.dma_semaphore, #tpu.memory_space<semaphore_mem>>)
      %dma_wait3A = arith.constant 0 : i32
      %dma_wait3A_18 = tpu.memref_slice %arg2[%mul3A_2, %dma_wait3A] : memref<2560x128xi32, #tpu.memory_space<hbm>> -> memref<80x128xi32, #tpu.memory_space<hbm>>
      %dma_wait3A_19 = arith.constant 0 : i32
      %dma_wait3A_20 = tpu.memref_slice %arg2[%mul3A_2, %dma_wait3A_19] : memref<2560x128xi32, #tpu.memory_space<hbm>> -> memref<80x128xi32, #tpu.memory_space<hbm>>
      tpu.wait_dma2 semaphore(%run_scoped3A : memref<!tpu.dma_semaphore, #tpu.memory_space<semaphore_mem>>) src(%dma_wait3A_20 : memref<80x128xi32, #tpu.memory_space<hbm>>) dst(%arg6 : memref<80x128xi32, #tpu.memory_space<vmem>>)
      tpu.yield
    }) : () -> ()
    "tpu.region"() ({
      %run_scoped3A = tpu.sem_alloc : memref<!tpu.dma_semaphore, #tpu.memory_space<semaphore_mem>>
      %dma_start3A = arith.constant 0 : i32
      %dma_start3A_15 = tpu.memref_slice %arg4[%dma_start3A] : memref<10240xf32, #tpu.memory_space<hbm>> -> memref<640xf32, #tpu.memory_space<hbm>>
      %dma_start3A_16 = arith.constant 0 : i32
      %dma_start3A_17 = tpu.memref_slice %arg4[%dma_start3A_16] : memref<10240xf32, #tpu.memory_space<hbm>> -> memref<640xf32, #tpu.memory_space<hbm>>
      tpu.enqueue_dma source(%dma_start3A_17 : memref<640xf32, #tpu.memory_space<hbm>>) target(%arg8 : memref<640xf32, #tpu.memory_space<vmem>>) target_semaphore(%run_scoped3A : memref<!tpu.dma_semaphore, #tpu.memory_space<semaphore_mem>>)
      %dma_wait3A = arith.constant 0 : i32
      %dma_wait3A_18 = tpu.memref_slice %arg4[%dma_wait3A] : memref<10240xf32, #tpu.memory_space<hbm>> -> memref<640xf32, #tpu.memory_space<hbm>>
      %dma_wait3A_19 = arith.constant 0 : i32
      %dma_wait3A_20 = tpu.memref_slice %arg4[%dma_wait3A_19] : memref<10240xf32, #tpu.memory_space<hbm>> -> memref<640xf32, #tpu.memory_space<hbm>>
      tpu.wait_dma2 semaphore(%run_scoped3A : memref<!tpu.dma_semaphore, #tpu.memory_space<semaphore_mem>>) src(%dma_wait3A_20 : memref<640xf32, #tpu.memory_space<hbm>>) dst(%arg8 : memref<640xf32, #tpu.memory_space<vmem>>)
      tpu.yield
    }) : () -> ()
    %mul3A_3 = arith.constant 640 : i32
    %mul3A_4 = arith.muli %arg1, %mul3A_3 : i32
    "tpu.region"() ({
      %run_scoped3A = tpu.sem_alloc : memref<!tpu.dma_semaphore, #tpu.memory_space<semaphore_mem>>
      %dma_start3A = tpu.memref_slice %arg9[%mul3A_4] : memref<10240xf32, #tpu.memory_space<vmem_shared>> -> memref<640xf32, #tpu.memory_space<vmem_shared>>
      %dma_start3A_15 = tpu.memref_slice %arg9[%mul3A_4] : memref<10240xf32, #tpu.memory_space<vmem_shared>> -> memref<640xf32, #tpu.memory_space<vmem_shared>>
      tpu.enqueue_dma source(%arg8 : memref<640xf32, #tpu.memory_space<vmem>>) target(%dma_start3A_15 : memref<640xf32, #tpu.memory_space<vmem_shared>>) target_semaphore(%run_scoped3A : memref<!tpu.dma_semaphore, #tpu.memory_space<semaphore_mem>>)
      %dma_wait3A = tpu.memref_slice %arg9[%mul3A_4] : memref<10240xf32, #tpu.memory_space<vmem_shared>> -> memref<640xf32, #tpu.memory_space<vmem_shared>>
      %dma_wait3A_16 = tpu.memref_slice %arg9[%mul3A_4] : memref<10240xf32, #tpu.memory_space<vmem_shared>> -> memref<640xf32, #tpu.memory_space<vmem_shared>>
      tpu.wait_dma2 semaphore(%run_scoped3A : memref<!tpu.dma_semaphore, #tpu.memory_space<semaphore_mem>>) src(%arg8 : memref<640xf32, #tpu.memory_space<vmem>>) dst(%dma_wait3A_16 : memref<640xf32, #tpu.memory_space<vmem_shared>>)
      tpu.yield
    }) : () -> ()
    %barrier3A = arith.constant 0 : index
    tpu.barrier barrier_id(%barrier3A)
    %scan3A = arith.constant 0 : i32
    %scan3A_5 = arith.constant 0 : i32
    %scan3A_6 = arith.constant 10 : i32
    %scan3A_7 = arith.addi %scan3A_5, %scan3A_6 : i32
    %scan3A_8 = arith.constant 1 : i32
    scf.for %scan3A_15 = %scan3A_5 to %scan3A_7 step %scan3A_8  : i32 {
      %mul3A_16 = arith.constant 8 : i32
      %mul3A_17 = arith.muli %mul3A_16, %scan3A_15 : i32
      %add3A_18 = arith.constant 0 : i32
      %add3A_19 = arith.addi %mul3A_17, %add3A_18 : i32
      %dma_start3A = arith.constant 0 : i32
      %dma_start3A_20 = tpu.memref_slice %arg6[%add3A_19, %dma_start3A] : memref<80x128xi32, #tpu.memory_space<vmem>> -> memref<1x128xi32, #tpu.memory_space<vmem>>
      %dma_start3A_21 = tpu.memref_squeeze %dma_start3A_20 : memref<1x128xi32, #tpu.memory_space<vmem>> -> memref<128xi32, #tpu.memory_space<vmem>>
      %dma_start3A_22 = arith.constant 0 : i32
      %dma_start3A_23 = tpu.memref_slice %arg9[%dma_start3A_22] : memref<10240xf32, #tpu.memory_space<vmem_shared>> -> memref<10240xf32, #tpu.memory_space<vmem_shared>>
      tpu.enqueue_indirect_dma source(%arg7 : memref<128xf32, #tpu.memory_space<vmem>>) target(%dma_start3A_23 : memref<10240xf32, #tpu.memory_space<vmem_shared>>) offsets(%dma_start3A_21 : memref<128xi32, #tpu.memory_space<vmem>>) semaphore(%arg10 : memref<!tpu.dma_semaphore, #tpu.memory_space<semaphore_mem>>) {add = true}
      %mul3A_24 = arith.constant 8 : i32
      %mul3A_25 = arith.muli %mul3A_24, %scan3A_15 : i32
      %add3A_26 = arith.constant 1 : i32
      %add3A_27 = arith.addi %mul3A_25, %add3A_26 : i32
      %dma_start3A_28 = arith.constant 0 : i32
      %dma_start3A_29 = tpu.memref_slice %arg6[%add3A_27, %dma_start3A_28] : memref<80x128xi32, #tpu.memory_space<vmem>> -> memref<1x128xi32, #tpu.memory_space<vmem>>
      %dma_start3A_30 = tpu.memref_squeeze %dma_start3A_29 : memref<1x128xi32, #tpu.memory_space<vmem>> -> memref<128xi32, #tpu.memory_space<vmem>>
      %dma_start3A_31 = arith.constant 0 : i32
      %dma_start3A_32 = tpu.memref_slice %arg9[%dma_start3A_31] : memref<10240xf32, #tpu.memory_space<vmem_shared>> -> memref<10240xf32, #tpu.memory_space<vmem_shared>>
      tpu.enqueue_indirect_dma source(%arg7 : memref<128xf32, #tpu.memory_space<vmem>>) target(%dma_start3A_32 : memref<10240xf32, #tpu.memory_space<vmem_shared>>) offsets(%dma_start3A_30 : memref<128xi32, #tpu.memory_space<vmem>>) semaphore(%arg10 : memref<!tpu.dma_semaphore, #tpu.memory_space<semaphore_mem>>) {add = true}
      %mul3A_33 = arith.constant 8 : i32
      %mul3A_34 = arith.muli %mul3A_33, %scan3A_15 : i32
      %add3A_35 = arith.constant 2 : i32
      %add3A_36 = arith.addi %mul3A_34, %add3A_35 : i32
      %dma_start3A_37 = arith.constant 0 : i32
      %dma_start3A_38 = tpu.memref_slice %arg6[%add3A_36, %dma_start3A_37] : memref<80x128xi32, #tpu.memory_space<vmem>> -> memref<1x128xi32, #tpu.memory_space<vmem>>
      %dma_start3A_39 = tpu.memref_squeeze %dma_start3A_38 : memref<1x128xi32, #tpu.memory_space<vmem>> -> memref<128xi32, #tpu.memory_space<vmem>>
      %dma_start3A_40 = arith.constant 0 : i32
      %dma_start3A_41 = tpu.memref_slice %arg9[%dma_start3A_40] : memref<10240xf32, #tpu.memory_space<vmem_shared>> -> memref<10240xf32, #tpu.memory_space<vmem_shared>>
      tpu.enqueue_indirect_dma source(%arg7 : memref<128xf32, #tpu.memory_space<vmem>>) target(%dma_start3A_41 : memref<10240xf32, #tpu.memory_space<vmem_shared>>) offsets(%dma_start3A_39 : memref<128xi32, #tpu.memory_space<vmem>>) semaphore(%arg10 : memref<!tpu.dma_semaphore, #tpu.memory_space<semaphore_mem>>) {add = true}
      %mul3A_42 = arith.constant 8 : i32
      %mul3A_43 = arith.muli %mul3A_42, %scan3A_15 : i32
      %add3A_44 = arith.constant 3 : i32
      %add3A_45 = arith.addi %mul3A_43, %add3A_44 : i32
      %dma_start3A_46 = arith.constant 0 : i32
      %dma_start3A_47 = tpu.memref_slice %arg6[%add3A_45, %dma_start3A_46] : memref<80x128xi32, #tpu.memory_space<vmem>> -> memref<1x128xi32, #tpu.memory_space<vmem>>
      %dma_start3A_48 = tpu.memref_squeeze %dma_start3A_47 : memref<1x128xi32, #tpu.memory_space<vmem>> -> memref<128xi32, #tpu.memory_space<vmem>>
      %dma_start3A_49 = arith.constant 0 : i32
      %dma_start3A_50 = tpu.memref_slice %arg9[%dma_start3A_49] : memref<10240xf32, #tpu.memory_space<vmem_shared>> -> memref<10240xf32, #tpu.memory_space<vmem_shared>>
      tpu.enqueue_indirect_dma source(%arg7 : memref<128xf32, #tpu.memory_space<vmem>>) target(%dma_start3A_50 : memref<10240xf32, #tpu.memory_space<vmem_shared>>) offsets(%dma_start3A_48 : memref<128xi32, #tpu.memory_space<vmem>>) semaphore(%arg10 : memref<!tpu.dma_semaphore, #tpu.memory_space<semaphore_mem>>) {add = true}
      %mul3A_51 = arith.constant 8 : i32
      %mul3A_52 = arith.muli %mul3A_51, %scan3A_15 : i32
      %add3A_53 = arith.constant 4 : i32
      %add3A_54 = arith.addi %mul3A_52, %add3A_53 : i32
      %dma_start3A_55 = arith.constant 0 : i32
      %dma_start3A_56 = tpu.memref_slice %arg6[%add3A_54, %dma_start3A_55] : memref<80x128xi32, #tpu.memory_space<vmem>> -> memref<1x128xi32, #tpu.memory_space<vmem>>
      %dma_start3A_57 = tpu.memref_squeeze %dma_start3A_56 : memref<1x128xi32, #tpu.memory_space<vmem>> -> memref<128xi32, #tpu.memory_space<vmem>>
      %dma_start3A_58 = arith.constant 0 : i32
      %dma_start3A_59 = tpu.memref_slice %arg9[%dma_start3A_58] : memref<10240xf32, #tpu.memory_space<vmem_shared>> -> memref<10240xf32, #tpu.memory_space<vmem_shared>>
      tpu.enqueue_indirect_dma source(%arg7 : memref<128xf32, #tpu.memory_space<vmem>>) target(%dma_start3A_59 : memref<10240xf32, #tpu.memory_space<vmem_shared>>) offsets(%dma_start3A_57 : memref<128xi32, #tpu.memory_space<vmem>>) semaphore(%arg10 : memref<!tpu.dma_semaphore, #tpu.memory_space<semaphore_mem>>) {add = true}
      %mul3A_60 = arith.constant 8 : i32
      %mul3A_61 = arith.muli %mul3A_60, %scan3A_15 : i32
      %add3A_62 = arith.constant 5 : i32
      %add3A_63 = arith.addi %mul3A_61, %add3A_62 : i32
      %dma_start3A_64 = arith.constant 0 : i32
      %dma_start3A_65 = tpu.memref_slice %arg6[%add3A_63, %dma_start3A_64] : memref<80x128xi32, #tpu.memory_space<vmem>> -> memref<1x128xi32, #tpu.memory_space<vmem>>
      %dma_start3A_66 = tpu.memref_squeeze %dma_start3A_65 : memref<1x128xi32, #tpu.memory_space<vmem>> -> memref<128xi32, #tpu.memory_space<vmem>>
      %dma_start3A_67 = arith.constant 0 : i32
      %dma_start3A_68 = tpu.memref_slice %arg9[%dma_start3A_67] : memref<10240xf32, #tpu.memory_space<vmem_shared>> -> memref<10240xf32, #tpu.memory_space<vmem_shared>>
      tpu.enqueue_indirect_dma source(%arg7 : memref<128xf32, #tpu.memory_space<vmem>>) target(%dma_start3A_68 : memref<10240xf32, #tpu.memory_space<vmem_shared>>) offsets(%dma_start3A_66 : memref<128xi32, #tpu.memory_space<vmem>>) semaphore(%arg10 : memref<!tpu.dma_semaphore, #tpu.memory_space<semaphore_mem>>) {add = true}
      %mul3A_69 = arith.constant 8 : i32
      %mul3A_70 = arith.muli %mul3A_69, %scan3A_15 : i32
      %add3A_71 = arith.constant 6 : i32
      %add3A_72 = arith.addi %mul3A_70, %add3A_71 : i32
      %dma_start3A_73 = arith.constant 0 : i32
      %dma_start3A_74 = tpu.memref_slice %arg6[%add3A_72, %dma_start3A_73] : memref<80x128xi32, #tpu.memory_space<vmem>> -> memref<1x128xi32, #tpu.memory_space<vmem>>
      %dma_start3A_75 = tpu.memref_squeeze %dma_start3A_74 : memref<1x128xi32, #tpu.memory_space<vmem>> -> memref<128xi32, #tpu.memory_space<vmem>>
      %dma_start3A_76 = arith.constant 0 : i32
      %dma_start3A_77 = tpu.memref_slice %arg9[%dma_start3A_76] : memref<10240xf32, #tpu.memory_space<vmem_shared>> -> memref<10240xf32, #tpu.memory_space<vmem_shared>>
      tpu.enqueue_indirect_dma source(%arg7 : memref<128xf32, #tpu.memory_space<vmem>>) target(%dma_start3A_77 : memref<10240xf32, #tpu.memory_space<vmem_shared>>) offsets(%dma_start3A_75 : memref<128xi32, #tpu.memory_space<vmem>>) semaphore(%arg10 : memref<!tpu.dma_semaphore, #tpu.memory_space<semaphore_mem>>) {add = true}
      %mul3A_78 = arith.constant 8 : i32
      %mul3A_79 = arith.muli %mul3A_78, %scan3A_15 : i32
      %add3A_80 = arith.constant 7 : i32
      %add3A_81 = arith.addi %mul3A_79, %add3A_80 : i32
      %dma_start3A_82 = arith.constant 0 : i32
      %dma_start3A_83 = tpu.memref_slice %arg6[%add3A_81, %dma_start3A_82] : memref<80x128xi32, #tpu.memory_space<vmem>> -> memref<1x128xi32, #tpu.memory_space<vmem>>
      %dma_start3A_84 = tpu.memref_squeeze %dma_start3A_83 : memref<1x128xi32, #tpu.memory_space<vmem>> -> memref<128xi32, #tpu.memory_space<vmem>>
      %dma_start3A_85 = arith.constant 0 : i32
      %dma_start3A_86 = tpu.memref_slice %arg9[%dma_start3A_85] : memref<10240xf32, #tpu.memory_space<vmem_shared>> -> memref<10240xf32, #tpu.memory_space<vmem_shared>>
      tpu.enqueue_indirect_dma source(%arg7 : memref<128xf32, #tpu.memory_space<vmem>>) target(%dma_start3A_86 : memref<10240xf32, #tpu.memory_space<vmem_shared>>) offsets(%dma_start3A_84 : memref<128xi32, #tpu.memory_space<vmem>>) semaphore(%arg10 : memref<!tpu.dma_semaphore, #tpu.memory_space<semaphore_mem>>) {add = true}
      %dma_wait3A = arith.constant 0 : i32
      %dma_wait3A_87 = arith.constant 0 : i32
      %dma_wait3A_88 = tpu.memref_slice %arg6[%dma_wait3A, %dma_wait3A_87] : memref<80x128xi32, #tpu.memory_space<vmem>> -> memref<1x128xi32, #tpu.memory_space<vmem>>
      %dma_wait3A_89 = tpu.memref_squeeze %dma_wait3A_88 : memref<1x128xi32, #tpu.memory_space<vmem>> -> memref<128xi32, #tpu.memory_space<vmem>>
      %dma_wait3A_90 = arith.constant 0 : i32
      %dma_wait3A_91 = tpu.memref_slice %arg9[%dma_wait3A_90] : memref<10240xf32, #tpu.memory_space<vmem_shared>> -> memref<10240xf32, #tpu.memory_space<vmem_shared>>
      tpu.wait_indirect_dma semaphore(%arg10 : memref<!tpu.dma_semaphore, #tpu.memory_space<semaphore_mem>>) src(%arg7 : memref<128xf32, #tpu.memory_space<vmem>>) dst(%dma_wait3A_91 : memref<10240xf32, #tpu.memory_space<vmem_shared>>)
      %dma_wait3A_92 = arith.constant 0 : i32
      %dma_wait3A_93 = arith.constant 0 : i32
      %dma_wait3A_94 = tpu.memref_slice %arg6[%dma_wait3A_92, %dma_wait3A_93] : memref<80x128xi32, #tpu.memory_space<vmem>> -> memref<1x128xi32, #tpu.memory_space<vmem>>
      %dma_wait3A_95 = tpu.memref_squeeze %dma_wait3A_94 : memref<1x128xi32, #tpu.memory_space<vmem>> -> memref<128xi32, #tpu.memory_space<vmem>>
      %dma_wait3A_96 = arith.constant 0 : i32
      %dma_wait3A_97 = tpu.memref_slice %arg9[%dma_wait3A_96] : memref<10240xf32, #tpu.memory_space<vmem_shared>> -> memref<10240xf32, #tpu.memory_space<vmem_shared>>
      tpu.wait_indirect_dma semaphore(%arg10 : memref<!tpu.dma_semaphore, #tpu.memory_space<semaphore_mem>>) src(%arg7 : memref<128xf32, #tpu.memory_space<vmem>>) dst(%dma_wait3A_97 : memref<10240xf32, #tpu.memory_space<vmem_shared>>)
      %dma_wait3A_98 = arith.constant 0 : i32
      %dma_wait3A_99 = arith.constant 0 : i32
      %dma_wait3A_100 = tpu.memref_slice %arg6[%dma_wait3A_98, %dma_wait3A_99] : memref<80x128xi32, #tpu.memory_space<vmem>> -> memref<1x128xi32, #tpu.memory_space<vmem>>
      %dma_wait3A_101 = tpu.memref_squeeze %dma_wait3A_100 : memref<1x128xi32, #tpu.memory_space<vmem>> -> memref<128xi32, #tpu.memory_space<vmem>>
      %dma_wait3A_102 = arith.constant 0 : i32
      %dma_wait3A_103 = tpu.memref_slice %arg9[%dma_wait3A_102] : memref<10240xf32, #tpu.memory_space<vmem_shared>> -> memref<10240xf32, #tpu.memory_space<vmem_shared>>
      tpu.wait_indirect_dma semaphore(%arg10 : memref<!tpu.dma_semaphore, #tpu.memory_space<semaphore_mem>>) src(%arg7 : memref<128xf32, #tpu.memory_space<vmem>>) dst(%dma_wait3A_103 : memref<10240xf32, #tpu.memory_space<vmem_shared>>)
      %dma_wait3A_104 = arith.constant 0 : i32
      %dma_wait3A_105 = arith.constant 0 : i32
      %dma_wait3A_106 = tpu.memref_slice %arg6[%dma_wait3A_104, %dma_wait3A_105] : memref<80x128xi32, #tpu.memory_space<vmem>> -> memref<1x128xi32, #tpu.memory_space<vmem>>
      %dma_wait3A_107 = tpu.memref_squeeze %dma_wait3A_106 : memref<1x128xi32, #tpu.memory_space<vmem>> -> memref<128xi32, #tpu.memory_space<vmem>>
      %dma_wait3A_108 = arith.constant 0 : i32
      %dma_wait3A_109 = tpu.memref_slice %arg9[%dma_wait3A_108] : memref<10240xf32, #tpu.memory_space<vmem_shared>> -> memref<10240xf32, #tpu.memory_space<vmem_shared>>
      tpu.wait_indirect_dma semaphore(%arg10 : memref<!tpu.dma_semaphore, #tpu.memory_space<semaphore_mem>>) src(%arg7 : memref<128xf32, #tpu.memory_space<vmem>>) dst(%dma_wait3A_109 : memref<10240xf32, #tpu.memory_space<vmem_shared>>)
      %dma_wait3A_110 = arith.constant 0 : i32
      %dma_wait3A_111 = arith.constant 0 : i32
      %dma_wait3A_112 = tpu.memref_slice %arg6[%dma_wait3A_110, %dma_wait3A_111] : memref<80x128xi32, #tpu.memory_space<vmem>> -> memref<1x128xi32, #tpu.memory_space<vmem>>
      %dma_wait3A_113 = tpu.memref_squeeze %dma_wait3A_112 : memref<1x128xi32, #tpu.memory_space<vmem>> -> memref<128xi32, #tpu.memory_space<vmem>>
      %dma_wait3A_114 = arith.constant 0 : i32
      %dma_wait3A_115 = tpu.memref_slice %arg9[%dma_wait3A_114] : memref<10240xf32, #tpu.memory_space<vmem_shared>> -> memref<10240xf32, #tpu.memory_space<vmem_shared>>
      tpu.wait_indirect_dma semaphore(%arg10 : memref<!tpu.dma_semaphore, #tpu.memory_space<semaphore_mem>>) src(%arg7 : memref<128xf32, #tpu.memory_space<vmem>>) dst(%dma_wait3A_115 : memref<10240xf32, #tpu.memory_space<vmem_shared>>)
      %dma_wait3A_116 = arith.constant 0 : i32
      %dma_wait3A_117 = arith.constant 0 : i32
      %dma_wait3A_118 = tpu.memref_slice %arg6[%dma_wait3A_116, %dma_wait3A_117] : memref<80x128xi32, #tpu.memory_space<vmem>> -> memref<1x128xi32, #tpu.memory_space<vmem>>
      %dma_wait3A_119 = tpu.memref_squeeze %dma_wait3A_118 : memref<1x128xi32, #tpu.memory_space<vmem>> -> memref<128xi32, #tpu.memory_space<vmem>>
      %dma_wait3A_120 = arith.constant 0 : i32
      %dma_wait3A_121 = tpu.memref_slice %arg9[%dma_wait3A_120] : memref<10240xf32, #tpu.memory_space<vmem_shared>> -> memref<10240xf32, #tpu.memory_space<vmem_shared>>
      tpu.wait_indirect_dma semaphore(%arg10 : memref<!tpu.dma_semaphore, #tpu.memory_space<semaphore_mem>>) src(%arg7 : memref<128xf32, #tpu.memory_space<vmem>>) dst(%dma_wait3A_121 : memref<10240xf32, #tpu.memory_space<vmem_shared>>)
      %dma_wait3A_122 = arith.constant 0 : i32
      %dma_wait3A_123 = arith.constant 0 : i32
      %dma_wait3A_124 = tpu.memref_slice %arg6[%dma_wait3A_122, %dma_wait3A_123] : memref<80x128xi32, #tpu.memory_space<vmem>> -> memref<1x128xi32, #tpu.memory_space<vmem>>
      %dma_wait3A_125 = tpu.memref_squeeze %dma_wait3A_124 : memref<1x128xi32, #tpu.memory_space<vmem>> -> memref<128xi32, #tpu.memory_space<vmem>>
      %dma_wait3A_126 = arith.constant 0 : i32
      %dma_wait3A_127 = tpu.memref_slice %arg9[%dma_wait3A_126] : memref<10240xf32, #tpu.memory_space<vmem_shared>> -> memref<10240xf32, #tpu.memory_space<vmem_shared>>
      tpu.wait_indirect_dma semaphore(%arg10 : memref<!tpu.dma_semaphore, #tpu.memory_space<semaphore_mem>>) src(%arg7 : memref<128xf32, #tpu.memory_space<vmem>>) dst(%dma_wait3A_127 : memref<10240xf32, #tpu.memory_space<vmem_shared>>)
      %dma_wait3A_128 = arith.constant 0 : i32
      %dma_wait3A_129 = arith.constant 0 : i32
      %dma_wait3A_130 = tpu.memref_slice %arg6[%dma_wait3A_128, %dma_wait3A_129] : memref<80x128xi32, #tpu.memory_space<vmem>> -> memref<1x128xi32, #tpu.memory_space<vmem>>
      %dma_wait3A_131 = tpu.memref_squeeze %dma_wait3A_130 : memref<1x128xi32, #tpu.memory_space<vmem>> -> memref<128xi32, #tpu.memory_space<vmem>>
      %dma_wait3A_132 = arith.constant 0 : i32
      %dma_wait3A_133 = tpu.memref_slice %arg9[%dma_wait3A_132] : memref<10240xf32, #tpu.memory_space<vmem_shared>> -> memref<10240xf32, #tpu.memory_space<vmem_shared>>
      tpu.wait_indirect_dma semaphore(%arg10 : memref<!tpu.dma_semaphore, #tpu.memory_space<semaphore_mem>>) src(%arg7 : memref<128xf32, #tpu.memory_space<vmem>>) dst(%dma_wait3A_133 : memref<10240xf32, #tpu.memory_space<vmem_shared>>)
    }
    %scan3A_9 = arith.constant 10 : i32
    %barrier3A_10 = arith.constant 0 : index
    tpu.barrier barrier_id(%barrier3A_10)
    %mul3A_11 = arith.constant 640 : i32
    %mul3A_12 = arith.muli %arg1, %mul3A_11 : i32
    "tpu.region"() ({
      %run_scoped3A = tpu.sem_alloc : memref<!tpu.dma_semaphore, #tpu.memory_space<semaphore_mem>>
      %dma_start3A = tpu.memref_slice %arg9[%mul3A_12] : memref<10240xf32, #tpu.memory_space<vmem_shared>> -> memref<640xf32, #tpu.memory_space<vmem_shared>>
      %dma_start3A_15 = tpu.memref_slice %arg9[%mul3A_12] : memref<10240xf32, #tpu.memory_space<vmem_shared>> -> memref<640xf32, #tpu.memory_space<vmem_shared>>
      tpu.enqueue_dma source(%dma_start3A_15 : memref<640xf32, #tpu.memory_space<vmem_shared>>) target(%arg8 : memref<640xf32, #tpu.memory_space<vmem>>) target_semaphore(%run_scoped3A : memref<!tpu.dma_semaphore, #tpu.memory_space<semaphore_mem>>)
      %dma_wait3A = tpu.memref_slice %arg9[%mul3A_12] : memref<10240xf32, #tpu.memory_space<vmem_shared>> -> memref<640xf32, #tpu.memory_space<vmem_shared>>
      %dma_wait3A_16 = tpu.memref_slice %arg9[%mul3A_12] : memref<10240xf32, #tpu.memory_space<vmem_shared>> -> memref<640xf32, #tpu.memory_space<vmem_shared>>
      tpu.wait_dma2 semaphore(%run_scoped3A : memref<!tpu.dma_semaphore, #tpu.memory_space<semaphore_mem>>) src(%dma_wait3A_16 : memref<640xf32, #tpu.memory_space<vmem_shared>>) dst(%arg8 : memref<640xf32, #tpu.memory_space<vmem>>)
      tpu.yield
    }) : () -> ()
    %mul3A_13 = arith.constant 640 : i32
    %mul3A_14 = arith.muli %arg1, %mul3A_13 : i32
    "tpu.region"() ({
      %run_scoped3A = tpu.sem_alloc : memref<!tpu.dma_semaphore, #tpu.memory_space<semaphore_mem>>
      %dma_start3A = arith.constant 0 : i32
      %dma_start3A_15 = tpu.memref_slice %arg5[%arg0, %dma_start3A] : memref<2x10240xf32, #tpu.memory_space<hbm>> -> memref<1x10240xf32, #tpu.memory_space<hbm>>
      %dma_start3A_16 = tpu.memref_squeeze %dma_start3A_15 : memref<1x10240xf32, #tpu.memory_space<hbm>> -> memref<10240xf32, #tpu.memory_space<hbm>>
      %dma_start3A_17 = tpu.memref_slice %dma_start3A_16[%mul3A_14] : memref<10240xf32, #tpu.memory_space<hbm>> -> memref<640xf32, #tpu.memory_space<hbm>>
      %dma_start3A_18 = arith.constant 0 : i32
      %dma_start3A_19 = tpu.memref_slice %arg5[%arg0, %dma_start3A_18] : memref<2x10240xf32, #tpu.memory_space<hbm>> -> memref<1x10240xf32, #tpu.memory_space<hbm>>
      %dma_start3A_20 = tpu.memref_squeeze %dma_start3A_19 : memref<1x10240xf32, #tpu.memory_space<hbm>> -> memref<10240xf32, #tpu.memory_space<hbm>>
      %dma_start3A_21 = tpu.memref_slice %dma_start3A_20[%mul3A_14] : memref<10240xf32, #tpu.memory_space<hbm>> -> memref<640xf32, #tpu.memory_space<hbm>>
      tpu.enqueue_dma source(%arg8 : memref<640xf32, #tpu.memory_space<vmem>>) target(%dma_start3A_21 : memref<640xf32, #tpu.memory_space<hbm>>) target_semaphore(%run_scoped3A : memref<!tpu.dma_semaphore, #tpu.memory_space<semaphore_mem>>)
      %dma_wait3A = arith.constant 0 : i32
      %dma_wait3A_22 = tpu.memref_slice %arg5[%arg0, %dma_wait3A] : memref<2x10240xf32, #tpu.memory_space<hbm>> -> memref<1x10240xf32, #tpu.memory_space<hbm>>
      %dma_wait3A_23 = tpu.memref_squeeze %dma_wait3A_22 : memref<1x10240xf32, #tpu.memory_space<hbm>> -> memref<10240xf32, #tpu.memory_space<hbm>>
      %dma_wait3A_24 = tpu.memref_slice %dma_wait3A_23[%mul3A_14] : memref<10240xf32, #tpu.memory_space<hbm>> -> memref<640xf32, #tpu.memory_space<hbm>>
      %dma_wait3A_25 = arith.constant 0 : i32
      %dma_wait3A_26 = tpu.memref_slice %arg5[%arg0, %dma_wait3A_25] : memref<2x10240xf32, #tpu.memory_space<hbm>> -> memref<1x10240xf32, #tpu.memory_space<hbm>>
      %dma_wait3A_27 = tpu.memref_squeeze %dma_wait3A_26 : memref<1x10240xf32, #tpu.memory_space<hbm>> -> memref<10240xf32, #tpu.memory_space<hbm>>
      %dma_wait3A_28 = tpu.memref_slice %dma_wait3A_27[%mul3A_14] : memref<10240xf32, #tpu.memory_space<hbm>> -> memref<640xf32, #tpu.memory_space<hbm>>
      tpu.wait_dma2 semaphore(%run_scoped3A : memref<!tpu.dma_semaphore, #tpu.memory_space<semaphore_mem>>) src(%arg8 : memref<640xf32, #tpu.memory_space<vmem>>) dst(%dma_wait3A_28 : memref<640xf32, #tpu.memory_space<hbm>>)
      tpu.yield
    }) : () -> ()
    return
  }
}

#map = affine_map<(d0, d1) -> (0, 0)>
#map1 = affine_map<(d0, d1) -> (0)>
#map2 = affine_map<(d0, d1) -> (0, 0, 0)>
module attributes {stable_mosaic.version = 14 : i64} {
  func.func @layer_k(%arg0: i32, %arg1: i32, %arg2: memref<2560x128xi32, #tpu.memory_space<hbm>>, %arg3: memref<327680xi32, #tpu.memory_space<hbm>>, %arg4: memref<10112x128xf32, #tpu.memory_space<hbm>>, %arg5: memref<128x128xf32, #tpu.memory_space<hbm>>, %arg6: memref<2x10112x128xf32, #tpu.memory_space<hbm>>, %arg7: memref<80x128xi32, #tpu.memory_space<vmem>>, %arg8: memref<128xi32, #tpu.memory_space<vmem>>, %arg9: memref<128xi32, #tpu.memory_space<vmem>>, %arg10: memref<128x128xf32, #tpu.memory_space<vmem>>, %arg11: memref<128x128xf32, #tpu.memory_space<vmem>>, %arg12: memref<10112x128xf32, #tpu.memory_space<vmem_shared>>, %arg13: memref<!tpu.dma_semaphore, #tpu.memory_space<semaphore_mem>>, %arg14: memref<!tpu.dma_semaphore, #tpu.memory_space<semaphore_mem>>, %arg15: memref<!tpu.dma_semaphore, #tpu.memory_space<semaphore_mem>>, %arg16: memref<!tpu.dma_semaphore, #tpu.memory_space<semaphore_mem>>) attributes {dimension_semantics = [#tpu.dimension_semantics<core_parallel>, #tpu.dimension_semantics<subcore_parallel>], iteration_bounds = array<i64: 2, 16>, scalar_prefetch = 0 : i64, scratch_operands = 10 : i64, tpu.core_type = #tpu.core_type<sc_vector_subcore>, window_params = [{transform_indices = #map}, {transform_indices = #map1}, {transform_indices = #map}, {transform_indices = #map}, {transform_indices = #map2}]} {
    %mul3A = arith.constant 16 : i32
    %mul3A_0 = arith.muli %arg0, %mul3A : i32
    %add3A = arith.addi %mul3A_0, %arg1 : i32
    %mul3A_1 = arith.constant 80 : i32
    %mul3A_2 = arith.muli %add3A, %mul3A_1 : i32
    "tpu.region"() ({
      %run_scoped3A = tpu.sem_alloc : memref<!tpu.dma_semaphore, #tpu.memory_space<semaphore_mem>>
      %dma_start3A_59 = arith.constant 0 : i32
      %dma_start3A_60 = tpu.memref_slice %arg2[%mul3A_2, %dma_start3A_59] : memref<2560x128xi32, #tpu.memory_space<hbm>> -> memref<80x128xi32, #tpu.memory_space<hbm>>
      %dma_start3A_61 = arith.constant 0 : i32
      %dma_start3A_62 = tpu.memref_slice %arg2[%mul3A_2, %dma_start3A_61] : memref<2560x128xi32, #tpu.memory_space<hbm>> -> memref<80x128xi32, #tpu.memory_space<hbm>>
      tpu.enqueue_dma source(%dma_start3A_62 : memref<80x128xi32, #tpu.memory_space<hbm>>) target(%arg7 : memref<80x128xi32, #tpu.memory_space<vmem>>) target_semaphore(%run_scoped3A : memref<!tpu.dma_semaphore, #tpu.memory_space<semaphore_mem>>)
      %dma_wait3A = arith.constant 0 : i32
      %dma_wait3A_63 = tpu.memref_slice %arg2[%mul3A_2, %dma_wait3A] : memref<2560x128xi32, #tpu.memory_space<hbm>> -> memref<80x128xi32, #tpu.memory_space<hbm>>
      %dma_wait3A_64 = arith.constant 0 : i32
      %dma_wait3A_65 = tpu.memref_slice %arg2[%mul3A_2, %dma_wait3A_64] : memref<2560x128xi32, #tpu.memory_space<hbm>> -> memref<80x128xi32, #tpu.memory_space<hbm>>
      tpu.wait_dma2 semaphore(%run_scoped3A : memref<!tpu.dma_semaphore, #tpu.memory_space<semaphore_mem>>) src(%dma_wait3A_65 : memref<80x128xi32, #tpu.memory_space<hbm>>) dst(%arg7 : memref<80x128xi32, #tpu.memory_space<vmem>>)
      tpu.yield
    }) : () -> ()
    "tpu.region"() ({
      %run_scoped3A = tpu.sem_alloc : memref<!tpu.dma_semaphore, #tpu.memory_space<semaphore_mem>>
      tpu.enqueue_dma source(%arg5 : memref<128x128xf32, #tpu.memory_space<hbm>>) target(%arg10 : memref<128x128xf32, #tpu.memory_space<vmem>>) target_semaphore(%run_scoped3A : memref<!tpu.dma_semaphore, #tpu.memory_space<semaphore_mem>>)
      tpu.wait_dma2 semaphore(%run_scoped3A : memref<!tpu.dma_semaphore, #tpu.memory_space<semaphore_mem>>) src(%arg5 : memref<128x128xf32, #tpu.memory_space<hbm>>) dst(%arg10 : memref<128x128xf32, #tpu.memory_space<vmem>>)
      tpu.yield
    }) : () -> ()
    %mul3A_3 = arith.constant 632 : i32
    %mul3A_4 = arith.muli %arg1, %mul3A_3 : i32
    %add3A_5 = arith.constant 0 : i32
    %add3A_6 = arith.addi %mul3A_4, %add3A_5 : i32
    "tpu.region"() ({
      %run_scoped3A = tpu.sem_alloc : memref<!tpu.dma_semaphore, #tpu.memory_space<semaphore_mem>>
      %dma_start3A_59 = arith.constant 0 : i32
      %dma_start3A_60 = tpu.memref_slice %arg12[%add3A_6, %dma_start3A_59] : memref<10112x128xf32, #tpu.memory_space<vmem_shared>> -> memref<128x128xf32, #tpu.memory_space<vmem_shared>>
      %dma_start3A_61 = arith.constant 0 : i32
      %dma_start3A_62 = tpu.memref_slice %arg12[%add3A_6, %dma_start3A_61] : memref<10112x128xf32, #tpu.memory_space<vmem_shared>> -> memref<128x128xf32, #tpu.memory_space<vmem_shared>>
      tpu.enqueue_dma source(%arg10 : memref<128x128xf32, #tpu.memory_space<vmem>>) target(%dma_start3A_62 : memref<128x128xf32, #tpu.memory_space<vmem_shared>>) target_semaphore(%run_scoped3A : memref<!tpu.dma_semaphore, #tpu.memory_space<semaphore_mem>>)
      %dma_wait3A = arith.constant 0 : i32
      %dma_wait3A_63 = tpu.memref_slice %arg12[%add3A_6, %dma_wait3A] : memref<10112x128xf32, #tpu.memory_space<vmem_shared>> -> memref<128x128xf32, #tpu.memory_space<vmem_shared>>
      %dma_wait3A_64 = arith.constant 0 : i32
      %dma_wait3A_65 = tpu.memref_slice %arg12[%add3A_6, %dma_wait3A_64] : memref<10112x128xf32, #tpu.memory_space<vmem_shared>> -> memref<128x128xf32, #tpu.memory_space<vmem_shared>>
      tpu.wait_dma2 semaphore(%run_scoped3A : memref<!tpu.dma_semaphore, #tpu.memory_space<semaphore_mem>>) src(%arg10 : memref<128x128xf32, #tpu.memory_space<vmem>>) dst(%dma_wait3A_65 : memref<128x128xf32, #tpu.memory_space<vmem_shared>>)
      tpu.yield
    }) : () -> ()
    %mul3A_7 = arith.constant 632 : i32
    %mul3A_8 = arith.muli %arg1, %mul3A_7 : i32
    %add3A_9 = arith.constant 128 : i32
    %add3A_10 = arith.addi %mul3A_8, %add3A_9 : i32
    "tpu.region"() ({
      %run_scoped3A = tpu.sem_alloc : memref<!tpu.dma_semaphore, #tpu.memory_space<semaphore_mem>>
      %dma_start3A_59 = arith.constant 0 : i32
      %dma_start3A_60 = tpu.memref_slice %arg12[%add3A_10, %dma_start3A_59] : memref<10112x128xf32, #tpu.memory_space<vmem_shared>> -> memref<128x128xf32, #tpu.memory_space<vmem_shared>>
      %dma_start3A_61 = arith.constant 0 : i32
      %dma_start3A_62 = tpu.memref_slice %arg12[%add3A_10, %dma_start3A_61] : memref<10112x128xf32, #tpu.memory_space<vmem_shared>> -> memref<128x128xf32, #tpu.memory_space<vmem_shared>>
      tpu.enqueue_dma source(%arg10 : memref<128x128xf32, #tpu.memory_space<vmem>>) target(%dma_start3A_62 : memref<128x128xf32, #tpu.memory_space<vmem_shared>>) target_semaphore(%run_scoped3A : memref<!tpu.dma_semaphore, #tpu.memory_space<semaphore_mem>>)
      %dma_wait3A = arith.constant 0 : i32
      %dma_wait3A_63 = tpu.memref_slice %arg12[%add3A_10, %dma_wait3A] : memref<10112x128xf32, #tpu.memory_space<vmem_shared>> -> memref<128x128xf32, #tpu.memory_space<vmem_shared>>
      %dma_wait3A_64 = arith.constant 0 : i32
      %dma_wait3A_65 = tpu.memref_slice %arg12[%add3A_10, %dma_wait3A_64] : memref<10112x128xf32, #tpu.memory_space<vmem_shared>> -> memref<128x128xf32, #tpu.memory_space<vmem_shared>>
      tpu.wait_dma2 semaphore(%run_scoped3A : memref<!tpu.dma_semaphore, #tpu.memory_space<semaphore_mem>>) src(%arg10 : memref<128x128xf32, #tpu.memory_space<vmem>>) dst(%dma_wait3A_65 : memref<128x128xf32, #tpu.memory_space<vmem_shared>>)
      tpu.yield
    }) : () -> ()
    %mul3A_11 = arith.constant 632 : i32
    %mul3A_12 = arith.muli %arg1, %mul3A_11 : i32
    %add3A_13 = arith.constant 256 : i32
    %add3A_14 = arith.addi %mul3A_12, %add3A_13 : i32
    "tpu.region"() ({
      %run_scoped3A = tpu.sem_alloc : memref<!tpu.dma_semaphore, #tpu.memory_space<semaphore_mem>>
      %dma_start3A_59 = arith.constant 0 : i32
      %dma_start3A_60 = tpu.memref_slice %arg12[%add3A_14, %dma_start3A_59] : memref<10112x128xf32, #tpu.memory_space<vmem_shared>> -> memref<128x128xf32, #tpu.memory_space<vmem_shared>>
      %dma_start3A_61 = arith.constant 0 : i32
      %dma_start3A_62 = tpu.memref_slice %arg12[%add3A_14, %dma_start3A_61] : memref<10112x128xf32, #tpu.memory_space<vmem_shared>> -> memref<128x128xf32, #tpu.memory_space<vmem_shared>>
      tpu.enqueue_dma source(%arg10 : memref<128x128xf32, #tpu.memory_space<vmem>>) target(%dma_start3A_62 : memref<128x128xf32, #tpu.memory_space<vmem_shared>>) target_semaphore(%run_scoped3A : memref<!tpu.dma_semaphore, #tpu.memory_space<semaphore_mem>>)
      %dma_wait3A = arith.constant 0 : i32
      %dma_wait3A_63 = tpu.memref_slice %arg12[%add3A_14, %dma_wait3A] : memref<10112x128xf32, #tpu.memory_space<vmem_shared>> -> memref<128x128xf32, #tpu.memory_space<vmem_shared>>
      %dma_wait3A_64 = arith.constant 0 : i32
      %dma_wait3A_65 = tpu.memref_slice %arg12[%add3A_14, %dma_wait3A_64] : memref<10112x128xf32, #tpu.memory_space<vmem_shared>> -> memref<128x128xf32, #tpu.memory_space<vmem_shared>>
      tpu.wait_dma2 semaphore(%run_scoped3A : memref<!tpu.dma_semaphore, #tpu.memory_space<semaphore_mem>>) src(%arg10 : memref<128x128xf32, #tpu.memory_space<vmem>>) dst(%dma_wait3A_65 : memref<128x128xf32, #tpu.memory_space<vmem_shared>>)
      tpu.yield
    }) : () -> ()
    %mul3A_15 = arith.constant 632 : i32
    %mul3A_16 = arith.muli %arg1, %mul3A_15 : i32
    %add3A_17 = arith.constant 384 : i32
    %add3A_18 = arith.addi %mul3A_16, %add3A_17 : i32
    "tpu.region"() ({
      %run_scoped3A = tpu.sem_alloc : memref<!tpu.dma_semaphore, #tpu.memory_space<semaphore_mem>>
      %dma_start3A_59 = arith.constant 0 : i32
      %dma_start3A_60 = tpu.memref_slice %arg12[%add3A_18, %dma_start3A_59] : memref<10112x128xf32, #tpu.memory_space<vmem_shared>> -> memref<128x128xf32, #tpu.memory_space<vmem_shared>>
      %dma_start3A_61 = arith.constant 0 : i32
      %dma_start3A_62 = tpu.memref_slice %arg12[%add3A_18, %dma_start3A_61] : memref<10112x128xf32, #tpu.memory_space<vmem_shared>> -> memref<128x128xf32, #tpu.memory_space<vmem_shared>>
      tpu.enqueue_dma source(%arg10 : memref<128x128xf32, #tpu.memory_space<vmem>>) target(%dma_start3A_62 : memref<128x128xf32, #tpu.memory_space<vmem_shared>>) target_semaphore(%run_scoped3A : memref<!tpu.dma_semaphore, #tpu.memory_space<semaphore_mem>>)
      %dma_wait3A = arith.constant 0 : i32
      %dma_wait3A_63 = tpu.memref_slice %arg12[%add3A_18, %dma_wait3A] : memref<10112x128xf32, #tpu.memory_space<vmem_shared>> -> memref<128x128xf32, #tpu.memory_space<vmem_shared>>
      %dma_wait3A_64 = arith.constant 0 : i32
      %dma_wait3A_65 = tpu.memref_slice %arg12[%add3A_18, %dma_wait3A_64] : memref<10112x128xf32, #tpu.memory_space<vmem_shared>> -> memref<128x128xf32, #tpu.memory_space<vmem_shared>>
      tpu.wait_dma2 semaphore(%run_scoped3A : memref<!tpu.dma_semaphore, #tpu.memory_space<semaphore_mem>>) src(%arg10 : memref<128x128xf32, #tpu.memory_space<vmem>>) dst(%dma_wait3A_65 : memref<128x128xf32, #tpu.memory_space<vmem_shared>>)
      tpu.yield
    }) : () -> ()
    %mul3A_19 = arith.constant 632 : i32
    %mul3A_20 = arith.muli %arg1, %mul3A_19 : i32
    %add3A_21 = arith.constant 512 : i32
    %add3A_22 = arith.addi %mul3A_20, %add3A_21 : i32
    "tpu.region"() ({
      %run_scoped3A = tpu.sem_alloc : memref<!tpu.dma_semaphore, #tpu.memory_space<semaphore_mem>>
      %dma_start3A_59 = arith.constant 0 : i32
      %dma_start3A_60 = arith.constant 0 : i32
      %dma_start3A_61 = tpu.memref_slice %arg10[%dma_start3A_59, %dma_start3A_60] : memref<128x128xf32, #tpu.memory_space<vmem>> -> memref<120x128xf32, #tpu.memory_space<vmem>>
      %dma_start3A_62 = arith.constant 0 : i32
      %dma_start3A_63 = tpu.memref_slice %arg12[%add3A_22, %dma_start3A_62] : memref<10112x128xf32, #tpu.memory_space<vmem_shared>> -> memref<120x128xf32, #tpu.memory_space<vmem_shared>>
      %dma_start3A_64 = arith.constant 0 : i32
      %dma_start3A_65 = tpu.memref_slice %arg12[%add3A_22, %dma_start3A_64] : memref<10112x128xf32, #tpu.memory_space<vmem_shared>> -> memref<120x128xf32, #tpu.memory_space<vmem_shared>>
      %dma_start3A_66 = arith.constant 0 : i32
      %dma_start3A_67 = arith.constant 0 : i32
      %dma_start3A_68 = tpu.memref_slice %arg10[%dma_start3A_66, %dma_start3A_67] : memref<128x128xf32, #tpu.memory_space<vmem>> -> memref<120x128xf32, #tpu.memory_space<vmem>>
      tpu.enqueue_dma source(%dma_start3A_68 : memref<120x128xf32, #tpu.memory_space<vmem>>) target(%dma_start3A_65 : memref<120x128xf32, #tpu.memory_space<vmem_shared>>) target_semaphore(%run_scoped3A : memref<!tpu.dma_semaphore, #tpu.memory_space<semaphore_mem>>)
      %dma_wait3A = arith.constant 0 : i32
      %dma_wait3A_69 = arith.constant 0 : i32
      %dma_wait3A_70 = tpu.memref_slice %arg10[%dma_wait3A, %dma_wait3A_69] : memref<128x128xf32, #tpu.memory_space<vmem>> -> memref<120x128xf32, #tpu.memory_space<vmem>>
      %dma_wait3A_71 = arith.constant 0 : i32
      %dma_wait3A_72 = tpu.memref_slice %arg12[%add3A_22, %dma_wait3A_71] : memref<10112x128xf32, #tpu.memory_space<vmem_shared>> -> memref<120x128xf32, #tpu.memory_space<vmem_shared>>
      %dma_wait3A_73 = arith.constant 0 : i32
      %dma_wait3A_74 = tpu.memref_slice %arg12[%add3A_22, %dma_wait3A_73] : memref<10112x128xf32, #tpu.memory_space<vmem_shared>> -> memref<120x128xf32, #tpu.memory_space<vmem_shared>>
      %dma_wait3A_75 = arith.constant 0 : i32
      %dma_wait3A_76 = arith.constant 0 : i32
      %dma_wait3A_77 = tpu.memref_slice %arg10[%dma_wait3A_75, %dma_wait3A_76] : memref<128x128xf32, #tpu.memory_space<vmem>> -> memref<120x128xf32, #tpu.memory_space<vmem>>
      tpu.wait_dma2 semaphore(%run_scoped3A : memref<!tpu.dma_semaphore, #tpu.memory_space<semaphore_mem>>) src(%dma_wait3A_77 : memref<120x128xf32, #tpu.memory_space<vmem>>) dst(%dma_wait3A_74 : memref<120x128xf32, #tpu.memory_space<vmem_shared>>)
      tpu.yield
    }) : () -> ()
    %barrier3A = arith.constant 0 : index
    tpu.barrier barrier_id(%barrier3A)
    %mul3A_23 = arith.constant 128 : i32
    %mul3A_24 = arith.muli %mul3A_2, %mul3A_23 : i32
    %dma_start3A = tpu.memref_slice %arg3[%mul3A_24] : memref<327680xi32, #tpu.memory_space<hbm>> -> memref<128xi32, #tpu.memory_space<hbm>>
    %dma_start3A_25 = tpu.memref_slice %arg3[%mul3A_24] : memref<327680xi32, #tpu.memory_space<hbm>> -> memref<128xi32, #tpu.memory_space<hbm>>
    tpu.enqueue_dma source(%dma_start3A_25 : memref<128xi32, #tpu.memory_space<hbm>>) target(%arg8 : memref<128xi32, #tpu.memory_space<vmem>>) target_semaphore(%arg15 : memref<!tpu.dma_semaphore, #tpu.memory_space<semaphore_mem>>)
    %dma_start3A_26 = arith.constant 0 : i32
    %dma_start3A_27 = arith.constant 0 : i32
    %dma_start3A_28 = tpu.memref_slice %arg7[%dma_start3A_26, %dma_start3A_27] : memref<80x128xi32, #tpu.memory_space<vmem>> -> memref<1x128xi32, #tpu.memory_space<vmem>>
    %dma_start3A_29 = tpu.memref_squeeze %dma_start3A_28 : memref<1x128xi32, #tpu.memory_space<vmem>> -> memref<128xi32, #tpu.memory_space<vmem>>
    %dma_start3A_30 = arith.constant 0 : i32
    %dma_start3A_31 = arith.constant 0 : i32
    %dma_start3A_32 = tpu.memref_slice %arg4[%dma_start3A_30, %dma_start3A_31] : memref<10112x128xf32, #tpu.memory_space<hbm>> -> memref<10112x128xf32, #tpu.memory_space<hbm>>
    tpu.enqueue_indirect_dma source(%dma_start3A_32 : memref<10112x128xf32, #tpu.memory_space<hbm>>) target(%arg10 : memref<128x128xf32, #tpu.memory_space<vmem>>) offsets(%dma_start3A_29 : memref<128xi32, #tpu.memory_space<vmem>>) semaphore(%arg13 : memref<!tpu.dma_semaphore, #tpu.memory_space<semaphore_mem>>)
    %scan3A = arith.constant 0 : i32
    %scan3A_33 = arith.constant 0 : i32
    %scan3A_34 = arith.constant 40 : i32
    %scan3A_35 = arith.addi %scan3A_33, %scan3A_34 : i32
    %scan3A_36 = arith.constant 1 : i32
    scf.for %scan3A_59 = %scan3A_33 to %scan3A_35 step %scan3A_36  : i32 {
      %mul3A_60 = arith.constant 2 : i32
      %mul3A_61 = arith.muli %mul3A_60, %scan3A_59 : i32
      %add3A_62 = arith.constant 1 : i32
      %add3A_63 = arith.addi %mul3A_61, %add3A_62 : i32
      %mul3A_64 = arith.constant 128 : i32
      %mul3A_65 = arith.muli %add3A_63, %mul3A_64 : i32
      %add3A_66 = arith.addi %mul3A_24, %mul3A_65 : i32
      %dma_start3A_67 = tpu.memref_slice %arg3[%add3A_66] : memref<327680xi32, #tpu.memory_space<hbm>> -> memref<128xi32, #tpu.memory_space<hbm>>
      %dma_start3A_68 = tpu.memref_slice %arg3[%add3A_66] : memref<327680xi32, #tpu.memory_space<hbm>> -> memref<128xi32, #tpu.memory_space<hbm>>
      tpu.enqueue_dma source(%dma_start3A_68 : memref<128xi32, #tpu.memory_space<hbm>>) target(%arg9 : memref<128xi32, #tpu.memory_space<vmem>>) target_semaphore(%arg16 : memref<!tpu.dma_semaphore, #tpu.memory_space<semaphore_mem>>)
      %add3A_69 = arith.constant 1 : i32
      %add3A_70 = arith.addi %mul3A_61, %add3A_69 : i32
      %dma_start3A_71 = arith.constant 0 : i32
      %dma_start3A_72 = tpu.memref_slice %arg7[%add3A_70, %dma_start3A_71] : memref<80x128xi32, #tpu.memory_space<vmem>> -> memref<1x128xi32, #tpu.memory_space<vmem>>
      %dma_start3A_73 = tpu.memref_squeeze %dma_start3A_72 : memref<1x128xi32, #tpu.memory_space<vmem>> -> memref<128xi32, #tpu.memory_space<vmem>>
      %dma_start3A_74 = arith.constant 0 : i32
      %dma_start3A_75 = arith.constant 0 : i32
      %dma_start3A_76 = tpu.memref_slice %arg4[%dma_start3A_74, %dma_start3A_75] : memref<10112x128xf32, #tpu.memory_space<hbm>> -> memref<10112x128xf32, #tpu.memory_space<hbm>>
      tpu.enqueue_indirect_dma source(%dma_start3A_76 : memref<10112x128xf32, #tpu.memory_space<hbm>>) target(%arg11 : memref<128x128xf32, #tpu.memory_space<vmem>>) offsets(%dma_start3A_73 : memref<128xi32, #tpu.memory_space<vmem>>) semaphore(%arg14 : memref<!tpu.dma_semaphore, #tpu.memory_space<semaphore_mem>>)
      %dma_wait3A = arith.constant 0 : i32
      %dma_wait3A_77 = tpu.memref_slice %arg7[%mul3A_61, %dma_wait3A] : memref<80x128xi32, #tpu.memory_space<vmem>> -> memref<1x128xi32, #tpu.memory_space<vmem>>
      %dma_wait3A_78 = tpu.memref_squeeze %dma_wait3A_77 : memref<1x128xi32, #tpu.memory_space<vmem>> -> memref<128xi32, #tpu.memory_space<vmem>>
      %dma_wait3A_79 = arith.constant 0 : i32
      %dma_wait3A_80 = arith.constant 0 : i32
      %dma_wait3A_81 = tpu.memref_slice %arg4[%dma_wait3A_79, %dma_wait3A_80] : memref<10112x128xf32, #tpu.memory_space<hbm>> -> memref<10112x128xf32, #tpu.memory_space<hbm>>
      tpu.wait_indirect_dma semaphore(%arg13 : memref<!tpu.dma_semaphore, #tpu.memory_space<semaphore_mem>>) src(%dma_wait3A_81 : memref<10112x128xf32, #tpu.memory_space<hbm>>) dst(%arg10 : memref<128x128xf32, #tpu.memory_space<vmem>>)
      %dma_wait3A_82 = tpu.memref_slice %arg3[%mul3A_24] : memref<327680xi32, #tpu.memory_space<hbm>> -> memref<128xi32, #tpu.memory_space<hbm>>
      %dma_wait3A_83 = tpu.memref_slice %arg3[%mul3A_24] : memref<327680xi32, #tpu.memory_space<hbm>> -> memref<128xi32, #tpu.memory_space<hbm>>
      tpu.wait_dma2 semaphore(%arg15 : memref<!tpu.dma_semaphore, #tpu.memory_space<semaphore_mem>>) src(%dma_wait3A_83 : memref<128xi32, #tpu.memory_space<hbm>>) dst(%arg8 : memref<128xi32, #tpu.memory_space<vmem>>)
      "tpu.region"() ({
        %run_scoped3A = tpu.sem_alloc : memref<!tpu.dma_semaphore, #tpu.memory_space<semaphore_mem>>
        %dma_start3A_98 = arith.constant 0 : i32
        %dma_start3A_99 = arith.constant 0 : i32
        %dma_start3A_100 = tpu.memref_slice %arg12[%dma_start3A_98, %dma_start3A_99] : memref<10112x128xf32, #tpu.memory_space<vmem_shared>> -> memref<10112x128xf32, #tpu.memory_space<vmem_shared>>
        tpu.enqueue_indirect_dma source(%arg10 : memref<128x128xf32, #tpu.memory_space<vmem>>) target(%dma_start3A_100 : memref<10112x128xf32, #tpu.memory_space<vmem_shared>>) offsets(%arg8 : memref<128xi32, #tpu.memory_space<vmem>>) semaphore(%run_scoped3A : memref<!tpu.dma_semaphore, #tpu.memory_space<semaphore_mem>>) {add = true}
        %dma_wait3A_101 = arith.constant 0 : i32
        %dma_wait3A_102 = arith.constant 0 : i32
        %dma_wait3A_103 = tpu.memref_slice %arg12[%dma_wait3A_101, %dma_wait3A_102] : memref<10112x128xf32, #tpu.memory_space<vmem_shared>> -> memref<10112x128xf32, #tpu.memory_space<vmem_shared>>
        tpu.wait_indirect_dma semaphore(%run_scoped3A : memref<!tpu.dma_semaphore, #tpu.memory_space<semaphore_mem>>) src(%arg10 : memref<128x128xf32, #tpu.memory_space<vmem>>) dst(%dma_wait3A_103 : memref<10112x128xf32, #tpu.memory_space<vmem_shared>>)
        tpu.yield
      }) : () -> ()
      %add3A_84 = arith.constant 2 : i32
      %add3A_85 = arith.addi %mul3A_61, %add3A_84 : i32
      %lt3A = arith.constant 80 : i32
      %lt3A_86 = arith.cmpi slt, %add3A_85, %lt3A : i32
      %convert_element_type3A = arith.extui %lt3A_86 : i1 to i32
      %cond3A = arith.constant 0 : i32
      %cond3A_87 = arith.cmpi ne, %convert_element_type3A, %cond3A : i32
      scf.if %cond3A_87 {
        %add3A_98 = arith.constant 2 : i32
        %add3A_99 = arith.addi %mul3A_61, %add3A_98 : i32
        %mul3A_100 = arith.constant 128 : i32
        %mul3A_101 = arith.muli %add3A_99, %mul3A_100 : i32
        %add3A_102 = arith.addi %mul3A_24, %mul3A_101 : i32
        %dma_start3A_103 = tpu.memref_slice %arg3[%add3A_102] : memref<327680xi32, #tpu.memory_space<hbm>> -> memref<128xi32, #tpu.memory_space<hbm>>
        %dma_start3A_104 = tpu.memref_slice %arg3[%add3A_102] : memref<327680xi32, #tpu.memory_space<hbm>> -> memref<128xi32, #tpu.memory_space<hbm>>
        tpu.enqueue_dma source(%dma_start3A_104 : memref<128xi32, #tpu.memory_space<hbm>>) target(%arg8 : memref<128xi32, #tpu.memory_space<vmem>>) target_semaphore(%arg15 : memref<!tpu.dma_semaphore, #tpu.memory_space<semaphore_mem>>)
        %add3A_105 = arith.constant 2 : i32
        %add3A_106 = arith.addi %mul3A_61, %add3A_105 : i32
        %dma_start3A_107 = arith.constant 0 : i32
        %dma_start3A_108 = tpu.memref_slice %arg7[%add3A_106, %dma_start3A_107] : memref<80x128xi32, #tpu.memory_space<vmem>> -> memref<1x128xi32, #tpu.memory_space<vmem>>
        %dma_start3A_109 = tpu.memref_squeeze %dma_start3A_108 : memref<1x128xi32, #tpu.memory_space<vmem>> -> memref<128xi32, #tpu.memory_space<vmem>>
        %dma_start3A_110 = arith.constant 0 : i32
        %dma_start3A_111 = arith.constant 0 : i32
        %dma_start3A_112 = tpu.memref_slice %arg4[%dma_start3A_110, %dma_start3A_111] : memref<10112x128xf32, #tpu.memory_space<hbm>> -> memref<10112x128xf32, #tpu.memory_space<hbm>>
        tpu.enqueue_indirect_dma source(%dma_start3A_112 : memref<10112x128xf32, #tpu.memory_space<hbm>>) target(%arg10 : memref<128x128xf32, #tpu.memory_space<vmem>>) offsets(%dma_start3A_109 : memref<128xi32, #tpu.memory_space<vmem>>) semaphore(%arg13 : memref<!tpu.dma_semaphore, #tpu.memory_space<semaphore_mem>>)
      } else {
      }
      %add3A_88 = arith.constant 1 : i32
      %add3A_89 = arith.addi %mul3A_61, %add3A_88 : i32
      %dma_wait3A_90 = arith.constant 0 : i32
      %dma_wait3A_91 = tpu.memref_slice %arg7[%add3A_89, %dma_wait3A_90] : memref<80x128xi32, #tpu.memory_space<vmem>> -> memref<1x128xi32, #tpu.memory_space<vmem>>
      %dma_wait3A_92 = tpu.memref_squeeze %dma_wait3A_91 : memref<1x128xi32, #tpu.memory_space<vmem>> -> memref<128xi32, #tpu.memory_space<vmem>>
      %dma_wait3A_93 = arith.constant 0 : i32
      %dma_wait3A_94 = arith.constant 0 : i32
      %dma_wait3A_95 = tpu.memref_slice %arg4[%dma_wait3A_93, %dma_wait3A_94] : memref<10112x128xf32, #tpu.memory_space<hbm>> -> memref<10112x128xf32, #tpu.memory_space<hbm>>
      tpu.wait_indirect_dma semaphore(%arg14 : memref<!tpu.dma_semaphore, #tpu.memory_space<semaphore_mem>>) src(%dma_wait3A_95 : memref<10112x128xf32, #tpu.memory_space<hbm>>) dst(%arg11 : memref<128x128xf32, #tpu.memory_space<vmem>>)
      %dma_wait3A_96 = tpu.memref_slice %arg3[%mul3A_24] : memref<327680xi32, #tpu.memory_space<hbm>> -> memref<128xi32, #tpu.memory_space<hbm>>
      %dma_wait3A_97 = tpu.memref_slice %arg3[%mul3A_24] : memref<327680xi32, #tpu.memory_space<hbm>> -> memref<128xi32, #tpu.memory_space<hbm>>
      tpu.wait_dma2 semaphore(%arg16 : memref<!tpu.dma_semaphore, #tpu.memory_space<semaphore_mem>>) src(%dma_wait3A_97 : memref<128xi32, #tpu.memory_space<hbm>>) dst(%arg9 : memref<128xi32, #tpu.memory_space<vmem>>)
      "tpu.region"() ({
        %run_scoped3A = tpu.sem_alloc : memref<!tpu.dma_semaphore, #tpu.memory_space<semaphore_mem>>
        %dma_start3A_98 = arith.constant 0 : i32
        %dma_start3A_99 = arith.constant 0 : i32
        %dma_start3A_100 = tpu.memref_slice %arg12[%dma_start3A_98, %dma_start3A_99] : memref<10112x128xf32, #tpu.memory_space<vmem_shared>> -> memref<10112x128xf32, #tpu.memory_space<vmem_shared>>
        tpu.enqueue_indirect_dma source(%arg11 : memref<128x128xf32, #tpu.memory_space<vmem>>) target(%dma_start3A_100 : memref<10112x128xf32, #tpu.memory_space<vmem_shared>>) offsets(%arg9 : memref<128xi32, #tpu.memory_space<vmem>>) semaphore(%run_scoped3A : memref<!tpu.dma_semaphore, #tpu.memory_space<semaphore_mem>>) {add = true}
        %dma_wait3A_101 = arith.constant 0 : i32
        %dma_wait3A_102 = arith.constant 0 : i32
        %dma_wait3A_103 = tpu.memref_slice %arg12[%dma_wait3A_101, %dma_wait3A_102] : memref<10112x128xf32, #tpu.memory_space<vmem_shared>> -> memref<10112x128xf32, #tpu.memory_space<vmem_shared>>
        tpu.wait_indirect_dma semaphore(%run_scoped3A : memref<!tpu.dma_semaphore, #tpu.memory_space<semaphore_mem>>) src(%arg11 : memref<128x128xf32, #tpu.memory_space<vmem>>) dst(%dma_wait3A_103 : memref<10112x128xf32, #tpu.memory_space<vmem_shared>>)
        tpu.yield
      }) : () -> ()
    }
    %scan3A_37 = arith.constant 40 : i32
    %barrier3A_38 = arith.constant 0 : index
    tpu.barrier barrier_id(%barrier3A_38)
    %mul3A_39 = arith.constant 632 : i32
    %mul3A_40 = arith.muli %arg1, %mul3A_39 : i32
    %add3A_41 = arith.constant 0 : i32
    %add3A_42 = arith.addi %mul3A_40, %add3A_41 : i32
    "tpu.region"() ({
      %run_scoped3A = tpu.sem_alloc : memref<!tpu.dma_semaphore, #tpu.memory_space<semaphore_mem>>
      %dma_start3A_59 = arith.constant 0 : i32
      %dma_start3A_60 = tpu.memref_slice %arg12[%add3A_42, %dma_start3A_59] : memref<10112x128xf32, #tpu.memory_space<vmem_shared>> -> memref<128x128xf32, #tpu.memory_space<vmem_shared>>
      %dma_start3A_61 = arith.constant 0 : i32
      %dma_start3A_62 = tpu.memref_slice %arg12[%add3A_42, %dma_start3A_61] : memref<10112x128xf32, #tpu.memory_space<vmem_shared>> -> memref<128x128xf32, #tpu.memory_space<vmem_shared>>
      tpu.enqueue_dma source(%dma_start3A_62 : memref<128x128xf32, #tpu.memory_space<vmem_shared>>) target(%arg10 : memref<128x128xf32, #tpu.memory_space<vmem>>) target_semaphore(%run_scoped3A : memref<!tpu.dma_semaphore, #tpu.memory_space<semaphore_mem>>)
      %dma_wait3A = arith.constant 0 : i32
      %dma_wait3A_63 = tpu.memref_slice %arg12[%add3A_42, %dma_wait3A] : memref<10112x128xf32, #tpu.memory_space<vmem_shared>> -> memref<128x128xf32, #tpu.memory_space<vmem_shared>>
      %dma_wait3A_64 = arith.constant 0 : i32
      %dma_wait3A_65 = tpu.memref_slice %arg12[%add3A_42, %dma_wait3A_64] : memref<10112x128xf32, #tpu.memory_space<vmem_shared>> -> memref<128x128xf32, #tpu.memory_space<vmem_shared>>
      tpu.wait_dma2 semaphore(%run_scoped3A : memref<!tpu.dma_semaphore, #tpu.memory_space<semaphore_mem>>) src(%dma_wait3A_65 : memref<128x128xf32, #tpu.memory_space<vmem_shared>>) dst(%arg10 : memref<128x128xf32, #tpu.memory_space<vmem>>)
      tpu.yield
    }) : () -> ()
    "tpu.region"() ({
      %run_scoped3A = tpu.sem_alloc : memref<!tpu.dma_semaphore, #tpu.memory_space<semaphore_mem>>
      %dma_start3A_59 = arith.constant 0 : i32
      %dma_start3A_60 = arith.constant 0 : i32
      %dma_start3A_61 = tpu.memref_slice %arg6[%arg0, %dma_start3A_59, %dma_start3A_60] : memref<2x10112x128xf32, #tpu.memory_space<hbm>> -> memref<1x10112x128xf32, #tpu.memory_space<hbm>>
      %dma_start3A_62 = tpu.memref_squeeze %dma_start3A_61 : memref<1x10112x128xf32, #tpu.memory_space<hbm>> -> memref<10112x128xf32, #tpu.memory_space<hbm>>
      %dma_start3A_63 = arith.constant 0 : i32
      %dma_start3A_64 = tpu.memref_slice %dma_start3A_62[%add3A_42, %dma_start3A_63] : memref<10112x128xf32, #tpu.memory_space<hbm>> -> memref<128x128xf32, #tpu.memory_space<hbm>>
      %dma_start3A_65 = arith.constant 0 : i32
      %dma_start3A_66 = arith.constant 0 : i32
      %dma_start3A_67 = tpu.memref_slice %arg6[%arg0, %dma_start3A_65, %dma_start3A_66] : memref<2x10112x128xf32, #tpu.memory_space<hbm>> -> memref<1x10112x128xf32, #tpu.memory_space<hbm>>
      %dma_start3A_68 = tpu.memref_squeeze %dma_start3A_67 : memref<1x10112x128xf32, #tpu.memory_space<hbm>> -> memref<10112x128xf32, #tpu.memory_space<hbm>>
      %dma_start3A_69 = arith.constant 0 : i32
      %dma_start3A_70 = tpu.memref_slice %dma_start3A_68[%add3A_42, %dma_start3A_69] : memref<10112x128xf32, #tpu.memory_space<hbm>> -> memref<128x128xf32, #tpu.memory_space<hbm>>
      tpu.enqueue_dma source(%arg10 : memref<128x128xf32, #tpu.memory_space<vmem>>) target(%dma_start3A_70 : memref<128x128xf32, #tpu.memory_space<hbm>>) target_semaphore(%run_scoped3A : memref<!tpu.dma_semaphore, #tpu.memory_space<semaphore_mem>>)
      %dma_wait3A = arith.constant 0 : i32
      %dma_wait3A_71 = arith.constant 0 : i32
      %dma_wait3A_72 = tpu.memref_slice %arg6[%arg0, %dma_wait3A, %dma_wait3A_71] : memref<2x10112x128xf32, #tpu.memory_space<hbm>> -> memref<1x10112x128xf32, #tpu.memory_space<hbm>>
      %dma_wait3A_73 = tpu.memref_squeeze %dma_wait3A_72 : memref<1x10112x128xf32, #tpu.memory_space<hbm>> -> memref<10112x128xf32, #tpu.memory_space<hbm>>
      %dma_wait3A_74 = arith.constant 0 : i32
      %dma_wait3A_75 = tpu.memref_slice %dma_wait3A_73[%add3A_42, %dma_wait3A_74] : memref<10112x128xf32, #tpu.memory_space<hbm>> -> memref<128x128xf32, #tpu.memory_space<hbm>>
      %dma_wait3A_76 = arith.constant 0 : i32
      %dma_wait3A_77 = arith.constant 0 : i32
      %dma_wait3A_78 = tpu.memref_slice %arg6[%arg0, %dma_wait3A_76, %dma_wait3A_77] : memref<2x10112x128xf32, #tpu.memory_space<hbm>> -> memref<1x10112x128xf32, #tpu.memory_space<hbm>>
      %dma_wait3A_79 = tpu.memref_squeeze %dma_wait3A_78 : memref<1x10112x128xf32, #tpu.memory_space<hbm>> -> memref<10112x128xf32, #tpu.memory_space<hbm>>
      %dma_wait3A_80 = arith.constant 0 : i32
      %dma_wait3A_81 = tpu.memref_slice %dma_wait3A_79[%add3A_42, %dma_wait3A_80] : memref<10112x128xf32, #tpu.memory_space<hbm>> -> memref<128x128xf32, #tpu.memory_space<hbm>>
      tpu.wait_dma2 semaphore(%run_scoped3A : memref<!tpu.dma_semaphore, #tpu.memory_space<semaphore_mem>>) src(%arg10 : memref<128x128xf32, #tpu.memory_space<vmem>>) dst(%dma_wait3A_81 : memref<128x128xf32, #tpu.memory_space<hbm>>)
      tpu.yield
    }) : () -> ()
    %mul3A_43 = arith.constant 632 : i32
    %mul3A_44 = arith.muli %arg1, %mul3A_43 : i32
    %add3A_45 = arith.constant 128 : i32
    %add3A_46 = arith.addi %mul3A_44, %add3A_45 : i32
    "tpu.region"() ({
      %run_scoped3A = tpu.sem_alloc : memref<!tpu.dma_semaphore, #tpu.memory_space<semaphore_mem>>
      %dma_start3A_59 = arith.constant 0 : i32
      %dma_start3A_60 = tpu.memref_slice %arg12[%add3A_46, %dma_start3A_59] : memref<10112x128xf32, #tpu.memory_space<vmem_shared>> -> memref<128x128xf32, #tpu.memory_space<vmem_shared>>
      %dma_start3A_61 = arith.constant 0 : i32
      %dma_start3A_62 = tpu.memref_slice %arg12[%add3A_46, %dma_start3A_61] : memref<10112x128xf32, #tpu.memory_space<vmem_shared>> -> memref<128x128xf32, #tpu.memory_space<vmem_shared>>
      tpu.enqueue_dma source(%dma_start3A_62 : memref<128x128xf32, #tpu.memory_space<vmem_shared>>) target(%arg10 : memref<128x128xf32, #tpu.memory_space<vmem>>) target_semaphore(%run_scoped3A : memref<!tpu.dma_semaphore, #tpu.memory_space<semaphore_mem>>)
      %dma_wait3A = arith.constant 0 : i32
      %dma_wait3A_63 = tpu.memref_slice %arg12[%add3A_46, %dma_wait3A] : memref<10112x128xf32, #tpu.memory_space<vmem_shared>> -> memref<128x128xf32, #tpu.memory_space<vmem_shared>>
      %dma_wait3A_64 = arith.constant 0 : i32
      %dma_wait3A_65 = tpu.memref_slice %arg12[%add3A_46, %dma_wait3A_64] : memref<10112x128xf32, #tpu.memory_space<vmem_shared>> -> memref<128x128xf32, #tpu.memory_space<vmem_shared>>
      tpu.wait_dma2 semaphore(%run_scoped3A : memref<!tpu.dma_semaphore, #tpu.memory_space<semaphore_mem>>) src(%dma_wait3A_65 : memref<128x128xf32, #tpu.memory_space<vmem_shared>>) dst(%arg10 : memref<128x128xf32, #tpu.memory_space<vmem>>)
      tpu.yield
    }) : () -> ()
    "tpu.region"() ({
      %run_scoped3A = tpu.sem_alloc : memref<!tpu.dma_semaphore, #tpu.memory_space<semaphore_mem>>
      %dma_start3A_59 = arith.constant 0 : i32
      %dma_start3A_60 = arith.constant 0 : i32
      %dma_start3A_61 = tpu.memref_slice %arg6[%arg0, %dma_start3A_59, %dma_start3A_60] : memref<2x10112x128xf32, #tpu.memory_space<hbm>> -> memref<1x10112x128xf32, #tpu.memory_space<hbm>>
      %dma_start3A_62 = tpu.memref_squeeze %dma_start3A_61 : memref<1x10112x128xf32, #tpu.memory_space<hbm>> -> memref<10112x128xf32, #tpu.memory_space<hbm>>
      %dma_start3A_63 = arith.constant 0 : i32
      %dma_start3A_64 = tpu.memref_slice %dma_start3A_62[%add3A_46, %dma_start3A_63] : memref<10112x128xf32, #tpu.memory_space<hbm>> -> memref<128x128xf32, #tpu.memory_space<hbm>>
      %dma_start3A_65 = arith.constant 0 : i32
      %dma_start3A_66 = arith.constant 0 : i32
      %dma_start3A_67 = tpu.memref_slice %arg6[%arg0, %dma_start3A_65, %dma_start3A_66] : memref<2x10112x128xf32, #tpu.memory_space<hbm>> -> memref<1x10112x128xf32, #tpu.memory_space<hbm>>
      %dma_start3A_68 = tpu.memref_squeeze %dma_start3A_67 : memref<1x10112x128xf32, #tpu.memory_space<hbm>> -> memref<10112x128xf32, #tpu.memory_space<hbm>>
      %dma_start3A_69 = arith.constant 0 : i32
      %dma_start3A_70 = tpu.memref_slice %dma_start3A_68[%add3A_46, %dma_start3A_69] : memref<10112x128xf32, #tpu.memory_space<hbm>> -> memref<128x128xf32, #tpu.memory_space<hbm>>
      tpu.enqueue_dma source(%arg10 : memref<128x128xf32, #tpu.memory_space<vmem>>) target(%dma_start3A_70 : memref<128x128xf32, #tpu.memory_space<hbm>>) target_semaphore(%run_scoped3A : memref<!tpu.dma_semaphore, #tpu.memory_space<semaphore_mem>>)
      %dma_wait3A = arith.constant 0 : i32
      %dma_wait3A_71 = arith.constant 0 : i32
      %dma_wait3A_72 = tpu.memref_slice %arg6[%arg0, %dma_wait3A, %dma_wait3A_71] : memref<2x10112x128xf32, #tpu.memory_space<hbm>> -> memref<1x10112x128xf32, #tpu.memory_space<hbm>>
      %dma_wait3A_73 = tpu.memref_squeeze %dma_wait3A_72 : memref<1x10112x128xf32, #tpu.memory_space<hbm>> -> memref<10112x128xf32, #tpu.memory_space<hbm>>
      %dma_wait3A_74 = arith.constant 0 : i32
      %dma_wait3A_75 = tpu.memref_slice %dma_wait3A_73[%add3A_46, %dma_wait3A_74] : memref<10112x128xf32, #tpu.memory_space<hbm>> -> memref<128x128xf32, #tpu.memory_space<hbm>>
      %dma_wait3A_76 = arith.constant 0 : i32
      %dma_wait3A_77 = arith.constant 0 : i32
      %dma_wait3A_78 = tpu.memref_slice %arg6[%arg0, %dma_wait3A_76, %dma_wait3A_77] : memref<2x10112x128xf32, #tpu.memory_space<hbm>> -> memref<1x10112x128xf32, #tpu.memory_space<hbm>>
      %dma_wait3A_79 = tpu.memref_squeeze %dma_wait3A_78 : memref<1x10112x128xf32, #tpu.memory_space<hbm>> -> memref<10112x128xf32, #tpu.memory_space<hbm>>
      %dma_wait3A_80 = arith.constant 0 : i32
      %dma_wait3A_81 = tpu.memref_slice %dma_wait3A_79[%add3A_46, %dma_wait3A_80] : memref<10112x128xf32, #tpu.memory_space<hbm>> -> memref<128x128xf32, #tpu.memory_space<hbm>>
      tpu.wait_dma2 semaphore(%run_scoped3A : memref<!tpu.dma_semaphore, #tpu.memory_space<semaphore_mem>>) src(%arg10 : memref<128x128xf32, #tpu.memory_space<vmem>>) dst(%dma_wait3A_81 : memref<128x128xf32, #tpu.memory_space<hbm>>)
      tpu.yield
    }) : () -> ()
    %mul3A_47 = arith.constant 632 : i32
    %mul3A_48 = arith.muli %arg1, %mul3A_47 : i32
    %add3A_49 = arith.constant 256 : i32
    %add3A_50 = arith.addi %mul3A_48, %add3A_49 : i32
    "tpu.region"() ({
      %run_scoped3A = tpu.sem_alloc : memref<!tpu.dma_semaphore, #tpu.memory_space<semaphore_mem>>
      %dma_start3A_59 = arith.constant 0 : i32
      %dma_start3A_60 = tpu.memref_slice %arg12[%add3A_50, %dma_start3A_59] : memref<10112x128xf32, #tpu.memory_space<vmem_shared>> -> memref<128x128xf32, #tpu.memory_space<vmem_shared>>
      %dma_start3A_61 = arith.constant 0 : i32
      %dma_start3A_62 = tpu.memref_slice %arg12[%add3A_50, %dma_start3A_61] : memref<10112x128xf32, #tpu.memory_space<vmem_shared>> -> memref<128x128xf32, #tpu.memory_space<vmem_shared>>
      tpu.enqueue_dma source(%dma_start3A_62 : memref<128x128xf32, #tpu.memory_space<vmem_shared>>) target(%arg10 : memref<128x128xf32, #tpu.memory_space<vmem>>) target_semaphore(%run_scoped3A : memref<!tpu.dma_semaphore, #tpu.memory_space<semaphore_mem>>)
      %dma_wait3A = arith.constant 0 : i32
      %dma_wait3A_63 = tpu.memref_slice %arg12[%add3A_50, %dma_wait3A] : memref<10112x128xf32, #tpu.memory_space<vmem_shared>> -> memref<128x128xf32, #tpu.memory_space<vmem_shared>>
      %dma_wait3A_64 = arith.constant 0 : i32
      %dma_wait3A_65 = tpu.memref_slice %arg12[%add3A_50, %dma_wait3A_64] : memref<10112x128xf32, #tpu.memory_space<vmem_shared>> -> memref<128x128xf32, #tpu.memory_space<vmem_shared>>
      tpu.wait_dma2 semaphore(%run_scoped3A : memref<!tpu.dma_semaphore, #tpu.memory_space<semaphore_mem>>) src(%dma_wait3A_65 : memref<128x128xf32, #tpu.memory_space<vmem_shared>>) dst(%arg10 : memref<128x128xf32, #tpu.memory_space<vmem>>)
      tpu.yield
    }) : () -> ()
    "tpu.region"() ({
      %run_scoped3A = tpu.sem_alloc : memref<!tpu.dma_semaphore, #tpu.memory_space<semaphore_mem>>
      %dma_start3A_59 = arith.constant 0 : i32
      %dma_start3A_60 = arith.constant 0 : i32
      %dma_start3A_61 = tpu.memref_slice %arg6[%arg0, %dma_start3A_59, %dma_start3A_60] : memref<2x10112x128xf32, #tpu.memory_space<hbm>> -> memref<1x10112x128xf32, #tpu.memory_space<hbm>>
      %dma_start3A_62 = tpu.memref_squeeze %dma_start3A_61 : memref<1x10112x128xf32, #tpu.memory_space<hbm>> -> memref<10112x128xf32, #tpu.memory_space<hbm>>
      %dma_start3A_63 = arith.constant 0 : i32
      %dma_start3A_64 = tpu.memref_slice %dma_start3A_62[%add3A_50, %dma_start3A_63] : memref<10112x128xf32, #tpu.memory_space<hbm>> -> memref<128x128xf32, #tpu.memory_space<hbm>>
      %dma_start3A_65 = arith.constant 0 : i32
      %dma_start3A_66 = arith.constant 0 : i32
      %dma_start3A_67 = tpu.memref_slice %arg6[%arg0, %dma_start3A_65, %dma_start3A_66] : memref<2x10112x128xf32, #tpu.memory_space<hbm>> -> memref<1x10112x128xf32, #tpu.memory_space<hbm>>
      %dma_start3A_68 = tpu.memref_squeeze %dma_start3A_67 : memref<1x10112x128xf32, #tpu.memory_space<hbm>> -> memref<10112x128xf32, #tpu.memory_space<hbm>>
      %dma_start3A_69 = arith.constant 0 : i32
      %dma_start3A_70 = tpu.memref_slice %dma_start3A_68[%add3A_50, %dma_start3A_69] : memref<10112x128xf32, #tpu.memory_space<hbm>> -> memref<128x128xf32, #tpu.memory_space<hbm>>
      tpu.enqueue_dma source(%arg10 : memref<128x128xf32, #tpu.memory_space<vmem>>) target(%dma_start3A_70 : memref<128x128xf32, #tpu.memory_space<hbm>>) target_semaphore(%run_scoped3A : memref<!tpu.dma_semaphore, #tpu.memory_space<semaphore_mem>>)
      %dma_wait3A = arith.constant 0 : i32
      %dma_wait3A_71 = arith.constant 0 : i32
      %dma_wait3A_72 = tpu.memref_slice %arg6[%arg0, %dma_wait3A, %dma_wait3A_71] : memref<2x10112x128xf32, #tpu.memory_space<hbm>> -> memref<1x10112x128xf32, #tpu.memory_space<hbm>>
      %dma_wait3A_73 = tpu.memref_squeeze %dma_wait3A_72 : memref<1x10112x128xf32, #tpu.memory_space<hbm>> -> memref<10112x128xf32, #tpu.memory_space<hbm>>
      %dma_wait3A_74 = arith.constant 0 : i32
      %dma_wait3A_75 = tpu.memref_slice %dma_wait3A_73[%add3A_50, %dma_wait3A_74] : memref<10112x128xf32, #tpu.memory_space<hbm>> -> memref<128x128xf32, #tpu.memory_space<hbm>>
      %dma_wait3A_76 = arith.constant 0 : i32
      %dma_wait3A_77 = arith.constant 0 : i32
      %dma_wait3A_78 = tpu.memref_slice %arg6[%arg0, %dma_wait3A_76, %dma_wait3A_77] : memref<2x10112x128xf32, #tpu.memory_space<hbm>> -> memref<1x10112x128xf32, #tpu.memory_space<hbm>>
      %dma_wait3A_79 = tpu.memref_squeeze %dma_wait3A_78 : memref<1x10112x128xf32, #tpu.memory_space<hbm>> -> memref<10112x128xf32, #tpu.memory_space<hbm>>
      %dma_wait3A_80 = arith.constant 0 : i32
      %dma_wait3A_81 = tpu.memref_slice %dma_wait3A_79[%add3A_50, %dma_wait3A_80] : memref<10112x128xf32, #tpu.memory_space<hbm>> -> memref<128x128xf32, #tpu.memory_space<hbm>>
      tpu.wait_dma2 semaphore(%run_scoped3A : memref<!tpu.dma_semaphore, #tpu.memory_space<semaphore_mem>>) src(%arg10 : memref<128x128xf32, #tpu.memory_space<vmem>>) dst(%dma_wait3A_81 : memref<128x128xf32, #tpu.memory_space<hbm>>)
      tpu.yield
    }) : () -> ()
    %mul3A_51 = arith.constant 632 : i32
    %mul3A_52 = arith.muli %arg1, %mul3A_51 : i32
    %add3A_53 = arith.constant 384 : i32
    %add3A_54 = arith.addi %mul3A_52, %add3A_53 : i32
    "tpu.region"() ({
      %run_scoped3A = tpu.sem_alloc : memref<!tpu.dma_semaphore, #tpu.memory_space<semaphore_mem>>
      %dma_start3A_59 = arith.constant 0 : i32
      %dma_start3A_60 = tpu.memref_slice %arg12[%add3A_54, %dma_start3A_59] : memref<10112x128xf32, #tpu.memory_space<vmem_shared>> -> memref<128x128xf32, #tpu.memory_space<vmem_shared>>
      %dma_start3A_61 = arith.constant 0 : i32
      %dma_start3A_62 = tpu.memref_slice %arg12[%add3A_54, %dma_start3A_61] : memref<10112x128xf32, #tpu.memory_space<vmem_shared>> -> memref<128x128xf32, #tpu.memory_space<vmem_shared>>
      tpu.enqueue_dma source(%dma_start3A_62 : memref<128x128xf32, #tpu.memory_space<vmem_shared>>) target(%arg10 : memref<128x128xf32, #tpu.memory_space<vmem>>) target_semaphore(%run_scoped3A : memref<!tpu.dma_semaphore, #tpu.memory_space<semaphore_mem>>)
      %dma_wait3A = arith.constant 0 : i32
      %dma_wait3A_63 = tpu.memref_slice %arg12[%add3A_54, %dma_wait3A] : memref<10112x128xf32, #tpu.memory_space<vmem_shared>> -> memref<128x128xf32, #tpu.memory_space<vmem_shared>>
      %dma_wait3A_64 = arith.constant 0 : i32
      %dma_wait3A_65 = tpu.memref_slice %arg12[%add3A_54, %dma_wait3A_64] : memref<10112x128xf32, #tpu.memory_space<vmem_shared>> -> memref<128x128xf32, #tpu.memory_space<vmem_shared>>
      tpu.wait_dma2 semaphore(%run_scoped3A : memref<!tpu.dma_semaphore, #tpu.memory_space<semaphore_mem>>) src(%dma_wait3A_65 : memref<128x128xf32, #tpu.memory_space<vmem_shared>>) dst(%arg10 : memref<128x128xf32, #tpu.memory_space<vmem>>)
      tpu.yield
    }) : () -> ()
    "tpu.region"() ({
      %run_scoped3A = tpu.sem_alloc : memref<!tpu.dma_semaphore, #tpu.memory_space<semaphore_mem>>
      %dma_start3A_59 = arith.constant 0 : i32
      %dma_start3A_60 = arith.constant 0 : i32
      %dma_start3A_61 = tpu.memref_slice %arg6[%arg0, %dma_start3A_59, %dma_start3A_60] : memref<2x10112x128xf32, #tpu.memory_space<hbm>> -> memref<1x10112x128xf32, #tpu.memory_space<hbm>>
      %dma_start3A_62 = tpu.memref_squeeze %dma_start3A_61 : memref<1x10112x128xf32, #tpu.memory_space<hbm>> -> memref<10112x128xf32, #tpu.memory_space<hbm>>
      %dma_start3A_63 = arith.constant 0 : i32
      %dma_start3A_64 = tpu.memref_slice %dma_start3A_62[%add3A_54, %dma_start3A_63] : memref<10112x128xf32, #tpu.memory_space<hbm>> -> memref<128x128xf32, #tpu.memory_space<hbm>>
      %dma_start3A_65 = arith.constant 0 : i32
      %dma_start3A_66 = arith.constant 0 : i32
      %dma_start3A_67 = tpu.memref_slice %arg6[%arg0, %dma_start3A_65, %dma_start3A_66] : memref<2x10112x128xf32, #tpu.memory_space<hbm>> -> memref<1x10112x128xf32, #tpu.memory_space<hbm>>
      %dma_start3A_68 = tpu.memref_squeeze %dma_start3A_67 : memref<1x10112x128xf32, #tpu.memory_space<hbm>> -> memref<10112x128xf32, #tpu.memory_space<hbm>>
      %dma_start3A_69 = arith.constant 0 : i32
      %dma_start3A_70 = tpu.memref_slice %dma_start3A_68[%add3A_54, %dma_start3A_69] : memref<10112x128xf32, #tpu.memory_space<hbm>> -> memref<128x128xf32, #tpu.memory_space<hbm>>
      tpu.enqueue_dma source(%arg10 : memref<128x128xf32, #tpu.memory_space<vmem>>) target(%dma_start3A_70 : memref<128x128xf32, #tpu.memory_space<hbm>>) target_semaphore(%run_scoped3A : memref<!tpu.dma_semaphore, #tpu.memory_space<semaphore_mem>>)
      %dma_wait3A = arith.constant 0 : i32
      %dma_wait3A_71 = arith.constant 0 : i32
      %dma_wait3A_72 = tpu.memref_slice %arg6[%arg0, %dma_wait3A, %dma_wait3A_71] : memref<2x10112x128xf32, #tpu.memory_space<hbm>> -> memref<1x10112x128xf32, #tpu.memory_space<hbm>>
      %dma_wait3A_73 = tpu.memref_squeeze %dma_wait3A_72 : memref<1x10112x128xf32, #tpu.memory_space<hbm>> -> memref<10112x128xf32, #tpu.memory_space<hbm>>
      %dma_wait3A_74 = arith.constant 0 : i32
      %dma_wait3A_75 = tpu.memref_slice %dma_wait3A_73[%add3A_54, %dma_wait3A_74] : memref<10112x128xf32, #tpu.memory_space<hbm>> -> memref<128x128xf32, #tpu.memory_space<hbm>>
      %dma_wait3A_76 = arith.constant 0 : i32
      %dma_wait3A_77 = arith.constant 0 : i32
      %dma_wait3A_78 = tpu.memref_slice %arg6[%arg0, %dma_wait3A_76, %dma_wait3A_77] : memref<2x10112x128xf32, #tpu.memory_space<hbm>> -> memref<1x10112x128xf32, #tpu.memory_space<hbm>>
      %dma_wait3A_79 = tpu.memref_squeeze %dma_wait3A_78 : memref<1x10112x128xf32, #tpu.memory_space<hbm>> -> memref<10112x128xf32, #tpu.memory_space<hbm>>
      %dma_wait3A_80 = arith.constant 0 : i32
      %dma_wait3A_81 = tpu.memref_slice %dma_wait3A_79[%add3A_54, %dma_wait3A_80] : memref<10112x128xf32, #tpu.memory_space<hbm>> -> memref<128x128xf32, #tpu.memory_space<hbm>>
      tpu.wait_dma2 semaphore(%run_scoped3A : memref<!tpu.dma_semaphore, #tpu.memory_space<semaphore_mem>>) src(%arg10 : memref<128x128xf32, #tpu.memory_space<vmem>>) dst(%dma_wait3A_81 : memref<128x128xf32, #tpu.memory_space<hbm>>)
      tpu.yield
    }) : () -> ()
    %mul3A_55 = arith.constant 632 : i32
    %mul3A_56 = arith.muli %arg1, %mul3A_55 : i32
    %add3A_57 = arith.constant 512 : i32
    %add3A_58 = arith.addi %mul3A_56, %add3A_57 : i32
    "tpu.region"() ({
      %run_scoped3A = tpu.sem_alloc : memref<!tpu.dma_semaphore, #tpu.memory_space<semaphore_mem>>
      %dma_start3A_59 = arith.constant 0 : i32
      %dma_start3A_60 = arith.constant 0 : i32
      %dma_start3A_61 = tpu.memref_slice %arg10[%dma_start3A_59, %dma_start3A_60] : memref<128x128xf32, #tpu.memory_space<vmem>> -> memref<120x128xf32, #tpu.memory_space<vmem>>
      %dma_start3A_62 = arith.constant 0 : i32
      %dma_start3A_63 = tpu.memref_slice %arg12[%add3A_58, %dma_start3A_62] : memref<10112x128xf32, #tpu.memory_space<vmem_shared>> -> memref<120x128xf32, #tpu.memory_space<vmem_shared>>
      %dma_start3A_64 = arith.constant 0 : i32
      %dma_start3A_65 = arith.constant 0 : i32
      %dma_start3A_66 = tpu.memref_slice %arg10[%dma_start3A_64, %dma_start3A_65] : memref<128x128xf32, #tpu.memory_space<vmem>> -> memref<120x128xf32, #tpu.memory_space<vmem>>
      %dma_start3A_67 = arith.constant 0 : i32
      %dma_start3A_68 = tpu.memref_slice %arg12[%add3A_58, %dma_start3A_67] : memref<10112x128xf32, #tpu.memory_space<vmem_shared>> -> memref<120x128xf32, #tpu.memory_space<vmem_shared>>
      tpu.enqueue_dma source(%dma_start3A_68 : memref<120x128xf32, #tpu.memory_space<vmem_shared>>) target(%dma_start3A_66 : memref<120x128xf32, #tpu.memory_space<vmem>>) target_semaphore(%run_scoped3A : memref<!tpu.dma_semaphore, #tpu.memory_space<semaphore_mem>>)
      %dma_wait3A = arith.constant 0 : i32
      %dma_wait3A_69 = arith.constant 0 : i32
      %dma_wait3A_70 = tpu.memref_slice %arg10[%dma_wait3A, %dma_wait3A_69] : memref<128x128xf32, #tpu.memory_space<vmem>> -> memref<120x128xf32, #tpu.memory_space<vmem>>
      %dma_wait3A_71 = arith.constant 0 : i32
      %dma_wait3A_72 = tpu.memref_slice %arg12[%add3A_58, %dma_wait3A_71] : memref<10112x128xf32, #tpu.memory_space<vmem_shared>> -> memref<120x128xf32, #tpu.memory_space<vmem_shared>>
      %dma_wait3A_73 = arith.constant 0 : i32
      %dma_wait3A_74 = arith.constant 0 : i32
      %dma_wait3A_75 = tpu.memref_slice %arg10[%dma_wait3A_73, %dma_wait3A_74] : memref<128x128xf32, #tpu.memory_space<vmem>> -> memref<120x128xf32, #tpu.memory_space<vmem>>
      %dma_wait3A_76 = arith.constant 0 : i32
      %dma_wait3A_77 = tpu.memref_slice %arg12[%add3A_58, %dma_wait3A_76] : memref<10112x128xf32, #tpu.memory_space<vmem_shared>> -> memref<120x128xf32, #tpu.memory_space<vmem_shared>>
      tpu.wait_dma2 semaphore(%run_scoped3A : memref<!tpu.dma_semaphore, #tpu.memory_space<semaphore_mem>>) src(%dma_wait3A_77 : memref<120x128xf32, #tpu.memory_space<vmem_shared>>) dst(%dma_wait3A_75 : memref<120x128xf32, #tpu.memory_space<vmem>>)
      tpu.yield
    }) : () -> ()
    "tpu.region"() ({
      %run_scoped3A = tpu.sem_alloc : memref<!tpu.dma_semaphore, #tpu.memory_space<semaphore_mem>>
      %dma_start3A_59 = arith.constant 0 : i32
      %dma_start3A_60 = arith.constant 0 : i32
      %dma_start3A_61 = tpu.memref_slice %arg10[%dma_start3A_59, %dma_start3A_60] : memref<128x128xf32, #tpu.memory_space<vmem>> -> memref<120x128xf32, #tpu.memory_space<vmem>>
      %dma_start3A_62 = arith.constant 0 : i32
      %dma_start3A_63 = arith.constant 0 : i32
      %dma_start3A_64 = tpu.memref_slice %arg6[%arg0, %dma_start3A_62, %dma_start3A_63] : memref<2x10112x128xf32, #tpu.memory_space<hbm>> -> memref<1x10112x128xf32, #tpu.memory_space<hbm>>
      %dma_start3A_65 = tpu.memref_squeeze %dma_start3A_64 : memref<1x10112x128xf32, #tpu.memory_space<hbm>> -> memref<10112x128xf32, #tpu.memory_space<hbm>>
      %dma_start3A_66 = arith.constant 0 : i32
      %dma_start3A_67 = tpu.memref_slice %dma_start3A_65[%add3A_58, %dma_start3A_66] : memref<10112x128xf32, #tpu.memory_space<hbm>> -> memref<120x128xf32, #tpu.memory_space<hbm>>
      %dma_start3A_68 = arith.constant 0 : i32
      %dma_start3A_69 = arith.constant 0 : i32
      %dma_start3A_70 = tpu.memref_slice %arg6[%arg0, %dma_start3A_68, %dma_start3A_69] : memref<2x10112x128xf32, #tpu.memory_space<hbm>> -> memref<1x10112x128xf32, #tpu.memory_space<hbm>>
      %dma_start3A_71 = tpu.memref_squeeze %dma_start3A_70 : memref<1x10112x128xf32, #tpu.memory_space<hbm>> -> memref<10112x128xf32, #tpu.memory_space<hbm>>
      %dma_start3A_72 = arith.constant 0 : i32
      %dma_start3A_73 = tpu.memref_slice %dma_start3A_71[%add3A_58, %dma_start3A_72] : memref<10112x128xf32, #tpu.memory_space<hbm>> -> memref<120x128xf32, #tpu.memory_space<hbm>>
      %dma_start3A_74 = arith.constant 0 : i32
      %dma_start3A_75 = arith.constant 0 : i32
      %dma_start3A_76 = tpu.memref_slice %arg10[%dma_start3A_74, %dma_start3A_75] : memref<128x128xf32, #tpu.memory_space<vmem>> -> memref<120x128xf32, #tpu.memory_space<vmem>>
      tpu.enqueue_dma source(%dma_start3A_76 : memref<120x128xf32, #tpu.memory_space<vmem>>) target(%dma_start3A_73 : memref<120x128xf32, #tpu.memory_space<hbm>>) target_semaphore(%run_scoped3A : memref<!tpu.dma_semaphore, #tpu.memory_space<semaphore_mem>>)
      %dma_wait3A = arith.constant 0 : i32
      %dma_wait3A_77 = arith.constant 0 : i32
      %dma_wait3A_78 = tpu.memref_slice %arg10[%dma_wait3A, %dma_wait3A_77] : memref<128x128xf32, #tpu.memory_space<vmem>> -> memref<120x128xf32, #tpu.memory_space<vmem>>
      %dma_wait3A_79 = arith.constant 0 : i32
      %dma_wait3A_80 = arith.constant 0 : i32
      %dma_wait3A_81 = tpu.memref_slice %arg6[%arg0, %dma_wait3A_79, %dma_wait3A_80] : memref<2x10112x128xf32, #tpu.memory_space<hbm>> -> memref<1x10112x128xf32, #tpu.memory_space<hbm>>
      %dma_wait3A_82 = tpu.memref_squeeze %dma_wait3A_81 : memref<1x10112x128xf32, #tpu.memory_space<hbm>> -> memref<10112x128xf32, #tpu.memory_space<hbm>>
      %dma_wait3A_83 = arith.constant 0 : i32
      %dma_wait3A_84 = tpu.memref_slice %dma_wait3A_82[%add3A_58, %dma_wait3A_83] : memref<10112x128xf32, #tpu.memory_space<hbm>> -> memref<120x128xf32, #tpu.memory_space<hbm>>
      %dma_wait3A_85 = arith.constant 0 : i32
      %dma_wait3A_86 = arith.constant 0 : i32
      %dma_wait3A_87 = tpu.memref_slice %arg6[%arg0, %dma_wait3A_85, %dma_wait3A_86] : memref<2x10112x128xf32, #tpu.memory_space<hbm>> -> memref<1x10112x128xf32, #tpu.memory_space<hbm>>
      %dma_wait3A_88 = tpu.memref_squeeze %dma_wait3A_87 : memref<1x10112x128xf32, #tpu.memory_space<hbm>> -> memref<10112x128xf32, #tpu.memory_space<hbm>>
      %dma_wait3A_89 = arith.constant 0 : i32
      %dma_wait3A_90 = tpu.memref_slice %dma_wait3A_88[%add3A_58, %dma_wait3A_89] : memref<10112x128xf32, #tpu.memory_space<hbm>> -> memref<120x128xf32, #tpu.memory_space<hbm>>
      %dma_wait3A_91 = arith.constant 0 : i32
      %dma_wait3A_92 = arith.constant 0 : i32
      %dma_wait3A_93 = tpu.memref_slice %arg10[%dma_wait3A_91, %dma_wait3A_92] : memref<128x128xf32, #tpu.memory_space<vmem>> -> memref<120x128xf32, #tpu.memory_space<vmem>>
      tpu.wait_dma2 semaphore(%run_scoped3A : memref<!tpu.dma_semaphore, #tpu.memory_space<semaphore_mem>>) src(%dma_wait3A_93 : memref<120x128xf32, #tpu.memory_space<vmem>>) dst(%dma_wait3A_90 : memref<120x128xf32, #tpu.memory_space<hbm>>)
      tpu.yield
    }) : () -> ()
    return
  }
}

module attributes {stable_mosaic.version = 14 : i64} {
  func.func @body(%arg0: memref<10000x128xf32, #tpu.memory_space<vmem>>, %arg1: memref<128x128xf32, #tpu.memory_space<vmem>>, %arg2: memref<10112x2xf32, #tpu.memory_space<vmem>>, %arg3: memref<10112x128xf32, #tpu.memory_space<vmem>>, %arg4: memref<10112x1xf32, #tpu.memory_space<vmem>>) attributes {dimension_semantics = [], scalar_prefetch = 0 : i64, scratch_operands = 0 : i64, tpu.core_type = #tpu.core_type<tc>} {
    %get3A = arith.constant 0 : index
    %get3A_0 = arith.constant 0 : index
    %get3A_1 = vector.load %arg2[%get3A, %get3A_0] : memref<10112x2xf32, #tpu.memory_space<vmem>>, vector<10112x2xf32>
    %slice3A = vector.extract_strided_slice %get3A_1 {offsets = [0, 0], sizes = [10112, 1], strides = [1, 1]} : vector<10112x2xf32> to vector<10112x1xf32>
    %slice3A_2 = vector.extract_strided_slice %get3A_1 {offsets = [0, 1], sizes = [10112, 1], strides = [1, 1]} : vector<10112x2xf32> to vector<10112x1xf32>
    %add3A = arith.addf %slice3A, %slice3A_2 : vector<10112x1xf32>
    %add3A_3 = arith.constant 1.000000e+00 : f32
    %add3A_4 = vector.broadcast %add3A_3 : f32 to vector<10112x1xf32>
    %add3A_5 = arith.addf %add3A, %add3A_4 : vector<10112x1xf32>
    %rsqrt3A = math.rsqrt %add3A_5 : vector<10112x1xf32>
    %get3A_6 = arith.constant 0 : index
    %get3A_7 = arith.constant 0 : index
    %get3A_8 = vector.load %arg0[%get3A_6, %get3A_7] : memref<10000x128xf32, #tpu.memory_space<vmem>>, vector<10000x128xf32>
    %get3A_9 = arith.constant 0 : index
    %get3A_10 = arith.constant 0 : index
    %get3A_11 = vector.load %arg1[%get3A_9, %get3A_10] : memref<128x128xf32, #tpu.memory_space<vmem>>, vector<128x128xf32>
    %dot_general3A = arith.constant dense<0.000000e+00> : vector<10000x128xf32>
    %dot_general3A_12 = tpu.matmul %get3A_8, %get3A_11, %dot_general3A {dimension_numbers = #tpu.dot_dimension_numbers<[1], [0], [0], [1], [0, 0, 1, 1], [], []>, transpose_lhs_hint = false} : vector<10000x128xf32>, vector<128x128xf32>, vector<10000x128xf32> -> vector<10000x128xf32>
    %slice3A_13 = vector.extract_strided_slice %rsqrt3A {offsets = [0, 0], sizes = [10000, 1], strides = [1, 1]} : vector<10112x1xf32> to vector<10000x1xf32>
    %mul3A = vector.broadcast %slice3A_13 : vector<10000x1xf32> to vector<10000x128xf32>
    %mul3A_14 = arith.mulf %dot_general3A_12, %mul3A : vector<10000x128xf32>
    %swap3A = arith.constant 0 : index
    %swap3A_15 = arith.constant 0 : index
    %swap3A_16 = vector.load %arg3[%swap3A, %swap3A_15] : memref<10112x128xf32, #tpu.memory_space<vmem>>, vector<10000x128xf32>
    tpu.vector_store %arg3[%swap3A, %swap3A_15], %mul3A_14 {strides = array<i32>} : memref<10112x128xf32, #tpu.memory_space<vmem>>, vector<10000x128xf32>,
    %broadcast_in_dim3A = arith.constant 0.000000e+00 : f32
    %broadcast_in_dim3A_17 = vector.broadcast %broadcast_in_dim3A : f32 to vector<112x128xf32>
    %swap3A_18 = arith.constant 10000 : index
    %swap3A_19 = arith.constant 0 : index
    %swap3A_20 = vector.load %arg3[%swap3A_18, %swap3A_19] : memref<10112x128xf32, #tpu.memory_space<vmem>>, vector<112x128xf32>
    tpu.vector_store %arg3[%swap3A_18, %swap3A_19], %broadcast_in_dim3A_17 {strides = array<i32>} : memref<10112x128xf32, #tpu.memory_space<vmem>>, vector<112x128xf32>,
    %swap3A_21 = arith.constant 0 : index
    %swap3A_22 = arith.constant 0 : index
    %swap3A_23 = vector.load %arg4[%swap3A_21, %swap3A_22] : memref<10112x1xf32, #tpu.memory_space<vmem>>, vector<10112x1xf32>
    tpu.vector_store %arg4[%swap3A_21, %swap3A_22], %rsqrt3A {strides = array<i32>} : memref<10112x1xf32, #tpu.memory_space<vmem>>, vector<10112x1xf32>,
    return
  }
}

module attributes {stable_mosaic.version = 14 : i64} {
  func.func @body(%arg0: memref<2x10112x128xf32, #tpu.memory_space<vmem>>, %arg1: memref<10112x128xf32, #tpu.memory_space<vmem>>, %arg2: memref<10112x1xf32, #tpu.memory_space<vmem>>, %arg3: memref<1x128xf32, #tpu.memory_space<vmem>>, %arg4: memref<128x128xf32, #tpu.memory_space<vmem>>, %arg5: memref<10112x128xf32, #tpu.memory_space<vmem>>) attributes {dimension_semantics = [], scalar_prefetch = 0 : i64, scratch_operands = 0 : i64, tpu.core_type = #tpu.core_type<tc>} {
    %get3A = arith.constant 0 : index
    %get3A_0 = arith.constant 0 : index
    %get3A_1 = arith.constant 0 : index
    %get3A_2 = vector.load %arg0[%get3A, %get3A_0, %get3A_1] : memref<2x10112x128xf32, #tpu.memory_space<vmem>>, vector<1x10112x128xf32>
    %get3A_3 = vector.shape_cast %get3A_2 : vector<1x10112x128xf32> to vector<10112x128xf32>
    %get3A_4 = arith.constant 1 : index
    %get3A_5 = arith.constant 0 : index
    %get3A_6 = arith.constant 0 : index
    %get3A_7 = vector.load %arg0[%get3A_4, %get3A_5, %get3A_6] : memref<2x10112x128xf32, #tpu.memory_space<vmem>>, vector<1x10112x128xf32>
    %get3A_8 = vector.shape_cast %get3A_7 : vector<1x10112x128xf32> to vector<10112x128xf32>
    %add3A = arith.addf %get3A_3, %get3A_8 : vector<10112x128xf32>
    %get3A_9 = arith.constant 0 : index
    %get3A_10 = arith.constant 0 : index
    %get3A_11 = vector.load %arg1[%get3A_9, %get3A_10] : memref<10112x128xf32, #tpu.memory_space<vmem>>, vector<10112x128xf32>
    %add3A_12 = arith.addf %add3A, %get3A_11 : vector<10112x128xf32>
    %get3A_13 = arith.constant 0 : index
    %get3A_14 = arith.constant 0 : index
    %get3A_15 = vector.load %arg2[%get3A_13, %get3A_14] : memref<10112x1xf32, #tpu.memory_space<vmem>>, vector<10112x1xf32>
    %mul3A = vector.broadcast %get3A_15 : vector<10112x1xf32> to vector<10112x128xf32>
    %mul3A_16 = arith.mulf %add3A_12, %mul3A : vector<10112x128xf32>
    %get3A_17 = arith.constant 0 : index
    %get3A_18 = arith.constant 0 : index
    %get3A_19 = vector.load %arg3[%get3A_17, %get3A_18] : memref<1x128xf32, #tpu.memory_space<vmem>>, vector<1x128xf32>
    %add3A_20 = vector.broadcast %get3A_19 : vector<1x128xf32> to vector<10112x128xf32>
    %add3A_21 = arith.addf %mul3A_16, %add3A_20 : vector<10112x128xf32>
    %max3A = arith.constant 0.000000e+00 : f32
    %max3A_22 = vector.broadcast %max3A : f32 to vector<10112x128xf32>
    %max3A_23 = arith.maximumf %add3A_21, %max3A_22 : vector<10112x128xf32>
    %get3A_24 = arith.constant 0 : index
    %get3A_25 = arith.constant 0 : index
    %get3A_26 = vector.load %arg4[%get3A_24, %get3A_25] : memref<128x128xf32, #tpu.memory_space<vmem>>, vector<128x128xf32>
    %dot_general3A = arith.constant dense<0.000000e+00> : vector<10112x128xf32>
    %dot_general3A_27 = tpu.matmul %max3A_23, %get3A_26, %dot_general3A {dimension_numbers = #tpu.dot_dimension_numbers<[1], [0], [0], [1], [0, 0, 1, 1], [], []>, transpose_lhs_hint = false} : vector<10112x128xf32>, vector<128x128xf32>, vector<10112x128xf32> -> vector<10112x128xf32>
    %get3A_28 = arith.constant 0 : index
    %get3A_29 = arith.constant 0 : index
    %get3A_30 = vector.load %arg2[%get3A_28, %get3A_29] : memref<10112x1xf32, #tpu.memory_space<vmem>>, vector<10112x1xf32>
    %mul3A_31 = vector.broadcast %get3A_30 : vector<10112x1xf32> to vector<10112x128xf32>
    %mul3A_32 = arith.mulf %dot_general3A_27, %mul3A_31 : vector<10112x128xf32>
    %slice3A = vector.extract_strided_slice %mul3A_32 {offsets = [0, 0], sizes = [10000, 128], strides = [1, 1]} : vector<10112x128xf32> to vector<10000x128xf32>
    %swap3A = arith.constant 0 : index
    %swap3A_33 = arith.constant 0 : index
    %swap3A_34 = vector.load %arg5[%swap3A, %swap3A_33] : memref<10112x128xf32, #tpu.memory_space<vmem>>, vector<10000x128xf32>
    tpu.vector_store %arg5[%swap3A, %swap3A_33], %slice3A {strides = array<i32>} : memref<10112x128xf32, #tpu.memory_space<vmem>>, vector<10000x128xf32>,
    %broadcast_in_dim3A = arith.constant 0.000000e+00 : f32
    %broadcast_in_dim3A_35 = vector.broadcast %broadcast_in_dim3A : f32 to vector<112x128xf32>
    %swap3A_36 = arith.constant 10000 : index
    %swap3A_37 = arith.constant 0 : index
    %swap3A_38 = vector.load %arg5[%swap3A_36, %swap3A_37] : memref<10112x128xf32, #tpu.memory_space<vmem>>, vector<112x128xf32>
    tpu.vector_store %arg5[%swap3A_36, %swap3A_37], %broadcast_in_dim3A_35 {strides = array<i32>} : memref<10112x128xf32, #tpu.memory_space<vmem>>, vector<112x128xf32>,
    return
  }
}

module attributes {stable_mosaic.version = 14 : i64} {
  func.func @body(%arg0: memref<2x10112x128xf32, #tpu.memory_space<vmem>>, %arg1: memref<10112x128xf32, #tpu.memory_space<vmem>>, %arg2: memref<10112x1xf32, #tpu.memory_space<vmem>>, %arg3: memref<1x128xf32, #tpu.memory_space<vmem>>, %arg4: memref<10000x128xf32, #tpu.memory_space<vmem>>) attributes {dimension_semantics = [], scalar_prefetch = 0 : i64, scratch_operands = 0 : i64, tpu.core_type = #tpu.core_type<tc>} {
    %get3A = arith.constant 0 : index
    %get3A_0 = arith.constant 0 : index
    %get3A_1 = arith.constant 0 : index
    %get3A_2 = vector.load %arg0[%get3A, %get3A_0, %get3A_1] : memref<2x10112x128xf32, #tpu.memory_space<vmem>>, vector<1x10000x128xf32>
    %get3A_3 = vector.shape_cast %get3A_2 : vector<1x10000x128xf32> to vector<10000x128xf32>
    %get3A_4 = arith.constant 1 : index
    %get3A_5 = arith.constant 0 : index
    %get3A_6 = arith.constant 0 : index
    %get3A_7 = vector.load %arg0[%get3A_4, %get3A_5, %get3A_6] : memref<2x10112x128xf32, #tpu.memory_space<vmem>>, vector<1x10000x128xf32>
    %get3A_8 = vector.shape_cast %get3A_7 : vector<1x10000x128xf32> to vector<10000x128xf32>
    %add3A = arith.addf %get3A_3, %get3A_8 : vector<10000x128xf32>
    %get3A_9 = arith.constant 0 : index
    %get3A_10 = arith.constant 0 : index
    %get3A_11 = vector.load %arg1[%get3A_9, %get3A_10] : memref<10112x128xf32, #tpu.memory_space<vmem>>, vector<10000x128xf32>
    %add3A_12 = arith.addf %add3A, %get3A_11 : vector<10000x128xf32>
    %get3A_13 = arith.constant 0 : index
    %get3A_14 = arith.constant 0 : index
    %get3A_15 = vector.load %arg2[%get3A_13, %get3A_14] : memref<10112x1xf32, #tpu.memory_space<vmem>>, vector<10000x1xf32>
    %mul3A = vector.broadcast %get3A_15 : vector<10000x1xf32> to vector<10000x128xf32>
    %mul3A_16 = arith.mulf %add3A_12, %mul3A : vector<10000x128xf32>
    %get3A_17 = arith.constant 0 : index
    %get3A_18 = arith.constant 0 : index
    %get3A_19 = vector.load %arg3[%get3A_17, %get3A_18] : memref<1x128xf32, #tpu.memory_space<vmem>>, vector<1x128xf32>
    %add3A_20 = vector.broadcast %get3A_19 : vector<1x128xf32> to vector<10000x128xf32>
    %add3A_21 = arith.addf %mul3A_16, %add3A_20 : vector<10000x128xf32>
    %swap3A = arith.constant 0 : index
    %swap3A_22 = arith.constant 0 : index
    %swap3A_23 = vector.load %arg4[%swap3A, %swap3A_22] : memref<10000x128xf32, #tpu.memory_space<vmem>>, vector<10000x128xf32>
    tpu.vector_store %arg4[%swap3A, %swap3A_22], %add3A_21 {strides = array<i32>} : memref<10000x128xf32, #tpu.memory_space<vmem>>, vector<10000x128xf32>,
    return
  }
}

</mosaic_0001>

<sc_bundles>
// kernel: kernel.11.cloned.1.call-start
scs
__scs_entry_jumppad:
0x0: {  	(pc) =	sbr.rel $0x88, $3  }
0x1: {  	(tag) =	ssettag $0x0;
	lr =	simm.s32 $0x1  }
0x2: {  	[smem:$0x3F9B] =	sst lr;
	_ =	strace $0xD0000000  }
0x3: {  	_ = 	snop  }
0x4: {  	_ = 	snop  }
0x5: {  	_ = 	snop  }
0x6: {  	_ = 	snop  }
0x7: {  	_ = 	snop  }
__scs_overlays_trampoline_lowered:
0x8: {  	[smem:$0x3FAA] =	sst s0  }
0x9: {  	[smem:$0x3FAB] =	sst s1  }
0xa: {  	[smem:$0x3FAC] =	sst s2  }
0xb: {  	[smem:$0x3FAD] =	sst s3  }
0xc: {  	[smem:$0x3FAE] =	sst s4  }
0xd: {  	[smem:$0x3FAF] =	sst s5  }
0xe: {  	[smem:$0x3FB0] =	sst s6  }
0xf: {  	[smem:$0x3FB1] =	sst s7  }
0x10: {  	[smem:$0x3FB2] =	sst s8  }
0x11: {  	[smem:$0x3FB3] =	sst s9;
	s0 =	simm.s32 @!p0 $0x0  }
0x12: {  	s1 =	sld [smem:$0x3F99];
	s0 =	simm.s32 @p0 $0x1  }
0x13: {  	[smem:$0x3FB4] =	sst s0;
	s0 =	simm.s32 @!p1 $0x0  }
0x14: {  	s2 =	sld [smem:$0x3F98];
	s0 =	simm.s32 @p1 $0x1  }
0x15: {  	[smem:$0x3FB5] =	sst s0;
	s0 =	simm.s32 @!p2 $0x0  }
0x16: {  	s3 =	sld [smem:$0x3FDB];
	s0 =	simm.s32 @p2 $0x1  }
0x17: {  	s4 =	simm.s32 $0x1BF5;
	[smem:$0x3FB7] =	sst s0  }
0x18: {  	s0 =	sld [smem:$0x3F9A];
	_ =	swait.ge [sflag:s4], $0x0  }
0x19: {  	s7 =	sld [smem:$0x3F9B]  }
0x1a: {  	s8 =	sadd.s32 $0xFFFFE003, lr  }
0x1b: {  	s9 =	sadd.s32 $0xFFFFFEF7, lr;
	s5 =	simm.s32 $0xFFFFFFFF;
	p2 =	slt.u32 s8, $0xFFFFF086  }
0x1c: {  	p1 =	slt.u32 s9, $0xF7A;
	s5 =	simm.s32 @!p2 $0x0  }
0x1d: {  	s5 =	simm.s32 @p1 $0x1;
	p0 =	seq.s32 s7, s2  }
0x1e: {  	s7 =	smul.u32 @!p0 $0xF7A, s2;
	p2 =	seq.s32 @!p0 s5, $0x0  }
0x1f: {  	s9 =	smul.u32 $0xF7A, s1;
	s8 =	simm.s32 @!p0 $0x1BF5;
	p2 =	por !p2, p0  }
0x20: {  	[sflag:s8] =	ssyncset.s32 @!p0 $0xFFFFF086;
	s6 =	sadd.s32 @!p0 s3, s7;
	s7 =	simm.s32 @!p0 $0x108  }
0x21: {  	s3 =	sadd.s32 s3, s9;
	s6 =	sadd.s32 @!p0 $0x88, s6;
	s7 =	simm.s32 @p2 $0x1082  }
0x22: {  	[simem:s7], [sflag:s8] =	dma.local @!p0 [hbm:s6], $0xF7A  }
0x23: {  	s9 =	sor.u32 $0xD0000000, s2;
	s6 =	simm.s32 $0x108;
	_ =	swait.ge @!p0 [sflag:s8], $0x0  }
0x24: {  	s3 =	sadd.s32 $0x88, s3;
	s6 =	simm.s32 @!p1 $0x1082;
	[sflag:s4] =	ssyncset.s32 $0xFFFFF086  }
0x25: {  	[simem:s6], [sflag:s4] =	dma.local [hbm:s3], $0xF7A  }
0x26: {  	[smem:$0x3F9B] =	sst s1;
	(tag) =	ssettag s2;
	_ =	strace s9  }
0x27: {  	s1 =	sld [smem:$0x3FAB]  }
0x28: {  	s2 =	sld [smem:$0x3FAC]  }
0x29: {  	s4 =	sld [smem:$0x3FAE]  }
0x2a: {  	p0 =	seq.s32 s5, $0x0;
	s5 =	sld [smem:$0x3FAF]  }
0x2b: {  	s6 =	sld [smem:$0x3FB0]  }
0x2c: {  	s7 =	sld [smem:$0x3FB1]  }
0x2d: {  	s3 =	simm.s32 $0x108;
	s8 =	sld [smem:$0x3FB2]  }
0x2e: {  	s3 =	simm.s32 @!p0 $0x1082;
	s9 =	sld [smem:$0x3FB3]  }
0x2f: {  	lr =	sadd.s32 s0, s3;
	s0 =	sld [smem:$0x3FAA]  }
0x30: {  	s3 =	sld [smem:$0x3FAD]  }
0x31: {  	[smem:$0x3FB6] =	sst s10  }
0x32: {  	s10 =	sld [smem:$0x3FB4];
	_ =	sdelay $0x3  }
0x33: {  	p0 =	seq.s32 s10, $0x1;
	s10 =	sld [smem:$0x3FB6];
	_ =	sdelay $0x3  }
0x34: {  	[smem:$0x3FB6] =	sst s10  }
0x35: {  	s10 =	sld [smem:$0x3FB5];
	_ =	sdelay $0x3  }
0x36: {  	p1 =	seq.s32 s10, $0x1;
	s10 =	sld [smem:$0x3FB6];
	_ =	sdelay $0x3  }
0x37: {  	[smem:$0x3FB6] =	sst s10  }
0x38: {  	s10 =	sld [smem:$0x3FB7]  }
0x39: {  	_ = 	snop;
	(pc) =	sbr.ind lr, $3  }
0x3a: {  	_ = 	snop  }
0x3b: {  	_ = 	snop  }
0x3c: {  	p2 =	seq.s32 s10, $0x1;
	s10 =	sld [smem:$0x3FB6]  }
0x3d: {  	_ =	shalt  }
0x3e: {  	_ =	shalt  }
0x3f: {  	_ =	shalt  }
0x40: {  	_ =	shalt  }
0x41: {  	_ =	shalt  }
0x42: {  	_ =	shalt  }
0x43: {  	_ =	shalt  }
0x44: {  	_ =	shalt  }
0x45: {  	_ =	shalt  }
0x46: {  	_ =	shalt  }
0x47: {  	_ =	shalt  }
0x48: {  	_ =	shalt  }
0x49: {  	_ =	shalt  }
0x4a: {  	_ =	shalt  }
0x4b: {  	_ =	shalt  }
0x4c: {  	_ =	shalt  }
0x4d: {  	_ =	shalt  }
0x4e: {  	_ =	shalt  }
0x4f: {  	_ =	shalt  }
0x50: {  	_ =	shalt  }
0x51: {  	_ =	shalt  }
0x52: {  	_ =	shalt  }
0x53: {  	_ =	shalt  }
0x54: {  	_ =	shalt  }
0x55: {  	_ =	shalt  }
0x56: {  	_ =	shalt  }
0x57: {  	_ =	shalt  }
0x58: {  	_ =	shalt  }
0x59: {  	_ =	shalt  }
0x5a: {  	_ =	shalt  }
0x5b: {  	_ =	shalt  }
0x5c: {  	_ =	shalt  }
0x5d: {  	_ =	shalt  }
0x5e: {  	_ =	shalt  }
0x5f: {  	_ =	shalt  }
0x60: {  	_ =	shalt  }
0x61: {  	_ =	shalt  }
0x62: {  	_ =	shalt  }
0x63: {  	_ =	shalt  }
0x64: {  	_ =	shalt  }
0x65: {  	_ =	shalt  }
0x66: {  	_ =	shalt  }
0x67: {  	_ =	shalt  }
0x68: {  	_ =	shalt  }
0x69: {  	_ =	shalt  }
0x6a: {  	_ =	shalt  }
0x6b: {  	_ =	shalt  }
0x6c: {  	_ =	shalt  }
0x6d: {  	_ =	shalt  }
0x6e: {  	_ =	shalt  }
0x6f: {  	_ =	shalt  }
0x70: {  	_ =	shalt  }
0x71: {  	_ =	shalt  }
0x72: {  	_ =	shalt  }
0x73: {  	_ =	shalt  }
0x74: {  	_ =	shalt  }
0x75: {  	_ =	shalt  }
0x76: {  	_ =	shalt  }
0x77: {  	_ =	shalt  }
0x78: {  	_ =	shalt  }
0x79: {  	_ =	shalt  }
0x7a: {  	_ =	shalt  }
0x7b: {  	_ =	shalt  }
0x7c: {  	_ =	shalt  }
0x7d: {  	_ =	shalt  }
0x7e: {  	_ =	shalt  }
0x7f: {  	_ =	shalt  }
0x80: {  	_ =	shalt  }
0x81: {  	_ =	shalt  }
0x82: {  	_ =	shalt  }
0x83: {  	_ =	shalt  }
0x84: {  	_ =	shalt  }
0x85: {  	_ =	shalt  }
0x86: {  	_ =	shalt  }
0x87: {  	_ =	shalt  }
.Lfunc_end0:
.L_simem_size_0:
called_computation.1_lowered:
.L_overlay_start_0:
0x88: {  	s2 =	sld [smem:$0x3FD9]  }
0x89: {  	s3 =	sld [smem:$0x3FFE];
	_ =	sdelay $0x1  }
0x8a: {  	s1 =	srdreg.scid  }
0x8b: {  	s0 =	sand.u32 $0x1, s1  }
0x8c: {  	s17 =	sshll.u32 s0, $0xA;
	s2 =	sadd.s32 s3, s2  }
0x8d: {  	s2 =	sadd.s32 s2, s17  }
0x8e: {  	[smem:$0x3FC2] =	sst s2  }
0x8f: {  	_ = 	snop  }
0x90: {  	s2 =	sld [smem:$0x3FD0];
	(tm) =	ssettm $0x1  }
0x91: {  	s18 =	sld [smem:$0x3FFB];
	_ =	sdelay $0x3  }
0x92: {  	_ =	strace s18  }
0x93: {  	s3 =	sld [smem:$0x3FFC];
	_ =	sdelay $0x3  }
0x94: {  	_ =	strace s3  }
0x95: {  	s3 =	sld [smem:$0x3FFD];
	_ =	sdelay $0x3  }
0x96: {  	_ =	strace s3  }
0x97: {  	_ =	strace $0x8FFFFFFF  }
0x98: {  	s19 =	sld [smem:$0x3FDB];
	_ =	sdelay $0x1  }
0x99: {  	s4 =	simm.s32 $_scs_section_size  }
0x9a: {  	s5 =	simm.s32 $_size__tile_overlayer_lowered;
	s6 =	simm.s32 $_tile_overlayer_lowered  }
0x9b: {  	s22 =	simm.s32 $0x1BFF;
	s21 =	sshll.u32 s6, $0x1;
	s3 =	sadd.s32 s4, s19  }
0x9c: {  	s7 =	simm.s32 $0x0;
	s20 =	sshll.u32 s5, $0x1;
	s5 =	sadd.s32 s21, s3  }
0x9d: {  	[timem:s7], [sflag:s22] =	dma.local [hbm:s5], s20  }
0x9e: {  	_ =	swait.ge [sflag:s22], s20  }
0x9f: {  	s4 =	ssub.s32 $0x0, s20;
	[sflag:s22] =	ssyncset.done $0x0  }
0xa0: {  	[sflag:s22] =	ssyncadd.s32 s4;
	_ =	sdelay $0x1  }
0xa1: {  	s23 =	simm.s32 $0x1B8B  }
0xa2: {  	_ =	swait.ge [sflag:s23], $0x1  }
0xa3: {  	[sflag:s23] =	ssyncset.done $0x0  }
0xa4: {  	s25 =	simm.s32 $0x1B8E;
	s24 =	sld [smem:$0x3FFE];
	[sflag:s23] =	ssyncadd.s32 $0xFFFFFFFF  }
0xa5: {  	s26 =	simm.s32 $execute0_lowered;
	[smem:$0x3FD2] =	sst s25  }
0xa6: {  	s5 =	sshll.u32 s26, $0x1;
	_ =	strace $0x80000049;
	[dreg:$0x1] =	wrdreg $0xFFFFFFFF  }
0xa7: {  	s28 =	simm.s32 $_size_execute0_lowered;
	s3 =	sadd.s32 s3, s5;
	[dreg:$0x0] =	wrdreg $0x0  }
0xa8: {  	s5 =	sshll.u32 s28, $0x1;
	[dreg:$0x2] =	wrdreg s3  }
0xa9: {  	[dreg:$0x3] =	wrdreg s5  }
0xaa: {  	[dreg:$0x4] =	wrdreg $0xC0  }
0xab: {  	_ =	task [dreg:s7], $0x5FFFF  }
0xac: {  	[dreg:$0x1] =	wrdreg $0xFFFFFFFF  }
0xad: {  	[dreg:$0x0] =	wrdreg $0x60  }
0xae: {  	[dreg:$0x2] =	wrdreg s2  }
0xaf: {  	[dreg:$0x3] =	wrdreg s24  }
0xb0: {  	[dreg:$0x4] =	wrdreg $0xA9000  }
0xb1: {  	[dreg:$0x5] =	wrdreg $0x9  }
0xb2: {  	_ =	task.clear_ibuf [dreg:s7], $0x6FFFF;
	_ =	strace $0x90000049  }
0xb3: {  	s29 =	simm.s32 $0x9;
	_ =	strace $0x8000004B  }
0xb4: {  	_ =	swait.ge [sflag:s29], $0x1  }
0xb5: {  	[sflag:s29] =	ssyncadd.s32 $0xFFFFFFFF  }
0xb6: {  	_ =	strace $0x9000004B  }
0xb7: {  	_ =	sfence  }
0xb8: {  	s30 =	sld [smem:$0x0];
	_ =	sdelay $0x2  }
0xb9: {  	s31 =	sshll.u32 s1, $0xD;
	s1 =	sshrl.u32 s1, $0x2  }
0xba: {  	s3 =	sand.u32 $0x4000, s31;
	s1 =	sadd.s32 s1, s30  }
0xbb: {  	s0 =	sor.u32 s3, s0;
	s1 =	sshll.u32 s1, $0x11  }
0xbc: {  	s0 =	sor.u32 s1, s0  }
0xbd: {  	s0 =	sadd.s32 $0x8F2B, s0  }
0xbe: {  	[sflag:s0] =	ssyncadd.remote.s32 $0x1  }
0xbf: {  	_ =	sfence.sel $0xFFFF  }
0xc0: {  	[dreg:$0x0] =	wrdreg $0xFFFFFFFF;
	(pc) =	sbr.abs _section_cstart, $3  }
0xc1: {  	[dreg:$0x1] =	wrdreg $0xFFFFFFFF  }
0xc2: {  	_ =	task.clear_ibuf [dreg:s7], $0x2FFFF;
	_ =	strace $0x9FFFFFFF  }
0xc3: {  	(tm) =	ssettm $0x7FFFFFFF  }
tec
execute0_lowered:
.L_overlay_start_1:
0x0: {  	(tag) =	ssettag $0x1  }
0x1: {  	s0 =	rddreg [dreg:$0x0]  }
0x2: {  	s2 =	rddreg [dreg:$0x1]  }
0x3: {  	s1 =	rddreg [dreg:$0x2];
	s3 =	srdreg.scid  }
0x4: {  	s18 =	stileid.u32;
	s28 =	simm.s32 $0x6900;
	s29 =	simm.s32 $0x1  }
0x5: {  	s30 =	simm.s32 $0x3;
	s31 =	simm.s32 $0x2;
	s11 =	smul.u32 $0x278, s18  }
0x6: {  	s5 =	sand.u32 $0x1, s3;
	s3 =	simm.s32 $0x0;
	s13 =	smul.u32 $0x4F000, s18  }
0x7: {  	s12 =	sadd.s32 $0xC800, s2;
	s9 =	sadd.s32 $0x2800, s2;
	s26 =	smul.u32 $0x2800, s18  }
0x8: {  	s4 =	sshll.u32 s5, $0x4;
	[smem:$0x7FF] =	sst s3;
	s6 =	smul.u32 $0x27800, s5  }
0x9: {  	s8 =	ssub.s32 $0x2, s5;
	s5 =	smul.u32 $0x28000, s5;
	s10 =	sor.u32 s18, s4  }
0xa: {  	_ =	strace $0x8000004A;
	s4 =	sadd.s32 $0x16800, s2;
	[dreg:$0x4] =	wrdreg s9  }
0xb: {  	s19 =	sshrl.u32 s8, $0x1;
	s20 =	sshrl.u32 s13, $0x2;
	s21 =	sadd.s32 $0x80, s11  }
0xc: {  	s14 =	sadd.s32 $0x100, s11;
	s24 =	sadd.s32 $0x180, s11;
	s16 =	sadd.s32 $0x200, s11  }
0xd: {  	s7 =	smul.u32 $0x500, s10;
	s2 =	sadd.s32 s6, s2;
	s6 =	ssub.s32 s8, s19  }
0xe: {  	s22 =	sshll.u32 s21, $0x7;
	s23 =	sshll.u32 s14, $0x7;
	s15 =	sshll.u32 s24, $0x7  }
0xf: {  	s17 =	smul.u32 $0x2800, s10;
	s11 =	sshll.u32 s16, $0x7;
	s21 =	sshll.u32 s21, $0x4  }
0x10: {  	s5 =	sadd.s32 s26, s5;
	s8 =	sadd.s32 s22, s1;
	s9 =	sadd.s32 s23, s1  }
0x11: {  	s10 =	sadd.s32 s15, s1;
	s11 =	sadd.s32 s11, s1;
	s2 =	sadd.s32 $0x3E000, s2  }
0x12: {  	s22 =	sshll.u32 s14, $0x4;
	s19 =	sor.u32 $0x100, s5;
	s6 =	smax.u32 s6, $0x1  }
0x13: {  	s5 =	sor.u32 $0x80, s5;
	s0 =	sadd.s32 s0, s7;
	s7 =	sadd.s32 s20, s1  }
0x14: {  	s25 =	sshrl.u32 s17, $0x3;
	s20 =	smul.u32 $0x2780, s18;
	[dreg:$0x7] =	wrdreg s6  }
0x15: {  	s23 =	sshrl.u32 s19, $0x3;
	s5 =	sshrl.u32 s5, $0x3;
	s17 =	simm.s32 $0x5  }
0x16: {  	s18 =	simm.s32 $0x2900;
	s19 =	simm.s32 $0x2800;
	s21 =	sadd.s32 s21, s2  }
0x17: {  	s22 =	sadd.s32 s22, s2;
	[dreg:$0x5] =	wrdreg s0;
	s15 =	sadd.s32 s12, s25  }
0x18: {  	s0 =	sshll.u32 s24, $0x4;
	s24 =	sshll.u32 s16, $0x4;
	s16 =	sadd.s32 s5, s12  }
0x19: {  	[dreg:$0x6] =	wrdreg s15;
	s25 =	sadd.s32 $0x4F0, s15;
	s15 =	sadd.s32 s23, s12  }
0x1a: {  	s26 =	sadd.s32 s20, s2;
	s23 =	sadd.s32 s0, s2;
	s24 =	sadd.s32 s24, s2  }
0x1b: {  	s0 =	simm.s32 $0x4;
	s2 =	simm.s32 $0x0;
	[dreg:$0x8] =	wrdreg s25  }
0x1c: {  	[dreg:$0x9] =	wrdreg s26;
	s25 =	simm.s32 $0x80;
	s26 =	simm.s32 $0x2880  }
.LBB2_1:
0x1d: {  	s5 =	rddreg [dreg:$0x5]  }
0x1e: {  	[tilespmem:s3], [sflag:$0x5] =	stream.linear.gather [hbm4b:s5+s3], $0x2800, $0x38;
	[tilespmem:$0x1E500] =	vst v63  }
0x1f: {  	_ =	swait.ge [sflag:s17], $0x2800  }
0x20: {  	[sflag:s17] =	ssyncset.done $0x0  }
0x21: {  	s20 =	rddreg [dreg:$0x4];
	[sflag:s17] =	ssyncadd.s32 $0xFFFFD800  }
0x22: {  	[tilespmem:s18], [sflag:$0x5] =	stream.linear.gather [hbm4b:s20+s3], $0x4000, $0x38;
	[tilespmem:$0x1E500] =	vst v63  }
0x23: {  	_ =	swait.ge [sflag:s17], $0x4000  }
0x24: {  	[sflag:s17] =	ssyncset.done $0x0  }
0x25: {  	[sflag:s17] =	ssyncadd.s32 $0xFFFFC000  }
0x26: {  	[spmem:s7] =	stream.linear.scatter [tilespmem:s18], [sflag:$0x5], $0x4000, $0x38;
	[tilespmem:$0x1E500] =	vst v63  }
0x27: {  	_ =	swait.ge [sflag:s17], $0x4000  }
0x28: {  	[sflag:s17] =	ssyncset.done $0x0  }
0x29: {  	[sflag:s17] =	ssyncadd.s32 $0xFFFFC000  }
0x2a: {  	[spmem:s8] =	stream.linear.scatter [tilespmem:s18], [sflag:$0x5], $0x4000, $0x38;
	[tilespmem:$0x1E500] =	vst v63  }
0x2b: {  	_ =	swait.ge [sflag:s17], $0x4000  }
0x2c: {  	[sflag:s17] =	ssyncset.done $0x0  }
0x2d: {  	[sflag:s17] =	ssyncadd.s32 $0xFFFFC000  }
0x2e: {  	[spmem:s9] =	stream.linear.scatter [tilespmem:s18], [sflag:$0x5], $0x4000, $0x38;
	[tilespmem:$0x1E500] =	vst v63  }
0x2f: {  	_ =	swait.ge [sflag:s17], $0x4000  }
0x30: {  	[sflag:s17] =	ssyncset.done $0x0  }
0x31: {  	[sflag:s17] =	ssyncadd.s32 $0xFFFFC000  }
0x32: {  	[spmem:s10] =	stream.linear.scatter [tilespmem:s18], [sflag:$0x5], $0x4000, $0x38;
	[tilespmem:$0x1E500] =	vst v63  }
0x33: {  	_ =	swait.ge [sflag:s17], $0x4000  }
0x34: {  	[sflag:s17] =	ssyncset.done $0x0  }
0x35: {  	[sflag:s17] =	ssyncadd.s32 $0xFFFFC000  }
0x36: {  	[spmem:s11] =	stream.linear.scatter [tilespmem:s18], [sflag:$0x5], $0x3C00, $0x38;
	[tilespmem:$0x1E500] =	vst v63  }
0x37: {  	_ =	swait.ge [sflag:s17], $0x3C00  }
0x38: {  	[sflag:s17] =	ssyncset.done $0x0  }
0x39: {  	[sflag:s17] =	ssyncadd.s32 $0xFFFFC400  }
0x3a: {  	[bflag:$0x0] =	sbarrier.arrive $0xFFFF  }
0x3b: {  	s6 =	rddreg [dreg:$0x6]  }
0x3c: {  	[tilespmem:s19], [sflag:$0x3] =	stream.linear.gather [hbm4b:s6+s3], $0x80, $0x38;
	[tilespmem:$0x1E500] =	vst v63  }
0x3d: {  	_ = 	snop  }
0x3e: {  	[tilespmem:s18], [sflag:$0x1] =	stream.indirect.gather [hbm4b:s4+s25], $0x80, s3, s25, $0xb8;
	[tilespmem:$0x1E500] =	vst v63  }
0x3f: {  	s12 =	sadd.s32 $0x0, s16  }
0x40: {  	[tilespmem:s26], [sflag:$0x4] =	stream.linear.gather [hbm4b:s12+s3], $0x80, $0x38;
	[tilespmem:$0x1E500] =	vst v63  }
0x41: {  	s13 =	simm.s32 $0x80  }
0x42: {  	[tilespmem:s28], [sflag:$0x2] =	stream.indirect.gather [hbm4b:s4+s25], $0x80, s13, s25, $0xb8;
	[tilespmem:$0x1E500] =	vst v63  }
0x43: {  	_ =	swait.ge [sflag:s29], $0x4000  }
0x44: {  	[sflag:s29] =	ssyncset.done $0x0  }
0x45: {  	[sflag:s29] =	ssyncadd.s32 $0xFFFFC000  }
0x46: {  	_ =	swait.ge [sflag:s30], $0x80  }
0x47: {  	[sflag:s30] =	ssyncset.done $0x0  }
0x48: {  	[sflag:s30] =	ssyncadd.s32 $0xFFFFFF80  }
0x49: {  	[spmem:s1] =	stream.indirect.scatter.add.f32 [tilespmem:s18], [sflag:$0x5], $0x80, s19, s25, $0xb8;
	[tilespmem:$0x1E500] =	vst v63  }
0x4a: {  	_ =	swait.ge [sflag:s17], $0x4000  }
0x4b: {  	[sflag:s17] =	ssyncset.done $0x0  }
0x4c: {  	s14 =	sadd.s32 $0x0, s15;
	[sflag:s17] =	ssyncadd.s32 $0xFFFFC000  }
0x4d: {  	[tilespmem:s19], [sflag:$0x3] =	stream.linear.gather [hbm4b:s14+s3], $0x80, $0x38;
	[tilespmem:$0x1E500] =	vst v63  }
0x4e: {  	s20 =	simm.s32 $0x100  }
0x4f: {  	[tilespmem:s18], [sflag:$0x1] =	stream.indirect.gather [hbm4b:s4+s25], $0x80, s20, s25, $0xb8;
	[tilespmem:$0x1E500] =	vst v63  }
0x50: {  	_ =	swait.ge [sflag:s31], $0x4000  }
0x51: {  	[sflag:s31] =	ssyncset.done $0x0  }
0x52: {  	[sflag:s31] =	ssyncadd.s32 $0xFFFFC000  }
0x53: {  	_ =	swait.ge [sflag:s0], $0x80  }
0x54: {  	[sflag:s0] =	ssyncset.done $0x0  }
0x55: {  	[sflag:s0] =	ssyncadd.s32 $0xFFFFFF80  }
0x56: {  	[spmem:s1] =	stream.indirect.scatter.add.f32 [tilespmem:s28], [sflag:$0x5], $0x80, s26, s25, $0xb8;
	[tilespmem:$0x1E500] =	vst v63  }
0x57: {  	s5 =	simm.s32 $0x20;
	_ =	swait.ge [sflag:s17], $0x4000  }
0x58: {  	s6 =	simm.s32 $0x200;
	s12 =	simm.s32 $0x40;
	[sflag:s17] =	ssyncset.done $0x0  }
.LBB2_2:
0x59: {  	s13 =	sadd.s32 s5, s16  }
0x5a: {  	[sflag:s17] =	ssyncadd.s32 $0xFFFFC000;
	s14 =	smov.u32 s12;
	s20 =	sadd.s32 $0x20, s12  }
0x5b: {  	[tilespmem:s26], [sflag:$0x4] =	stream.linear.gather [hbm4b:s13+s3], $0x80, $0x38;
	[tilespmem:$0x1E500] =	vst v63  }
0x5c: {  	p0 =	sne.s32 s12, $0x4C0;
	s12 =	sadd.s32 $0xFFFFFF80, s6  }
0x5d: {  	[tilespmem:s28], [sflag:$0x2] =	stream.indirect.gather [hbm4b:s4+s25], $0x80, s12, s25, $0xb8;
	[tilespmem:$0x1E500] =	vst v63  }
0x5e: {  	_ =	swait.ge [sflag:s29], $0x4000  }
0x5f: {  	[sflag:s29] =	ssyncset.done $0x0  }
0x60: {  	[sflag:s29] =	ssyncadd.s32 $0xFFFFC000  }
0x61: {  	_ =	swait.ge [sflag:s30], $0x80  }
0x62: {  	[sflag:s30] =	ssyncset.done $0x0  }
0x63: {  	[sflag:s30] =	ssyncadd.s32 $0xFFFFFF80  }
0x64: {  	[spmem:s1] =	stream.indirect.scatter.add.f32 [tilespmem:s18], [sflag:$0x5], $0x80, s19, s25, $0xb8;
	[tilespmem:$0x1E500] =	vst v63  }
0x65: {  	_ =	swait.ge [sflag:s17], $0x4000  }
0x66: {  	[sflag:s17] =	ssyncset.done $0x0  }
0x67: {  	s12 =	sadd.s32 s5, s15;
	s5 =	smov.u32 s14;
	[sflag:s17] =	ssyncadd.s32 $0xFFFFC000  }
0x68: {  	[tilespmem:s19], [sflag:$0x3] =	stream.linear.gather [hbm4b:s12+s3], $0x80, $0x38;
	[tilespmem:$0x1E500] =	vst v63  }
0x69: {  	_ = 	snop  }
0x6a: {  	[tilespmem:s18], [sflag:$0x1] =	stream.indirect.gather [hbm4b:s4+s25], $0x80, s6, s25, $0xb8;
	[tilespmem:$0x1E500] =	vst v63  }
0x6b: {  	_ =	swait.ge [sflag:s31], $0x4000  }
0x6c: {  	[sflag:s31] =	ssyncset.done $0x0  }
0x6d: {  	[sflag:s31] =	ssyncadd.s32 $0xFFFFC000  }
0x6e: {  	_ =	swait.ge [sflag:s0], $0x80  }
.Ltmp0:
0x6f: {  	[sflag:s0] =	ssyncset.done $0x0;
	(pc) =	sbr.rel @p0 .LBB2_2-.Ltmp0, $4  }
0x70: {  	[sflag:s0] =	ssyncadd.s32 $0xFFFFFF80  }
0x71: {  	[spmem:s1] =	stream.indirect.scatter.add.f32 [tilespmem:s28], [sflag:$0x5], $0x80, s26, s25, $0xb8;
	[tilespmem:$0x1E500] =	vst v63  }
0x72: {  	_ =	swait.ge [sflag:s17], $0x4000  }
0x73: {  	s12 =	smov.u32 s20;
	s6 =	sadd.s32 $0x100, s6;
	[sflag:s17] =	ssyncset.done $0x0  }
0x74: {  	s12 =	sadd.s32 s5, s16;
	[sflag:s17] =	ssyncadd.s32 $0xFFFFC000  }
0x75: {  	[tilespmem:s26], [sflag:$0x4] =	stream.linear.gather [hbm4b:s12+s3], $0x80, $0x38;
	[tilespmem:$0x1E500] =	vst v63  }
0x76: {  	s14 =	sadd.s32 $0xFFFFFF80, s6  }
0x77: {  	[tilespmem:s28], [sflag:$0x2] =	stream.indirect.gather [hbm4b:s4+s25], $0x80, s14, s25, $0xb8;
	[tilespmem:$0x1E500] =	vst v63  }
0x78: {  	_ =	swait.ge [sflag:s29], $0x4000  }
0x79: {  	[sflag:s29] =	ssyncset.done $0x0  }
0x7a: {  	[sflag:s29] =	ssyncadd.s32 $0xFFFFC000  }
0x7b: {  	_ =	swait.ge [sflag:s30], $0x80  }
0x7c: {  	[sflag:s30] =	ssyncset.done $0x0  }
0x7d: {  	[sflag:s30] =	ssyncadd.s32 $0xFFFFFF80  }
0x7e: {  	[spmem:s1] =	stream.indirect.scatter.add.f32 [tilespmem:s18], [sflag:$0x5], $0x80, s19, s25, $0xb8;
	[tilespmem:$0x1E500] =	vst v63  }
0x7f: {  	_ =	swait.ge [sflag:s17], $0x4000  }
0x80: {  	[sflag:s17] =	ssyncset.done $0x0  }
0x81: {  	s20 =	sadd.s32 s5, s15;
	[sflag:s17] =	ssyncadd.s32 $0xFFFFC000  }
0x82: {  	[tilespmem:s19], [sflag:$0x3] =	stream.linear.gather [hbm4b:s20+s3], $0x80, $0x38;
	[tilespmem:$0x1E500] =	vst v63  }
0x83: {  	_ = 	snop  }
0x84: {  	[tilespmem:s18], [sflag:$0x1] =	stream.indirect.gather [hbm4b:s4+s25], $0x80, s6, s25, $0xb8;
	[tilespmem:$0x1E500] =	vst v63  }
0x85: {  	_ =	swait.ge [sflag:s31], $0x4000  }
0x86: {  	[sflag:s31] =	ssyncset.done $0x0  }
0x87: {  	[sflag:s31] =	ssyncadd.s32 $0xFFFFC000  }
0x88: {  	_ =	swait.ge [sflag:s0], $0x80  }
0x89: {  	[sflag:s0] =	ssyncset.done $0x0  }
0x8a: {  	[sflag:s0] =	ssyncadd.s32 $0xFFFFFF80  }
0x8b: {  	[spmem:s1] =	stream.indirect.scatter.add.f32 [tilespmem:s28], [sflag:$0x5], $0x80, s26, s25, $0xb8;
	[tilespmem:$0x1E500] =	vst v63  }
0x8c: {  	_ =	swait.ge [sflag:s17], $0x4000  }
0x8d: {  	[sflag:s17] =	ssyncset.done $0x0  }
0x8e: {  	s12 =	rddreg [dreg:$0x8];
	[sflag:s17] =	ssyncadd.s32 $0xFFFFC000  }
0x8f: {  	[tilespmem:s26], [sflag:$0x4] =	stream.linear.gather [hbm4b:s12+s3], $0x80, $0x38;
	[tilespmem:$0x1E500] =	vst v63  }
0x90: {  	s13 =	simm.s32 $0x2780  }
0x91: {  	[tilespmem:s28], [sflag:$0x2] =	stream.indirect.gather [hbm4b:s4+s25], $0x80, s13, s25, $0xb8;
	[tilespmem:$0x1E500] =	vst v63  }
0x92: {  	_ =	swait.ge [sflag:s29], $0x4000  }
0x93: {  	[sflag:s29] =	ssyncset.done $0x0  }
0x94: {  	[sflag:s29] =	ssyncadd.s32 $0xFFFFC000  }
0x95: {  	_ =	swait.ge [sflag:s30], $0x80  }
0x96: {  	[sflag:s30] =	ssyncset.done $0x0  }
0x97: {  	[sflag:s30] =	ssyncadd.s32 $0xFFFFFF80  }
0x98: {  	[spmem:s1] =	stream.indirect.scatter.add.f32 [tilespmem:s18], [sflag:$0x5], $0x80, s19, s25, $0xb8;
	[tilespmem:$0x1E500] =	vst v63  }
0x99: {  	_ =	swait.ge [sflag:s17], $0x4000  }
0x9a: {  	[sflag:s17] =	ssyncset.done $0x0  }
0x9b: {  	[sflag:s17] =	ssyncadd.s32 $0xFFFFC000  }
0x9c: {  	_ =	swait.ge [sflag:s31], $0x4000  }
0x9d: {  	[sflag:s31] =	ssyncset.done $0x0  }
0x9e: {  	[sflag:s31] =	ssyncadd.s32 $0xFFFFC000  }
0x9f: {  	_ =	swait.ge [sflag:s0], $0x80  }
0xa0: {  	[sflag:s0] =	ssyncset.done $0x0  }
0xa1: {  	[sflag:s0] =	ssyncadd.s32 $0xFFFFFF80  }
0xa2: {  	[spmem:s1] =	stream.indirect.scatter.add.f32 [tilespmem:s28], [sflag:$0x5], $0x80, s26, s25, $0xb8;
	[tilespmem:$0x1E500] =	vst v63  }
0xa3: {  	_ =	swait.ge [sflag:s17], $0x4000  }
0xa4: {  	[sflag:s17] =	ssyncset.done $0x0  }
0xa5: {  	[sflag:s17] =	ssyncadd.s32 $0xFFFFC000  }
0xa6: {  	[bflag:$0x0] =	sbarrier.arrive $0xFFFF  }
0xa7: {  	[tilespmem:s18], [sflag:$0x5] =	stream.linear.gather [spmem:s7], $0x4000, $0x38;
	[tilespmem:$0x1E500] =	vst v63  }
0xa8: {  	_ =	swait.ge [sflag:s17], $0x4000  }
0xa9: {  	[sflag:s17] =	ssyncset.done $0x0  }
0xaa: {  	s14 =	rddreg [dreg:$0x9];
	[sflag:s17] =	ssyncadd.s32 $0xFFFFC000  }
0xab: {  	[hbm4b:s14+s3] =	stream.linear.scatter [tilespmem:s18], [sflag:$0x5], $0x4000, $0x38;
	[tilespmem:$0x1E500] =	vst v63  }
0xac: {  	_ =	swait.ge [sflag:s17], $0x4000  }
0xad: {  	[sflag:s17] =	ssyncset.done $0x0  }
0xae: {  	[sflag:s17] =	ssyncadd.s32 $0xFFFFC000  }
0xaf: {  	[tilespmem:s18], [sflag:$0x5] =	stream.linear.gather [spmem:s8], $0x4000, $0x38;
	[tilespmem:$0x1E500] =	vst v63  }
0xb0: {  	_ =	swait.ge [sflag:s17], $0x4000  }
0xb1: {  	[sflag:s17] =	ssyncset.done $0x0  }
0xb2: {  	[sflag:s17] =	ssyncadd.s32 $0xFFFFC000  }
0xb3: {  	[hbm4b:s21+s3] =	stream.linear.scatter [tilespmem:s18], [sflag:$0x5], $0x4000, $0x38;
	[tilespmem:$0x1E500] =	vst v63  }
0xb4: {  	_ =	swait.ge [sflag:s17], $0x4000  }
0xb5: {  	[sflag:s17] =	ssyncset.done $0x0  }
0xb6: {  	[sflag:s17] =	ssyncadd.s32 $0xFFFFC000  }
0xb7: {  	[tilespmem:s18], [sflag:$0x5] =	stream.linear.gather [spmem:s9], $0x4000, $0x38;
	[tilespmem:$0x1E500] =	vst v63  }
0xb8: {  	_ =	swait.ge [sflag:s17], $0x4000  }
0xb9: {  	[sflag:s17] =	ssyncset.done $0x0  }
0xba: {  	[sflag:s17] =	ssyncadd.s32 $0xFFFFC000  }
0xbb: {  	[hbm4b:s22+s3] =	stream.linear.scatter [tilespmem:s18], [sflag:$0x5], $0x4000, $0x38;
	[tilespmem:$0x1E500] =	vst v63  }
0xbc: {  	_ =	swait.ge [sflag:s17], $0x4000  }
0xbd: {  	[sflag:s17] =	ssyncset.done $0x0  }
0xbe: {  	[sflag:s17] =	ssyncadd.s32 $0xFFFFC000  }
0xbf: {  	[tilespmem:s18], [sflag:$0x5] =	stream.linear.gather [spmem:s10], $0x4000, $0x38;
	[tilespmem:$0x1E500] =	vst v63  }
0xc0: {  	_ =	swait.ge [sflag:s17], $0x4000  }
0xc1: {  	[sflag:s17] =	ssyncset.done $0x0  }
0xc2: {  	[sflag:s17] =	ssyncadd.s32 $0xFFFFC000  }
0xc3: {  	[hbm4b:s23+s3] =	stream.linear.scatter [tilespmem:s18], [sflag:$0x5], $0x4000, $0x38;
	[tilespmem:$0x1E500] =	vst v63  }
0xc4: {  	_ =	swait.ge [sflag:s17], $0x4000  }
0xc5: {  	[sflag:s17] =	ssyncset.done $0x0  }
0xc6: {  	[sflag:s17] =	ssyncadd.s32 $0xFFFFC000  }
0xc7: {  	[tilespmem:s18], [sflag:$0x5] =	stream.linear.gather [spmem:s11], $0x3C00, $0x38;
	[tilespmem:$0x1E500] =	vst v63  }
0xc8: {  	_ =	swait.ge [sflag:s17], $0x3C00  }
0xc9: {  	[sflag:s17] =	ssyncset.done $0x0  }
0xca: {  	[sflag:s17] =	ssyncadd.s32 $0xFFFFC400  }
0xcb: {  	[hbm4b:s24+s3] =	stream.linear.scatter [tilespmem:s18], [sflag:$0x5], $0x3C00, $0x38;
	[tilespmem:$0x1E500] =	vst v63  }
0xcc: {  	_ =	swait.ge [sflag:s17], $0x3C00  }
0xcd: {  	s2 =	sadd.s32 $0x1, s2;
	s20 =	rddreg [dreg:$0x7]  }
0xce: {  	p0 =	sne.s32 s2, s20  }
.Ltmp1:
0xcf: {  	_ = 	snop;
	(pc) =	sbr.rel @p0 .LBB2_1-.Ltmp1, $3  }
0xd0: {  	_ =	sdelay $0x1  }
0xd1: {  	[sflag:s17] =	ssyncset.done $0x0  }
0xd2: {  	[sflag:s17] =	ssyncadd.s32 $0xFFFFC400  }
0xd3: {  	_ =	sfence.sel $0x180000  }
0xd4: {  	[bflag:$0x0] =	sbarrier.arrive $0xFFFF  }
0xd5: {  	_ =	strace $0x9000004A  }
0xd6: {  	s0 =	stileid.u32;
	[bflag:$0x2] =	sbarrier.arrive $0xFFFF  }
0xd7: {  	p0 =	sne.s32 s0, $0x0;
	s0 =	rddreg [dreg:$0x3]  }
0xd8: {  	s0 =	sadd.s32 @!p0 $0x100000, s0  }
0xd9: {  	[sflag:s0] =	ssyncadd.tile.s32 @!p0 $0x1;
	_ =	shalt  }
.Lfunc_end2:
_tile_overlayer_lowered:
.L_overlay_start_2:
0xda: {  	(tag) =	ssettag $0x2  }
0xdb: {  	s0 =	rddreg [dreg:$0x0];
	s2 =	stileid.u32  }
0xdc: {  	s1 =	rddreg [dreg:$0x1];
	p0 =	sne.s32 s2, $0x0  }
0xdd: {  	s3 =	rddreg [dreg:$0x2];
	[bflag:$0x3] =	sbarrier.arrive $0xFFFF;
	s2 =	simm.s32 @!p0 $0x1C05  }
0xde: {  	[timem:s3], [sflag:s2] =	dma.local @!p0 [hbm:s0], s1  }
0xdf: {  	s0 =	simm.s32 @!p0 $0x5  }
0xe0: {  	_ =	swait.ge @!p0 [sflag:s0], s1  }
0xe1: {  	s1 =	ssub.s32 @!p0 $0x0, s1;
	[sflag:s0] =	ssyncset.done @!p0 $0x0  }
0xe2: {  	[sflag:s0] =	ssyncadd.s32 @!p0 s1  }
0xe3: {  	[bflag:$0x3] =	sbarrier.arrive $0xFFFF  }
0xe4: {  	_ =	shalt  }

// kernel: kernel.14.cloned.1.call-start
scs
__scs_entry_jumppad:
0x0: {  	(pc) =	sbr.rel $0x88, $3  }
0x1: {  	(tag) =	ssettag $0x0;
	lr =	simm.s32 $0x1  }
0x2: {  	[smem:$0x3F9B] =	sst lr;
	_ =	strace $0xD0000000  }
0x3: {  	_ = 	snop  }
0x4: {  	_ = 	snop  }
0x5: {  	_ = 	snop  }
0x6: {  	_ = 	snop  }
0x7: {  	_ = 	snop  }
__scs_overlays_trampoline_lowered:
0x8: {  	[smem:$0x3FAA] =	sst s0  }
0x9: {  	[smem:$0x3FAB] =	sst s1  }
0xa: {  	[smem:$0x3FAC] =	sst s2  }
0xb: {  	[smem:$0x3FAD] =	sst s3  }
0xc: {  	[smem:$0x3FAE] =	sst s4  }
0xd: {  	[smem:$0x3FAF] =	sst s5  }
0xe: {  	[smem:$0x3FB0] =	sst s6  }
0xf: {  	[smem:$0x3FB1] =	sst s7  }
0x10: {  	[smem:$0x3FB2] =	sst s8  }
0x11: {  	[smem:$0x3FB3] =	sst s9;
	s0 =	simm.s32 @!p0 $0x0  }
0x12: {  	s1 =	sld [smem:$0x3F99];
	s0 =	simm.s32 @p0 $0x1  }
0x13: {  	[smem:$0x3FB4] =	sst s0;
	s0 =	simm.s32 @!p1 $0x0  }
0x14: {  	s2 =	sld [smem:$0x3F98];
	s0 =	simm.s32 @p1 $0x1  }
0x15: {  	[smem:$0x3FB5] =	sst s0;
	s0 =	simm.s32 @!p2 $0x0  }
0x16: {  	s3 =	sld [smem:$0x3FDB];
	s0 =	simm.s32 @p2 $0x1  }
0x17: {  	s4 =	simm.s32 $0x1BF5;
	[smem:$0x3FB7] =	sst s0  }
0x18: {  	s0 =	sld [smem:$0x3F9A];
	_ =	swait.ge [sflag:s4], $0x0  }
0x19: {  	s7 =	sld [smem:$0x3F9B]  }
0x1a: {  	s8 =	sadd.s32 $0xFFFFE003, lr  }
0x1b: {  	s9 =	sadd.s32 $0xFFFFFEF7, lr;
	s5 =	simm.s32 $0xFFFFFFFF;
	p2 =	slt.u32 s8, $0xFFFFF086  }
0x1c: {  	p1 =	slt.u32 s9, $0xF7A;
	s5 =	simm.s32 @!p2 $0x0  }
0x1d: {  	s5 =	simm.s32 @p1 $0x1;
	p0 =	seq.s32 s7, s2  }
0x1e: {  	s7 =	smul.u32 @!p0 $0xF7A, s2;
	p2 =	seq.s32 @!p0 s5, $0x0  }
0x1f: {  	s9 =	smul.u32 $0xF7A, s1;
	s8 =	simm.s32 @!p0 $0x1BF5;
	p2 =	por !p2, p0  }
0x20: {  	[sflag:s8] =	ssyncset.s32 @!p0 $0xFFFFF086;
	s6 =	sadd.s32 @!p0 s3, s7;
	s7 =	simm.s32 @!p0 $0x108  }
0x21: {  	s3 =	sadd.s32 s3, s9;
	s6 =	sadd.s32 @!p0 $0x88, s6;
	s7 =	simm.s32 @p2 $0x1082  }
0x22: {  	[simem:s7], [sflag:s8] =	dma.local @!p0 [hbm:s6], $0xF7A  }
0x23: {  	s9 =	sor.u32 $0xD0000000, s2;
	s6 =	simm.s32 $0x108;
	_ =	swait.ge @!p0 [sflag:s8], $0x0  }
0x24: {  	s3 =	sadd.s32 $0x88, s3;
	s6 =	simm.s32 @!p1 $0x1082;
	[sflag:s4] =	ssyncset.s32 $0xFFFFF086  }
0x25: {  	[simem:s6], [sflag:s4] =	dma.local [hbm:s3], $0xF7A  }
0x26: {  	[smem:$0x3F9B] =	sst s1;
	(tag) =	ssettag s2;
	_ =	strace s9  }
0x27: {  	s1 =	sld [smem:$0x3FAB]  }
0x28: {  	s2 =	sld [smem:$0x3FAC]  }
0x29: {  	s4 =	sld [smem:$0x3FAE]  }
0x2a: {  	p0 =	seq.s32 s5, $0x0;
	s5 =	sld [smem:$0x3FAF]  }
0x2b: {  	s6 =	sld [smem:$0x3FB0]  }
0x2c: {  	s7 =	sld [smem:$0x3FB1]  }
0x2d: {  	s3 =	simm.s32 $0x108;
	s8 =	sld [smem:$0x3FB2]  }
0x2e: {  	s3 =	simm.s32 @!p0 $0x1082;
	s9 =	sld [smem:$0x3FB3]  }
0x2f: {  	lr =	sadd.s32 s0, s3;
	s0 =	sld [smem:$0x3FAA]  }
0x30: {  	s3 =	sld [smem:$0x3FAD]  }
0x31: {  	[smem:$0x3FB6] =	sst s10  }
0x32: {  	s10 =	sld [smem:$0x3FB4];
	_ =	sdelay $0x3  }
0x33: {  	p0 =	seq.s32 s10, $0x1;
	s10 =	sld [smem:$0x3FB6];
	_ =	sdelay $0x3  }
0x34: {  	[smem:$0x3FB6] =	sst s10  }
0x35: {  	s10 =	sld [smem:$0x3FB5];
	_ =	sdelay $0x3  }
0x36: {  	p1 =	seq.s32 s10, $0x1;
	s10 =	sld [smem:$0x3FB6];
	_ =	sdelay $0x3  }
0x37: {  	[smem:$0x3FB6] =	sst s10  }
0x38: {  	s10 =	sld [smem:$0x3FB7]  }
0x39: {  	_ = 	snop;
	(pc) =	sbr.ind lr, $3  }
0x3a: {  	_ = 	snop  }
0x3b: {  	_ = 	snop  }
0x3c: {  	p2 =	seq.s32 s10, $0x1;
	s10 =	sld [smem:$0x3FB6]  }
0x3d: {  	_ =	shalt  }
0x3e: {  	_ =	shalt  }
0x3f: {  	_ =	shalt  }
0x40: {  	_ =	shalt  }
0x41: {  	_ =	shalt  }
0x42: {  	_ =	shalt  }
0x43: {  	_ =	shalt  }
0x44: {  	_ =	shalt  }
0x45: {  	_ =	shalt  }
0x46: {  	_ =	shalt  }
0x47: {  	_ =	shalt  }
0x48: {  	_ =	shalt  }
0x49: {  	_ =	shalt  }
0x4a: {  	_ =	shalt  }
0x4b: {  	_ =	shalt  }
0x4c: {  	_ =	shalt  }
0x4d: {  	_ =	shalt  }
0x4e: {  	_ =	shalt  }
0x4f: {  	_ =	shalt  }
0x50: {  	_ =	shalt  }
0x51: {  	_ =	shalt  }
0x52: {  	_ =	shalt  }
0x53: {  	_ =	shalt  }
0x54: {  	_ =	shalt  }
0x55: {  	_ =	shalt  }
0x56: {  	_ =	shalt  }
0x57: {  	_ =	shalt  }
0x58: {  	_ =	shalt  }
0x59: {  	_ =	shalt  }
0x5a: {  	_ =	shalt  }
0x5b: {  	_ =	shalt  }
0x5c: {  	_ =	shalt  }
0x5d: {  	_ =	shalt  }
0x5e: {  	_ =	shalt  }
0x5f: {  	_ =	shalt  }
0x60: {  	_ =	shalt  }
0x61: {  	_ =	shalt  }
0x62: {  	_ =	shalt  }
0x63: {  	_ =	shalt  }
0x64: {  	_ =	shalt  }
0x65: {  	_ =	shalt  }
0x66: {  	_ =	shalt  }
0x67: {  	_ =	shalt  }
0x68: {  	_ =	shalt  }
0x69: {  	_ =	shalt  }
0x6a: {  	_ =	shalt  }
0x6b: {  	_ =	shalt  }
0x6c: {  	_ =	shalt  }
0x6d: {  	_ =	shalt  }
0x6e: {  	_ =	shalt  }
0x6f: {  	_ =	shalt  }
0x70: {  	_ =	shalt  }
0x71: {  	_ =	shalt  }
0x72: {  	_ =	shalt  }
0x73: {  	_ =	shalt  }
0x74: {  	_ =	shalt  }
0x75: {  	_ =	shalt  }
0x76: {  	_ =	shalt  }
0x77: {  	_ =	shalt  }
0x78: {  	_ =	shalt  }
0x79: {  	_ =	shalt  }
0x7a: {  	_ =	shalt  }
0x7b: {  	_ =	shalt  }
0x7c: {  	_ =	shalt  }
0x7d: {  	_ =	shalt  }
0x7e: {  	_ =	shalt  }
0x7f: {  	_ =	shalt  }
0x80: {  	_ =	shalt  }
0x81: {  	_ =	shalt  }
0x82: {  	_ =	shalt  }
0x83: {  	_ =	shalt  }
0x84: {  	_ =	shalt  }
0x85: {  	_ =	shalt  }
0x86: {  	_ =	shalt  }
0x87: {  	_ =	shalt  }
.Lfunc_end0:
.L_simem_size_0:
called_computation.2_lowered:
.L_overlay_start_0:
0x88: {  	s2 =	sld [smem:$0x3FD9]  }
0x89: {  	s3 =	sld [smem:$0x3FFE];
	_ =	sdelay $0x1  }
0x8a: {  	s1 =	srdreg.scid  }
0x8b: {  	s0 =	sand.u32 $0x1, s1  }
0x8c: {  	s17 =	sshll.u32 s0, $0xA;
	s2 =	sadd.s32 s3, s2  }
0x8d: {  	s2 =	sadd.s32 s2, s17  }
0x8e: {  	[smem:$0x3FC2] =	sst s2  }
0x8f: {  	_ = 	snop  }
0x90: {  	s2 =	sld [smem:$0x3FD0];
	(tm) =	ssettm $0x1  }
0x91: {  	s18 =	sld [smem:$0x3FFB];
	_ =	sdelay $0x3  }
0x92: {  	_ =	strace s18  }
0x93: {  	s3 =	sld [smem:$0x3FFC];
	_ =	sdelay $0x3  }
0x94: {  	_ =	strace s3  }
0x95: {  	s3 =	sld [smem:$0x3FFD];
	_ =	sdelay $0x3  }
0x96: {  	_ =	strace s3  }
0x97: {  	_ =	strace $0x8FFFFFFF  }
0x98: {  	s19 =	sld [smem:$0x3FDB];
	_ =	sdelay $0x1  }
0x99: {  	s4 =	simm.s32 $_scs_section_size  }
0x9a: {  	s5 =	simm.s32 $_size__tile_overlayer_lowered;
	s6 =	simm.s32 $_tile_overlayer_lowered  }
0x9b: {  	s22 =	simm.s32 $0x1BFF;
	s21 =	sshll.u32 s6, $0x1;
	s3 =	sadd.s32 s4, s19  }
0x9c: {  	s7 =	simm.s32 $0x0;
	s20 =	sshll.u32 s5, $0x1;
	s5 =	sadd.s32 s21, s3  }
0x9d: {  	[timem:s7], [sflag:s22] =	dma.local [hbm:s5], s20  }
0x9e: {  	_ =	swait.ge [sflag:s22], s20  }
0x9f: {  	s4 =	ssub.s32 $0x0, s20;
	[sflag:s22] =	ssyncset.done $0x0  }
0xa0: {  	[sflag:s22] =	ssyncadd.s32 s4;
	_ =	sdelay $0x1  }
0xa1: {  	s23 =	simm.s32 $0x1B8B  }
0xa2: {  	_ =	swait.ge [sflag:s23], $0x1  }
0xa3: {  	[sflag:s23] =	ssyncset.done $0x0  }
0xa4: {  	s25 =	simm.s32 $0x1B8E;
	s24 =	sld [smem:$0x3FFE];
	[sflag:s23] =	ssyncadd.s32 $0xFFFFFFFF  }
0xa5: {  	s26 =	simm.s32 $execute0_lowered;
	[smem:$0x3FD2] =	sst s25  }
0xa6: {  	s5 =	sshll.u32 s26, $0x1;
	_ =	strace $0x8000004C;
	[dreg:$0x1] =	wrdreg $0xFFFFFFFF  }
0xa7: {  	s28 =	simm.s32 $_size_execute0_lowered;
	s3 =	sadd.s32 s3, s5;
	[dreg:$0x0] =	wrdreg $0x0  }
0xa8: {  	s5 =	sshll.u32 s28, $0x1;
	[dreg:$0x2] =	wrdreg s3  }
0xa9: {  	[dreg:$0x3] =	wrdreg s5  }
0xaa: {  	[dreg:$0x4] =	wrdreg $0xC0  }
0xab: {  	_ =	task [dreg:s7], $0x5FFFF  }
0xac: {  	[dreg:$0x1] =	wrdreg $0xFFFFFFFF  }
0xad: {  	[dreg:$0x0] =	wrdreg $0x60  }
0xae: {  	[dreg:$0x2] =	wrdreg s2  }
0xaf: {  	[dreg:$0x3] =	wrdreg s24  }
0xb0: {  	[dreg:$0x4] =	wrdreg $0xA9000  }
0xb1: {  	[dreg:$0x5] =	wrdreg $0x9  }
0xb2: {  	_ =	task.clear_ibuf [dreg:s7], $0x6FFFF;
	_ =	strace $0x9000004C  }
0xb3: {  	s29 =	simm.s32 $0x9;
	_ =	strace $0x8000004E  }
0xb4: {  	_ =	swait.ge [sflag:s29], $0x1  }
0xb5: {  	[sflag:s29] =	ssyncadd.s32 $0xFFFFFFFF  }
0xb6: {  	_ =	strace $0x9000004E  }
0xb7: {  	_ =	sfence  }
0xb8: {  	s30 =	sld [smem:$0x0];
	_ =	sdelay $0x2  }
0xb9: {  	s31 =	sshll.u32 s1, $0xD;
	s1 =	sshrl.u32 s1, $0x2  }
0xba: {  	s3 =	sand.u32 $0x4000, s31;
	s1 =	sadd.s32 s1, s30  }
0xbb: {  	s0 =	sor.u32 s3, s0;
	s1 =	sshll.u32 s1, $0x11  }
0xbc: {  	s0 =	sor.u32 s1, s0  }
0xbd: {  	s0 =	sadd.s32 $0x8F2B, s0  }
0xbe: {  	[sflag:s0] =	ssyncadd.remote.s32 $0x1  }
0xbf: {  	_ =	sfence.sel $0xFFFF  }
0xc0: {  	[dreg:$0x0] =	wrdreg $0xFFFFFFFF;
	(pc) =	sbr.abs _section_cstart, $3  }
0xc1: {  	[dreg:$0x1] =	wrdreg $0xFFFFFFFF  }
0xc2: {  	_ =	task.clear_ibuf [dreg:s7], $0x2FFFF;
	_ =	strace $0x9FFFFFFF  }
0xc3: {  	(tm) =	ssettm $0x7FFFFFFF  }
tec
execute0_lowered:
.L_overlay_start_1:
0x0: {  	(tag) =	ssettag $0x1  }
0x1: {  	s0 =	rddreg [dreg:$0x0]  }
0x2: {  	s2 =	rddreg [dreg:$0x1]  }
0x3: {  	s1 =	rddreg [dreg:$0x2];
	s3 =	srdreg.scid  }
0x4: {  	s18 =	stileid.u32;
	s28 =	simm.s32 $0x6900;
	s29 =	simm.s32 $0x1  }
0x5: {  	s30 =	simm.s32 $0x3;
	s31 =	simm.s32 $0x2;
	s11 =	smul.u32 $0x278, s18  }
0x6: {  	s5 =	sand.u32 $0x1, s3;
	s3 =	simm.s32 $0x0;
	s13 =	smul.u32 $0x4F000, s18  }
0x7: {  	s12 =	sadd.s32 $0xC800, s2;
	s9 =	sadd.s32 $0x2800, s2;
	s26 =	smul.u32 $0x2800, s18  }
0x8: {  	s4 =	sshll.u32 s5, $0x4;
	[smem:$0x7FF] =	sst s3;
	s6 =	smul.u32 $0x27800, s5  }
0x9: {  	s8 =	ssub.s32 $0x2, s5;
	s5 =	smul.u32 $0x28000, s5;
	s10 =	sor.u32 s18, s4  }
0xa: {  	_ =	strace $0x8000004D;
	s4 =	sadd.s32 $0x16800, s2;
	[dreg:$0x4] =	wrdreg s9  }
0xb: {  	s19 =	sshrl.u32 s8, $0x1;
	s20 =	sshrl.u32 s13, $0x2;
	s21 =	sadd.s32 $0x80, s11  }
0xc: {  	s14 =	sadd.s32 $0x100, s11;
	s24 =	sadd.s32 $0x180, s11;
	s16 =	sadd.s32 $0x200, s11  }
0xd: {  	s7 =	smul.u32 $0x500, s10;
	s2 =	sadd.s32 s6, s2;
	s6 =	ssub.s32 s8, s19  }
0xe: {  	s22 =	sshll.u32 s21, $0x7;
	s23 =	sshll.u32 s14, $0x7;
	s15 =	sshll.u32 s24, $0x7  }
0xf: {  	s17 =	smul.u32 $0x2800, s10;
	s11 =	sshll.u32 s16, $0x7;
	s21 =	sshll.u32 s21, $0x4  }
0x10: {  	s5 =	sadd.s32 s26, s5;
	s8 =	sadd.s32 s22, s1;
	s9 =	sadd.s32 s23, s1  }
0x11: {  	s10 =	sadd.s32 s15, s1;
	s11 =	sadd.s32 s11, s1;
	s2 =	sadd.s32 $0x3E000, s2  }
0x12: {  	s22 =	sshll.u32 s14, $0x4;
	s19 =	sor.u32 $0x100, s5;
	s6 =	smax.u32 s6, $0x1  }
0x13: {  	s5 =	sor.u32 $0x80, s5;
	s0 =	sadd.s32 s0, s7;
	s7 =	sadd.s32 s20, s1  }
0x14: {  	s25 =	sshrl.u32 s17, $0x3;
	s20 =	smul.u32 $0x2780, s18;
	[dreg:$0x7] =	wrdreg s6  }
0x15: {  	s23 =	sshrl.u32 s19, $0x3;
	s5 =	sshrl.u32 s5, $0x3;
	s17 =	simm.s32 $0x5  }
0x16: {  	s18 =	simm.s32 $0x2900;
	s19 =	simm.s32 $0x2800;
	s21 =	sadd.s32 s21, s2  }
0x17: {  	s22 =	sadd.s32 s22, s2;
	[dreg:$0x5] =	wrdreg s0;
	s15 =	sadd.s32 s12, s25  }
0x18: {  	s0 =	sshll.u32 s24, $0x4;
	s24 =	sshll.u32 s16, $0x4;
	s16 =	sadd.s32 s5, s12  }
0x19: {  	[dreg:$0x6] =	wrdreg s15;
	s25 =	sadd.s32 $0x4F0, s15;
	s15 =	sadd.s32 s23, s12  }
0x1a: {  	s26 =	sadd.s32 s20, s2;
	s23 =	sadd.s32 s0, s2;
	s24 =	sadd.s32 s24, s2  }
0x1b: {  	s0 =	simm.s32 $0x4;
	s2 =	simm.s32 $0x0;
	[dreg:$0x8] =	wrdreg s25  }
0x1c: {  	[dreg:$0x9] =	wrdreg s26;
	s25 =	simm.s32 $0x80;
	s26 =	simm.s32 $0x2880  }
.LBB2_1:
0x1d: {  	s5 =	rddreg [dreg:$0x5]  }
0x1e: {  	[tilespmem:s3], [sflag:$0x5] =	stream.linear.gather [hbm4b:s5+s3], $0x2800, $0x38;
	[tilespmem:$0x1E500] =	vst v63  }
0x1f: {  	_ =	swait.ge [sflag:s17], $0x2800  }
0x20: {  	[sflag:s17] =	ssyncset.done $0x0  }
0x21: {  	s20 =	rddreg [dreg:$0x4];
	[sflag:s17] =	ssyncadd.s32 $0xFFFFD800  }
0x22: {  	[tilespmem:s18], [sflag:$0x5] =	stream.linear.gather [hbm4b:s20+s3], $0x4000, $0x38;
	[tilespmem:$0x1E500] =	vst v63  }
0x23: {  	_ =	swait.ge [sflag:s17], $0x4000  }
0x24: {  	[sflag:s17] =	ssyncset.done $0x0  }
0x25: {  	[sflag:s17] =	ssyncadd.s32 $0xFFFFC000  }
0x26: {  	[spmem:s7] =	stream.linear.scatter [tilespmem:s18], [sflag:$0x5], $0x4000, $0x38;
	[tilespmem:$0x1E500] =	vst v63  }
0x27: {  	_ =	swait.ge [sflag:s17], $0x4000  }
0x28: {  	[sflag:s17] =	ssyncset.done $0x0  }
0x29: {  	[sflag:s17] =	ssyncadd.s32 $0xFFFFC000  }
0x2a: {  	[spmem:s8] =	stream.linear.scatter [tilespmem:s18], [sflag:$0x5], $0x4000, $0x38;
	[tilespmem:$0x1E500] =	vst v63  }
0x2b: {  	_ =	swait.ge [sflag:s17], $0x4000  }
0x2c: {  	[sflag:s17] =	ssyncset.done $0x0  }
0x2d: {  	[sflag:s17] =	ssyncadd.s32 $0xFFFFC000  }
0x2e: {  	[spmem:s9] =	stream.linear.scatter [tilespmem:s18], [sflag:$0x5], $0x4000, $0x38;
	[tilespmem:$0x1E500] =	vst v63  }
0x2f: {  	_ =	swait.ge [sflag:s17], $0x4000  }
0x30: {  	[sflag:s17] =	ssyncset.done $0x0  }
0x31: {  	[sflag:s17] =	ssyncadd.s32 $0xFFFFC000  }
0x32: {  	[spmem:s10] =	stream.linear.scatter [tilespmem:s18], [sflag:$0x5], $0x4000, $0x38;
	[tilespmem:$0x1E500] =	vst v63  }
0x33: {  	_ =	swait.ge [sflag:s17], $0x4000  }
0x34: {  	[sflag:s17] =	ssyncset.done $0x0  }
0x35: {  	[sflag:s17] =	ssyncadd.s32 $0xFFFFC000  }
0x36: {  	[spmem:s11] =	stream.linear.scatter [tilespmem:s18], [sflag:$0x5], $0x3C00, $0x38;
	[tilespmem:$0x1E500] =	vst v63  }
0x37: {  	_ =	swait.ge [sflag:s17], $0x3C00  }
0x38: {  	[sflag:s17] =	ssyncset.done $0x0  }
0x39: {  	[sflag:s17] =	ssyncadd.s32 $0xFFFFC400  }
0x3a: {  	[bflag:$0x0] =	sbarrier.arrive $0xFFFF  }
0x3b: {  	s6 =	rddreg [dreg:$0x6]  }
0x3c: {  	[tilespmem:s19], [sflag:$0x3] =	stream.linear.gather [hbm4b:s6+s3], $0x80, $0x38;
	[tilespmem:$0x1E500] =	vst v63  }
0x3d: {  	_ = 	snop  }
0x3e: {  	[tilespmem:s18], [sflag:$0x1] =	stream.indirect.gather [hbm4b:s4+s25], $0x80, s3, s25, $0xb8;
	[tilespmem:$0x1E500] =	vst v63  }
0x3f: {  	s12 =	sadd.s32 $0x0, s16  }
0x40: {  	[tilespmem:s26], [sflag:$0x4] =	stream.linear.gather [hbm4b:s12+s3], $0x80, $0x38;
	[tilespmem:$0x1E500] =	vst v63  }
0x41: {  	s13 =	simm.s32 $0x80  }
0x42: {  	[tilespmem:s28], [sflag:$0x2] =	stream.indirect.gather [hbm4b:s4+s25], $0x80, s13, s25, $0xb8;
	[tilespmem:$0x1E500] =	vst v63  }
0x43: {  	_ =	swait.ge [sflag:s29], $0x4000  }
0x44: {  	[sflag:s29] =	ssyncset.done $0x0  }
0x45: {  	[sflag:s29] =	ssyncadd.s32 $0xFFFFC000  }
0x46: {  	_ =	swait.ge [sflag:s30], $0x80  }
0x47: {  	[sflag:s30] =	ssyncset.done $0x0  }
0x48: {  	[sflag:s30] =	ssyncadd.s32 $0xFFFFFF80  }
0x49: {  	[spmem:s1] =	stream.indirect.scatter.add.f32 [tilespmem:s18], [sflag:$0x5], $0x80, s19, s25, $0xb8;
	[tilespmem:$0x1E500] =	vst v63  }
0x4a: {  	_ =	swait.ge [sflag:s17], $0x4000  }
0x4b: {  	[sflag:s17] =	ssyncset.done $0x0  }
0x4c: {  	s14 =	sadd.s32 $0x0, s15;
	[sflag:s17] =	ssyncadd.s32 $0xFFFFC000  }
0x4d: {  	[tilespmem:s19], [sflag:$0x3] =	stream.linear.gather [hbm4b:s14+s3], $0x80, $0x38;
	[tilespmem:$0x1E500] =	vst v63  }
0x4e: {  	s20 =	simm.s32 $0x100  }
0x4f: {  	[tilespmem:s18], [sflag:$0x1] =	stream.indirect.gather [hbm4b:s4+s25], $0x80, s20, s25, $0xb8;
	[tilespmem:$0x1E500] =	vst v63  }
0x50: {  	_ =	swait.ge [sflag:s31], $0x4000  }
0x51: {  	[sflag:s31] =	ssyncset.done $0x0  }
0x52: {  	[sflag:s31] =	ssyncadd.s32 $0xFFFFC000  }
0x53: {  	_ =	swait.ge [sflag:s0], $0x80  }
0x54: {  	[sflag:s0] =	ssyncset.done $0x0  }
0x55: {  	[sflag:s0] =	ssyncadd.s32 $0xFFFFFF80  }
0x56: {  	[spmem:s1] =	stream.indirect.scatter.add.f32 [tilespmem:s28], [sflag:$0x5], $0x80, s26, s25, $0xb8;
	[tilespmem:$0x1E500] =	vst v63  }
0x57: {  	s5 =	simm.s32 $0x20;
	_ =	swait.ge [sflag:s17], $0x4000  }
0x58: {  	s6 =	simm.s32 $0x200;
	s12 =	simm.s32 $0x40;
	[sflag:s17] =	ssyncset.done $0x0  }
.LBB2_2:
0x59: {  	s13 =	sadd.s32 s5, s16  }
0x5a: {  	[sflag:s17] =	ssyncadd.s32 $0xFFFFC000;
	s14 =	smov.u32 s12;
	s20 =	sadd.s32 $0x20, s12  }
0x5b: {  	[tilespmem:s26], [sflag:$0x4] =	stream.linear.gather [hbm4b:s13+s3], $0x80, $0x38;
	[tilespmem:$0x1E500] =	vst v63  }
0x5c: {  	p0 =	sne.s32 s12, $0x4C0;
	s12 =	sadd.s32 $0xFFFFFF80, s6  }
0x5d: {  	[tilespmem:s28], [sflag:$0x2] =	stream.indirect.gather [hbm4b:s4+s25], $0x80, s12, s25, $0xb8;
	[tilespmem:$0x1E500] =	vst v63  }
0x5e: {  	_ =	swait.ge [sflag:s29], $0x4000  }
0x5f: {  	[sflag:s29] =	ssyncset.done $0x0  }
0x60: {  	[sflag:s29] =	ssyncadd.s32 $0xFFFFC000  }
0x61: {  	_ =	swait.ge [sflag:s30], $0x80  }
0x62: {  	[sflag:s30] =	ssyncset.done $0x0  }
0x63: {  	[sflag:s30] =	ssyncadd.s32 $0xFFFFFF80  }
0x64: {  	[spmem:s1] =	stream.indirect.scatter.add.f32 [tilespmem:s18], [sflag:$0x5], $0x80, s19, s25, $0xb8;
	[tilespmem:$0x1E500] =	vst v63  }
0x65: {  	_ =	swait.ge [sflag:s17], $0x4000  }
0x66: {  	[sflag:s17] =	ssyncset.done $0x0  }
0x67: {  	s12 =	sadd.s32 s5, s15;
	s5 =	smov.u32 s14;
	[sflag:s17] =	ssyncadd.s32 $0xFFFFC000  }
0x68: {  	[tilespmem:s19], [sflag:$0x3] =	stream.linear.gather [hbm4b:s12+s3], $0x80, $0x38;
	[tilespmem:$0x1E500] =	vst v63  }
0x69: {  	_ = 	snop  }
0x6a: {  	[tilespmem:s18], [sflag:$0x1] =	stream.indirect.gather [hbm4b:s4+s25], $0x80, s6, s25, $0xb8;
	[tilespmem:$0x1E500] =	vst v63  }
0x6b: {  	_ =	swait.ge [sflag:s31], $0x4000  }
0x6c: {  	[sflag:s31] =	ssyncset.done $0x0  }
0x6d: {  	[sflag:s31] =	ssyncadd.s32 $0xFFFFC000  }
0x6e: {  	_ =	swait.ge [sflag:s0], $0x80  }
.Ltmp0:
0x6f: {  	[sflag:s0] =	ssyncset.done $0x0;
	(pc) =	sbr.rel @p0 .LBB2_2-.Ltmp0, $4  }
0x70: {  	[sflag:s0] =	ssyncadd.s32 $0xFFFFFF80  }
0x71: {  	[spmem:s1] =	stream.indirect.scatter.add.f32 [tilespmem:s28], [sflag:$0x5], $0x80, s26, s25, $0xb8;
	[tilespmem:$0x1E500] =	vst v63  }
0x72: {  	_ =	swait.ge [sflag:s17], $0x4000  }
0x73: {  	s12 =	smov.u32 s20;
	s6 =	sadd.s32 $0x100, s6;
	[sflag:s17] =	ssyncset.done $0x0  }
0x74: {  	s12 =	sadd.s32 s5, s16;
	[sflag:s17] =	ssyncadd.s32 $0xFFFFC000  }
0x75: {  	[tilespmem:s26], [sflag:$0x4] =	stream.linear.gather [hbm4b:s12+s3], $0x80, $0x38;
	[tilespmem:$0x1E500] =	vst v63  }
0x76: {  	s14 =	sadd.s32 $0xFFFFFF80, s6  }
0x77: {  	[tilespmem:s28], [sflag:$0x2] =	stream.indirect.gather [hbm4b:s4+s25], $0x80, s14, s25, $0xb8;
	[tilespmem:$0x1E500] =	vst v63  }
0x78: {  	_ =	swait.ge [sflag:s29], $0x4000  }
0x79: {  	[sflag:s29] =	ssyncset.done $0x0  }
0x7a: {  	[sflag:s29] =	ssyncadd.s32 $0xFFFFC000  }
0x7b: {  	_ =	swait.ge [sflag:s30], $0x80  }
0x7c: {  	[sflag:s30] =	ssyncset.done $0x0  }
0x7d: {  	[sflag:s30] =	ssyncadd.s32 $0xFFFFFF80  }
0x7e: {  	[spmem:s1] =	stream.indirect.scatter.add.f32 [tilespmem:s18], [sflag:$0x5], $0x80, s19, s25, $0xb8;
	[tilespmem:$0x1E500] =	vst v63  }
0x7f: {  	_ =	swait.ge [sflag:s17], $0x4000  }
0x80: {  	[sflag:s17] =	ssyncset.done $0x0  }
0x81: {  	s20 =	sadd.s32 s5, s15;
	[sflag:s17] =	ssyncadd.s32 $0xFFFFC000  }
0x82: {  	[tilespmem:s19], [sflag:$0x3] =	stream.linear.gather [hbm4b:s20+s3], $0x80, $0x38;
	[tilespmem:$0x1E500] =	vst v63  }
0x83: {  	_ = 	snop  }
0x84: {  	[tilespmem:s18], [sflag:$0x1] =	stream.indirect.gather [hbm4b:s4+s25], $0x80, s6, s25, $0xb8;
	[tilespmem:$0x1E500] =	vst v63  }
0x85: {  	_ =	swait.ge [sflag:s31], $0x4000  }
0x86: {  	[sflag:s31] =	ssyncset.done $0x0  }
0x87: {  	[sflag:s31] =	ssyncadd.s32 $0xFFFFC000  }
0x88: {  	_ =	swait.ge [sflag:s0], $0x80  }
0x89: {  	[sflag:s0] =	ssyncset.done $0x0  }
0x8a: {  	[sflag:s0] =	ssyncadd.s32 $0xFFFFFF80  }
0x8b: {  	[spmem:s1] =	stream.indirect.scatter.add.f32 [tilespmem:s28], [sflag:$0x5], $0x80, s26, s25, $0xb8;
	[tilespmem:$0x1E500] =	vst v63  }
0x8c: {  	_ =	swait.ge [sflag:s17], $0x4000  }
0x8d: {  	[sflag:s17] =	ssyncset.done $0x0  }
0x8e: {  	s12 =	rddreg [dreg:$0x8];
	[sflag:s17] =	ssyncadd.s32 $0xFFFFC000  }
0x8f: {  	[tilespmem:s26], [sflag:$0x4] =	stream.linear.gather [hbm4b:s12+s3], $0x80, $0x38;
	[tilespmem:$0x1E500] =	vst v63  }
0x90: {  	s13 =	simm.s32 $0x2780  }
0x91: {  	[tilespmem:s28], [sflag:$0x2] =	stream.indirect.gather [hbm4b:s4+s25], $0x80, s13, s25, $0xb8;
	[tilespmem:$0x1E500] =	vst v63  }
0x92: {  	_ =	swait.ge [sflag:s29], $0x4000  }
0x93: {  	[sflag:s29] =	ssyncset.done $0x0  }
0x94: {  	[sflag:s29] =	ssyncadd.s32 $0xFFFFC000  }
0x95: {  	_ =	swait.ge [sflag:s30], $0x80  }
0x96: {  	[sflag:s30] =	ssyncset.done $0x0  }
0x97: {  	[sflag:s30] =	ssyncadd.s32 $0xFFFFFF80  }
0x98: {  	[spmem:s1] =	stream.indirect.scatter.add.f32 [tilespmem:s18], [sflag:$0x5], $0x80, s19, s25, $0xb8;
	[tilespmem:$0x1E500] =	vst v63  }
0x99: {  	_ =	swait.ge [sflag:s17], $0x4000  }
0x9a: {  	[sflag:s17] =	ssyncset.done $0x0  }
0x9b: {  	[sflag:s17] =	ssyncadd.s32 $0xFFFFC000  }
0x9c: {  	_ =	swait.ge [sflag:s31], $0x4000  }
0x9d: {  	[sflag:s31] =	ssyncset.done $0x0  }
0x9e: {  	[sflag:s31] =	ssyncadd.s32 $0xFFFFC000  }
0x9f: {  	_ =	swait.ge [sflag:s0], $0x80  }
0xa0: {  	[sflag:s0] =	ssyncset.done $0x0  }
0xa1: {  	[sflag:s0] =	ssyncadd.s32 $0xFFFFFF80  }
0xa2: {  	[spmem:s1] =	stream.indirect.scatter.add.f32 [tilespmem:s28], [sflag:$0x5], $0x80, s26, s25, $0xb8;
	[tilespmem:$0x1E500] =	vst v63  }
0xa3: {  	_ =	swait.ge [sflag:s17], $0x4000  }
0xa4: {  	[sflag:s17] =	ssyncset.done $0x0  }
0xa5: {  	[sflag:s17] =	ssyncadd.s32 $0xFFFFC000  }
0xa6: {  	[bflag:$0x0] =	sbarrier.arrive $0xFFFF  }
0xa7: {  	[tilespmem:s18], [sflag:$0x5] =	stream.linear.gather [spmem:s7], $0x4000, $0x38;
	[tilespmem:$0x1E500] =	vst v63  }
0xa8: {  	_ =	swait.ge [sflag:s17], $0x4000  }
0xa9: {  	[sflag:s17] =	ssyncset.done $0x0  }
0xaa: {  	s14 =	rddreg [dreg:$0x9];
	[sflag:s17] =	ssyncadd.s32 $0xFFFFC000  }
0xab: {  	[hbm4b:s14+s3] =	stream.linear.scatter [tilespmem:s18], [sflag:$0x5], $0x4000, $0x38;
	[tilespmem:$0x1E500] =	vst v63  }
0xac: {  	_ =	swait.ge [sflag:s17], $0x4000  }
0xad: {  	[sflag:s17] =	ssyncset.done $0x0  }
0xae: {  	[sflag:s17] =	ssyncadd.s32 $0xFFFFC000  }
0xaf: {  	[tilespmem:s18], [sflag:$0x5] =	stream.linear.gather [spmem:s8], $0x4000, $0x38;
	[tilespmem:$0x1E500] =	vst v63  }
0xb0: {  	_ =	swait.ge [sflag:s17], $0x4000  }
0xb1: {  	[sflag:s17] =	ssyncset.done $0x0  }
0xb2: {  	[sflag:s17] =	ssyncadd.s32 $0xFFFFC000  }
0xb3: {  	[hbm4b:s21+s3] =	stream.linear.scatter [tilespmem:s18], [sflag:$0x5], $0x4000, $0x38;
	[tilespmem:$0x1E500] =	vst v63  }
0xb4: {  	_ =	swait.ge [sflag:s17], $0x4000  }
0xb5: {  	[sflag:s17] =	ssyncset.done $0x0  }
0xb6: {  	[sflag:s17] =	ssyncadd.s32 $0xFFFFC000  }
0xb7: {  	[tilespmem:s18], [sflag:$0x5] =	stream.linear.gather [spmem:s9], $0x4000, $0x38;
	[tilespmem:$0x1E500] =	vst v63  }
0xb8: {  	_ =	swait.ge [sflag:s17], $0x4000  }
0xb9: {  	[sflag:s17] =	ssyncset.done $0x0  }
0xba: {  	[sflag:s17] =	ssyncadd.s32 $0xFFFFC000  }
0xbb: {  	[hbm4b:s22+s3] =	stream.linear.scatter [tilespmem:s18], [sflag:$0x5], $0x4000, $0x38;
	[tilespmem:$0x1E500] =	vst v63  }
0xbc: {  	_ =	swait.ge [sflag:s17], $0x4000  }
0xbd: {  	[sflag:s17] =	ssyncset.done $0x0  }
0xbe: {  	[sflag:s17] =	ssyncadd.s32 $0xFFFFC000  }
0xbf: {  	[tilespmem:s18], [sflag:$0x5] =	stream.linear.gather [spmem:s10], $0x4000, $0x38;
	[tilespmem:$0x1E500] =	vst v63  }
0xc0: {  	_ =	swait.ge [sflag:s17], $0x4000  }
0xc1: {  	[sflag:s17] =	ssyncset.done $0x0  }
0xc2: {  	[sflag:s17] =	ssyncadd.s32 $0xFFFFC000  }
0xc3: {  	[hbm4b:s23+s3] =	stream.linear.scatter [tilespmem:s18], [sflag:$0x5], $0x4000, $0x38;
	[tilespmem:$0x1E500] =	vst v63  }
0xc4: {  	_ =	swait.ge [sflag:s17], $0x4000  }
0xc5: {  	[sflag:s17] =	ssyncset.done $0x0  }
0xc6: {  	[sflag:s17] =	ssyncadd.s32 $0xFFFFC000  }
0xc7: {  	[tilespmem:s18], [sflag:$0x5] =	stream.linear.gather [spmem:s11], $0x3C00, $0x38;
	[tilespmem:$0x1E500] =	vst v63  }
0xc8: {  	_ =	swait.ge [sflag:s17], $0x3C00  }
0xc9: {  	[sflag:s17] =	ssyncset.done $0x0  }
0xca: {  	[sflag:s17] =	ssyncadd.s32 $0xFFFFC400  }
0xcb: {  	[hbm4b:s24+s3] =	stream.linear.scatter [tilespmem:s18], [sflag:$0x5], $0x3C00, $0x38;
	[tilespmem:$0x1E500] =	vst v63  }
0xcc: {  	_ =	swait.ge [sflag:s17], $0x3C00  }
0xcd: {  	s2 =	sadd.s32 $0x1, s2;
	s20 =	rddreg [dreg:$0x7]  }
0xce: {  	p0 =	sne.s32 s2, s20  }
.Ltmp1:
0xcf: {  	_ = 	snop;
	(pc) =	sbr.rel @p0 .LBB2_1-.Ltmp1, $3  }
0xd0: {  	_ =	sdelay $0x1  }
0xd1: {  	[sflag:s17] =	ssyncset.done $0x0  }
0xd2: {  	[sflag:s17] =	ssyncadd.s32 $0xFFFFC400  }
0xd3: {  	_ =	sfence.sel $0x180000  }
0xd4: {  	[bflag:$0x0] =	sbarrier.arrive $0xFFFF  }
0xd5: {  	_ =	strace $0x9000004D  }
0xd6: {  	s0 =	stileid.u32;
	[bflag:$0x2] =	sbarrier.arrive $0xFFFF  }
0xd7: {  	p0 =	sne.s32 s0, $0x0;
	s0 =	rddreg [dreg:$0x3]  }
0xd8: {  	s0 =	sadd.s32 @!p0 $0x100000, s0  }
0xd9: {  	[sflag:s0] =	ssyncadd.tile.s32 @!p0 $0x1;
	_ =	shalt  }
.Lfunc_end2:
_tile_overlayer_lowered:
.L_overlay_start_2:
0xda: {  	(tag) =	ssettag $0x2  }
0xdb: {  	s0 =	rddreg [dreg:$0x0];
	s2 =	stileid.u32  }
0xdc: {  	s1 =	rddreg [dreg:$0x1];
	p0 =	sne.s32 s2, $0x0  }
0xdd: {  	s3 =	rddreg [dreg:$0x2];
	[bflag:$0x3] =	sbarrier.arrive $0xFFFF;
	s2 =	simm.s32 @!p0 $0x1C05  }
0xde: {  	[timem:s3], [sflag:s2] =	dma.local @!p0 [hbm:s0], s1  }
0xdf: {  	s0 =	simm.s32 @!p0 $0x5  }
0xe0: {  	_ =	swait.ge @!p0 [sflag:s0], s1  }
0xe1: {  	s1 =	ssub.s32 @!p0 $0x0, s1;
	[sflag:s0] =	ssyncset.done @!p0 $0x0  }
0xe2: {  	[sflag:s0] =	ssyncadd.s32 @!p0 s1  }
0xe3: {  	[bflag:$0x3] =	sbarrier.arrive $0xFFFF  }
0xe4: {  	_ =	shalt  }

// kernel: kernel.8.cloned.1.call-start
scs
__scs_entry_jumppad:
0x0: {  	(pc) =	sbr.rel $0x88, $3  }
0x1: {  	(tag) =	ssettag $0x0;
	lr =	simm.s32 $0x1  }
0x2: {  	[smem:$0x3F9B] =	sst lr;
	_ =	strace $0xD0000000  }
0x3: {  	_ = 	snop  }
0x4: {  	_ = 	snop  }
0x5: {  	_ = 	snop  }
0x6: {  	_ = 	snop  }
0x7: {  	_ = 	snop  }
__scs_overlays_trampoline_lowered:
0x8: {  	[smem:$0x3FAA] =	sst s0  }
0x9: {  	[smem:$0x3FAB] =	sst s1  }
0xa: {  	[smem:$0x3FAC] =	sst s2  }
0xb: {  	[smem:$0x3FAD] =	sst s3  }
0xc: {  	[smem:$0x3FAE] =	sst s4  }
0xd: {  	[smem:$0x3FAF] =	sst s5  }
0xe: {  	[smem:$0x3FB0] =	sst s6  }
0xf: {  	[smem:$0x3FB1] =	sst s7  }
0x10: {  	[smem:$0x3FB2] =	sst s8  }
0x11: {  	[smem:$0x3FB3] =	sst s9;
	s0 =	simm.s32 @!p0 $0x0  }
0x12: {  	s1 =	sld [smem:$0x3F99];
	s0 =	simm.s32 @p0 $0x1  }
0x13: {  	[smem:$0x3FB4] =	sst s0;
	s0 =	simm.s32 @!p1 $0x0  }
0x14: {  	s2 =	sld [smem:$0x3F98];
	s0 =	simm.s32 @p1 $0x1  }
0x15: {  	[smem:$0x3FB5] =	sst s0;
	s0 =	simm.s32 @!p2 $0x0  }
0x16: {  	s3 =	sld [smem:$0x3FDB];
	s0 =	simm.s32 @p2 $0x1  }
0x17: {  	s4 =	simm.s32 $0x1BF5;
	[smem:$0x3FB7] =	sst s0  }
0x18: {  	s0 =	sld [smem:$0x3F9A];
	_ =	swait.ge [sflag:s4], $0x0  }
0x19: {  	s7 =	sld [smem:$0x3F9B]  }
0x1a: {  	s8 =	sadd.s32 $0xFFFFE003, lr  }
0x1b: {  	s9 =	sadd.s32 $0xFFFFFEF7, lr;
	s5 =	simm.s32 $0xFFFFFFFF;
	p2 =	slt.u32 s8, $0xFFFFF086  }
0x1c: {  	p1 =	slt.u32 s9, $0xF7A;
	s5 =	simm.s32 @!p2 $0x0  }
0x1d: {  	s5 =	simm.s32 @p1 $0x1;
	p0 =	seq.s32 s7, s2  }
0x1e: {  	s7 =	smul.u32 @!p0 $0xF7A, s2;
	p2 =	seq.s32 @!p0 s5, $0x0  }
0x1f: {  	s9 =	smul.u32 $0xF7A, s1;
	s8 =	simm.s32 @!p0 $0x1BF5;
	p2 =	por !p2, p0  }
0x20: {  	[sflag:s8] =	ssyncset.s32 @!p0 $0xFFFFF086;
	s6 =	sadd.s32 @!p0 s3, s7;
	s7 =	simm.s32 @!p0 $0x108  }
0x21: {  	s3 =	sadd.s32 s3, s9;
	s6 =	sadd.s32 @!p0 $0x88, s6;
	s7 =	simm.s32 @p2 $0x1082  }
0x22: {  	[simem:s7], [sflag:s8] =	dma.local @!p0 [hbm:s6], $0xF7A  }
0x23: {  	s9 =	sor.u32 $0xD0000000, s2;
	s6 =	simm.s32 $0x108;
	_ =	swait.ge @!p0 [sflag:s8], $0x0  }
0x24: {  	s3 =	sadd.s32 $0x88, s3;
	s6 =	simm.s32 @!p1 $0x1082;
	[sflag:s4] =	ssyncset.s32 $0xFFFFF086  }
0x25: {  	[simem:s6], [sflag:s4] =	dma.local [hbm:s3], $0xF7A  }
0x26: {  	[smem:$0x3F9B] =	sst s1;
	(tag) =	ssettag s2;
	_ =	strace s9  }
0x27: {  	s1 =	sld [smem:$0x3FAB]  }
0x28: {  	s2 =	sld [smem:$0x3FAC]  }
0x29: {  	s4 =	sld [smem:$0x3FAE]  }
0x2a: {  	p0 =	seq.s32 s5, $0x0;
	s5 =	sld [smem:$0x3FAF]  }
0x2b: {  	s6 =	sld [smem:$0x3FB0]  }
0x2c: {  	s7 =	sld [smem:$0x3FB1]  }
0x2d: {  	s3 =	simm.s32 $0x108;
	s8 =	sld [smem:$0x3FB2]  }
0x2e: {  	s3 =	simm.s32 @!p0 $0x1082;
	s9 =	sld [smem:$0x3FB3]  }
0x2f: {  	lr =	sadd.s32 s0, s3;
	s0 =	sld [smem:$0x3FAA]  }
0x30: {  	s3 =	sld [smem:$0x3FAD]  }
0x31: {  	[smem:$0x3FB6] =	sst s10  }
0x32: {  	s10 =	sld [smem:$0x3FB4];
	_ =	sdelay $0x3  }
0x33: {  	p0 =	seq.s32 s10, $0x1;
	s10 =	sld [smem:$0x3FB6];
	_ =	sdelay $0x3  }
0x34: {  	[smem:$0x3FB6] =	sst s10  }
0x35: {  	s10 =	sld [smem:$0x3FB5];
	_ =	sdelay $0x3  }
0x36: {  	p1 =	seq.s32 s10, $0x1;
	s10 =	sld [smem:$0x3FB6];
	_ =	sdelay $0x3  }
0x37: {  	[smem:$0x3FB6] =	sst s10  }
0x38: {  	s10 =	sld [smem:$0x3FB7]  }
0x39: {  	_ = 	snop;
	(pc) =	sbr.ind lr, $3  }
0x3a: {  	_ = 	snop  }
0x3b: {  	_ = 	snop  }
0x3c: {  	p2 =	seq.s32 s10, $0x1;
	s10 =	sld [smem:$0x3FB6]  }
0x3d: {  	_ =	shalt  }
0x3e: {  	_ =	shalt  }
0x3f: {  	_ =	shalt  }
0x40: {  	_ =	shalt  }
0x41: {  	_ =	shalt  }
0x42: {  	_ =	shalt  }
0x43: {  	_ =	shalt  }
0x44: {  	_ =	shalt  }
0x45: {  	_ =	shalt  }
0x46: {  	_ =	shalt  }
0x47: {  	_ =	shalt  }
0x48: {  	_ =	shalt  }
0x49: {  	_ =	shalt  }
0x4a: {  	_ =	shalt  }
0x4b: {  	_ =	shalt  }
0x4c: {  	_ =	shalt  }
0x4d: {  	_ =	shalt  }
0x4e: {  	_ =	shalt  }
0x4f: {  	_ =	shalt  }
0x50: {  	_ =	shalt  }
0x51: {  	_ =	shalt  }
0x52: {  	_ =	shalt  }
0x53: {  	_ =	shalt  }
0x54: {  	_ =	shalt  }
0x55: {  	_ =	shalt  }
0x56: {  	_ =	shalt  }
0x57: {  	_ =	shalt  }
0x58: {  	_ =	shalt  }
0x59: {  	_ =	shalt  }
0x5a: {  	_ =	shalt  }
0x5b: {  	_ =	shalt  }
0x5c: {  	_ =	shalt  }
0x5d: {  	_ =	shalt  }
0x5e: {  	_ =	shalt  }
0x5f: {  	_ =	shalt  }
0x60: {  	_ =	shalt  }
0x61: {  	_ =	shalt  }
0x62: {  	_ =	shalt  }
0x63: {  	_ =	shalt  }
0x64: {  	_ =	shalt  }
0x65: {  	_ =	shalt  }
0x66: {  	_ =	shalt  }
0x67: {  	_ =	shalt  }
0x68: {  	_ =	shalt  }
0x69: {  	_ =	shalt  }
0x6a: {  	_ =	shalt  }
0x6b: {  	_ =	shalt  }
0x6c: {  	_ =	shalt  }
0x6d: {  	_ =	shalt  }
0x6e: {  	_ =	shalt  }
0x6f: {  	_ =	shalt  }
0x70: {  	_ =	shalt  }
0x71: {  	_ =	shalt  }
0x72: {  	_ =	shalt  }
0x73: {  	_ =	shalt  }
0x74: {  	_ =	shalt  }
0x75: {  	_ =	shalt  }
0x76: {  	_ =	shalt  }
0x77: {  	_ =	shalt  }
0x78: {  	_ =	shalt  }
0x79: {  	_ =	shalt  }
0x7a: {  	_ =	shalt  }
0x7b: {  	_ =	shalt  }
0x7c: {  	_ =	shalt  }
0x7d: {  	_ =	shalt  }
0x7e: {  	_ =	shalt  }
0x7f: {  	_ =	shalt  }
0x80: {  	_ =	shalt  }
0x81: {  	_ =	shalt  }
0x82: {  	_ =	shalt  }
0x83: {  	_ =	shalt  }
0x84: {  	_ =	shalt  }
0x85: {  	_ =	shalt  }
0x86: {  	_ =	shalt  }
0x87: {  	_ =	shalt  }
.Lfunc_end0:
.L_simem_size_0:
called_computation_lowered:
.L_overlay_start_0:
0x88: {  	s2 =	sld [smem:$0x3FD9]  }
0x89: {  	s3 =	sld [smem:$0x3FFE];
	_ =	sdelay $0x1  }
0x8a: {  	s1 =	srdreg.scid  }
0x8b: {  	s0 =	sand.u32 $0x1, s1  }
0x8c: {  	s16 =	sshll.u32 s0, $0xA;
	s2 =	sadd.s32 s3, s2  }
0x8d: {  	s2 =	sadd.s32 s2, s16  }
0x8e: {  	[smem:$0x3FC2] =	sst s2  }
0x8f: {  	_ = 	snop  }
0x90: {  	(tm) =	ssettm $0x1  }
0x91: {  	s17 =	sld [smem:$0x3FFB];
	_ =	sdelay $0x3  }
0x92: {  	_ =	strace s17  }
0x93: {  	s2 =	sld [smem:$0x3FFC];
	_ =	sdelay $0x3  }
0x94: {  	_ =	strace s2  }
0x95: {  	s2 =	sld [smem:$0x3FFD];
	_ =	sdelay $0x3  }
0x96: {  	_ =	strace s2  }
0x97: {  	_ =	strace $0x8FFFFFFF  }
0x98: {  	s18 =	sld [smem:$0x3FDB];
	_ =	sdelay $0x1  }
0x99: {  	s19 =	simm.s32 $_scs_section_size  }
0x9a: {  	s4 =	simm.s32 $_size__tile_overlayer_lowered;
	s5 =	simm.s32 $_tile_overlayer_lowered  }
0x9b: {  	s22 =	simm.s32 $0x1BFF;
	s21 =	sshll.u32 s5, $0x1;
	s2 =	sadd.s32 s19, s18  }
0x9c: {  	s6 =	simm.s32 $0x0;
	s20 =	sshll.u32 s4, $0x1;
	s4 =	sadd.s32 s21, s2  }
0x9d: {  	[timem:s6], [sflag:s22] =	dma.local [hbm:s4], s20  }
0x9e: {  	_ =	swait.ge [sflag:s22], s20  }
0x9f: {  	s3 =	ssub.s32 $0x0, s20;
	[sflag:s22] =	ssyncset.done $0x0  }
0xa0: {  	[sflag:s22] =	ssyncadd.s32 s3;
	_ =	sdelay $0x1  }
0xa1: {  	s23 =	simm.s32 $0x1B8B  }
0xa2: {  	_ =	swait.ge [sflag:s23], $0x1  }
0xa3: {  	[sflag:s23] =	ssyncset.done $0x0  }
0xa4: {  	s25 =	simm.s32 $0x1B8E;
	s24 =	sld [smem:$0x3FFE];
	[sflag:s23] =	ssyncadd.s32 $0xFFFFFFFF  }
0xa5: {  	s26 =	simm.s32 $execute0_lowered;
	[smem:$0x3FD2] =	sst s25  }
0xa6: {  	s4 =	sshll.u32 s26, $0x1;
	_ =	strace $0x80000046;
	[dreg:$0x1] =	wrdreg $0xFFFFFFFF  }
0xa7: {  	s28 =	simm.s32 $_size_execute0_lowered;
	s2 =	sadd.s32 s2, s4;
	[dreg:$0x0] =	wrdreg $0x0  }
0xa8: {  	s4 =	sshll.u32 s28, $0x1;
	[dreg:$0x2] =	wrdreg s2  }
0xa9: {  	[dreg:$0x3] =	wrdreg s4  }
0xaa: {  	[dreg:$0x4] =	wrdreg $0xC0  }
0xab: {  	_ =	task [dreg:s6], $0x5FFFF  }
0xac: {  	[dreg:$0x1] =	wrdreg $0xFFFFFFFF  }
0xad: {  	[dreg:$0x0] =	wrdreg $0x60  }
0xae: {  	[dreg:$0x2] =	wrdreg s24  }
0xaf: {  	[dreg:$0x3] =	wrdreg $0x2B000  }
0xb0: {  	[dreg:$0x4] =	wrdreg $0x9  }
0xb1: {  	_ =	task.clear_ibuf [dreg:s6], $0x5FFFF;
	_ =	strace $0x90000046  }
0xb2: {  	s29 =	simm.s32 $0x9;
	_ =	strace $0x80000048  }
0xb3: {  	_ =	swait.ge [sflag:s29], $0x1  }
0xb4: {  	[sflag:s29] =	ssyncadd.s32 $0xFFFFFFFF  }
0xb5: {  	_ =	strace $0x90000048  }
0xb6: {  	_ =	sfence  }
0xb7: {  	s30 =	sld [smem:$0x0];
	_ =	sdelay $0x2  }
0xb8: {  	s31 =	sshll.u32 s1, $0xD;
	s1 =	sshrl.u32 s1, $0x2  }
0xb9: {  	s3 =	sand.u32 $0x4000, s31;
	s1 =	sadd.s32 s1, s30  }
0xba: {  	s0 =	sor.u32 s3, s0;
	s1 =	sshll.u32 s1, $0x11  }
0xbb: {  	s0 =	sor.u32 s1, s0  }
0xbc: {  	s0 =	sadd.s32 $0x8F2B, s0  }
0xbd: {  	[sflag:s0] =	ssyncadd.remote.s32 $0x1  }
0xbe: {  	_ =	sfence.sel $0xFFFF  }
0xbf: {  	[dreg:$0x0] =	wrdreg $0xFFFFFFFF;
	(pc) =	sbr.abs _section_cstart, $3  }
0xc0: {  	[dreg:$0x1] =	wrdreg $0xFFFFFFFF  }
0xc1: {  	_ =	task.clear_ibuf [dreg:s6], $0x2FFFF;
	_ =	strace $0x9FFFFFFF  }
0xc2: {  	(tm) =	ssettm $0x7FFFFFFF  }
0xc3: {  	_ =	shalt  }
tec
execute0_lowered:
.L_overlay_start_1:
0x0: {  	(tag) =	ssettag $0x1  }
0x1: {  	s6 =	rddreg [dreg:$0x0]  }
0x2: {  	s2 =	rddreg [dreg:$0x1]  }
0x3: {  	s0 =	srdreg.scid;
	s1 =	rddreg [dreg:$0x2]  }
0x4: {  	s3 =	simm.s32 $0x0;
	s12 =	simm.s32 $0x80;
	s13 =	simm.s32 $0x1  }
0x5: {  	s16 =	simm.s32 $0x0;
	s5 =	sand.u32 $0x1, s0;
	[smem:$0x7FF] =	sst s3  }
0x6: {  	s0 =	stileid.u32;
	s7 =	sshll.u32 s5, $0x4;
	_ =	strace $0x80000047  }
0x7: {  	s9 =	ssub.s32 $0x2, s5;
	s10 =	smul.u32 $0xA00, s0;
	s5 =	sadd.s32 $0x16A00, s6  }
0x8: {  	s15 =	smul.u32 $0xA0, s0;
	s4 =	sor.u32 s0, s7;
	s30 =	sshrl.u32 s9, $0x1  }
0x9: {  	s11 =	sadd.s32 s7, s6;
	s4 =	smul.u32 $0x500, s4;
	s9 =	ssub.s32 s9, s30  }
0xa: {  	s31 =	sshrl.u32 s10, $0x2;
	s14 =	sadd.s32 $0x17000, s11;
	s10 =	simm.s32 $0x2  }
0xb: {  	s11 =	simm.s32 $0x2880;
	s7 =	sadd.s32 s31, s2;
	s14 =	sadd.s32 s15, s14  }
0xc: {  	s15 =	simm.s32 $0x100;
	s8 =	sadd.s32 s4, s6;
	s4 =	sadd.s32 $0x16800, s6  }
0xd: {  	s6 =	sadd.s32 $0x2800, s8;
	s8 =	smax.u32 s9, $0x1;
	s9 =	simm.s32 $0x2800  }
.LBB2_1:
0xe: {  	[tilespmem:s9], [sflag:$0x2] =	stream.linear.gather [hbm4b:s4+s3], $0x80, $0x38;
	[tilespmem:$0x2D80] =	vst v63  }
0xf: {  	_ =	swait.ge [sflag:s10], $0x80  }
0x10: {  	[sflag:s10] =	ssyncset.done $0x0  }
0x11: {  	[sflag:s10] =	ssyncadd.s32 $0xFFFFFF80  }
0x12: {  	[tilespmem:s3], [sflag:$0x2] =	stream.linear.gather [hbm4b:s6+s3], $0x2800, $0x38;
	[tilespmem:$0x2D80] =	vst v63  }
0x13: {  	_ =	swait.ge [sflag:s10], $0x2800  }
0x14: {  	[sflag:s10] =	ssyncset.done $0x0  }
0x15: {  	[sflag:s10] =	ssyncadd.s32 $0xFFFFD800  }
0x16: {  	[tilespmem:s11], [sflag:$0x2] =	stream.linear.gather [hbm4b:s5+s3], $0x280, $0x38;
	[tilespmem:$0x2D80] =	vst v63  }
0x17: {  	_ =	swait.ge [sflag:s10], $0x280  }
0x18: {  	[sflag:s10] =	ssyncset.done $0x0  }
0x19: {  	[sflag:s10] =	ssyncadd.s32 $0xFFFFFD80  }
0x1a: {  	[spmem:s7] =	stream.linear.scatter [tilespmem:s11], [sflag:$0x2], $0x280, $0x38;
	[tilespmem:$0x2D80] =	vst v63  }
0x1b: {  	_ =	swait.ge [sflag:s10], $0x280  }
0x1c: {  	[sflag:s10] =	ssyncset.done $0x0  }
0x1d: {  	[sflag:s10] =	ssyncadd.s32 $0xFFFFFD80  }
0x1e: {  	s17 =	simm.s32 $0x0;
	[bflag:$0x0] =	sbarrier.arrive $0xFFFF  }
0x1f: {  	[spmem:s2] =	stream.indirect.scatter.add.f32 [tilespmem:s9], [sflag:$0x1], $0x1, s17, s12, $0xb8;
	[tilespmem:$0x2D80] =	vst v63  }
0x20: {  	s24 =	simm.s32 $0x80  }
0x21: {  	[spmem:s2] =	stream.indirect.scatter.add.f32 [tilespmem:s9], [sflag:$0x1], $0x1, s24, s12, $0xb8;
	[tilespmem:$0x2D80] =	vst v63  }
0x22: {  	s25 =	simm.s32 $0x100  }
0x23: {  	[spmem:s2] =	stream.indirect.scatter.add.f32 [tilespmem:s9], [sflag:$0x1], $0x1, s25, s12, $0xb8;
	[tilespmem:$0x2D80] =	vst v63  }
0x24: {  	s26 =	simm.s32 $0x180  }
0x25: {  	[spmem:s2] =	stream.indirect.scatter.add.f32 [tilespmem:s9], [sflag:$0x1], $0x1, s26, s12, $0xb8;
	[tilespmem:$0x2D80] =	vst v63  }
0x26: {  	s28 =	simm.s32 $0x200  }
0x27: {  	[spmem:s2] =	stream.indirect.scatter.add.f32 [tilespmem:s9], [sflag:$0x1], $0x1, s28, s12, $0xb8;
	[tilespmem:$0x2D80] =	vst v63  }
0x28: {  	s29 =	simm.s32 $0x280  }
0x29: {  	[spmem:s2] =	stream.indirect.scatter.add.f32 [tilespmem:s9], [sflag:$0x1], $0x1, s29, s12, $0xb8;
	[tilespmem:$0x2D80] =	vst v63  }
0x2a: {  	s30 =	simm.s32 $0x300  }
0x2b: {  	[spmem:s2] =	stream.indirect.scatter.add.f32 [tilespmem:s9], [sflag:$0x1], $0x1, s30, s12, $0xb8;
	[tilespmem:$0x2D80] =	vst v63  }
0x2c: {  	s31 =	simm.s32 $0x380  }
0x2d: {  	[spmem:s2] =	stream.indirect.scatter.add.f32 [tilespmem:s9], [sflag:$0x1], $0x1, s31, s12, $0xb8;
	[tilespmem:$0x2D80] =	vst v63  }
0x2e: {  	_ =	swait.ge [sflag:s13], $0x80  }
0x2f: {  	[sflag:s13] =	ssyncset.done $0x0  }
0x30: {  	[sflag:s13] =	ssyncadd.s32 $0xFFFFFF80  }
0x31: {  	_ =	swait.ge [sflag:s13], $0x80  }
0x32: {  	[sflag:s13] =	ssyncset.done $0x0  }
0x33: {  	[sflag:s13] =	ssyncadd.s32 $0xFFFFFF80  }
0x34: {  	_ =	swait.ge [sflag:s13], $0x80  }
0x35: {  	[sflag:s13] =	ssyncset.done $0x0  }
0x36: {  	[sflag:s13] =	ssyncadd.s32 $0xFFFFFF80  }
0x37: {  	_ =	swait.ge [sflag:s13], $0x80  }
0x38: {  	[sflag:s13] =	ssyncset.done $0x0  }
0x39: {  	[sflag:s13] =	ssyncadd.s32 $0xFFFFFF80  }
0x3a: {  	_ =	swait.ge [sflag:s13], $0x80  }
0x3b: {  	[sflag:s13] =	ssyncset.done $0x0  }
0x3c: {  	[sflag:s13] =	ssyncadd.s32 $0xFFFFFF80  }
0x3d: {  	_ =	swait.ge [sflag:s13], $0x80  }
0x3e: {  	[sflag:s13] =	ssyncset.done $0x0  }
0x3f: {  	[sflag:s13] =	ssyncadd.s32 $0xFFFFFF80  }
0x40: {  	_ =	swait.ge [sflag:s13], $0x80  }
0x41: {  	[sflag:s13] =	ssyncset.done $0x0  }
0x42: {  	[sflag:s13] =	ssyncadd.s32 $0xFFFFFF80  }
0x43: {  	_ =	swait.ge [sflag:s13], $0x80  }
0x44: {  	s19 =	simm.s32 $0x2000;
	s17 =	simm.s32 $0x1000;
	[sflag:s13] =	ssyncset.done $0x0  }
.LBB2_2:
0x45: {  	s20 =	sshra.s32 s17, $0x2  }
0x46: {  	[sflag:s13] =	ssyncadd.s32 $0xFFFFFF80;
	s17 =	smov.u32 s19;
	s18 =	sadd.s32 $0x1000, s19  }
0x47: {  	[spmem:s2] =	stream.indirect.scatter.add.f32 [tilespmem:s9], [sflag:$0x1], $0x1, s20, s12, $0xb8;
	[tilespmem:$0x2D80] =	vst v63  }
0x48: {  	p0 =	sne.s32 s19, $0x9000;
	s19 =	sadd.s32 $0x80, s20  }
0x49: {  	[spmem:s2] =	stream.indirect.scatter.add.f32 [tilespmem:s9], [sflag:$0x1], $0x1, s19, s12, $0xb8;
	[tilespmem:$0x2D80] =	vst v63  }
0x4a: {  	s19 =	sadd.s32 $0x100, s20  }
0x4b: {  	[spmem:s2] =	stream.indirect.scatter.add.f32 [tilespmem:s9], [sflag:$0x1], $0x1, s19, s12, $0xb8;
	[tilespmem:$0x2D80] =	vst v63  }
0x4c: {  	s19 =	sadd.s32 $0x180, s20  }
0x4d: {  	[spmem:s2] =	stream.indirect.scatter.add.f32 [tilespmem:s9], [sflag:$0x1], $0x1, s19, s12, $0xb8;
	[tilespmem:$0x2D80] =	vst v63  }
0x4e: {  	s19 =	sadd.s32 $0x200, s20  }
0x4f: {  	[spmem:s2] =	stream.indirect.scatter.add.f32 [tilespmem:s9], [sflag:$0x1], $0x1, s19, s12, $0xb8;
	[tilespmem:$0x2D80] =	vst v63  }
0x50: {  	s19 =	sadd.s32 $0x280, s20  }
0x51: {  	[spmem:s2] =	stream.indirect.scatter.add.f32 [tilespmem:s9], [sflag:$0x1], $0x1, s19, s12, $0xb8;
	[tilespmem:$0x2D80] =	vst v63  }
0x52: {  	s19 =	sadd.s32 $0x300, s20  }
0x53: {  	[spmem:s2] =	stream.indirect.scatter.add.f32 [tilespmem:s9], [sflag:$0x1], $0x1, s19, s12, $0xb8;
	[tilespmem:$0x2D80] =	vst v63  }
0x54: {  	s19 =	sadd.s32 $0x380, s20  }
0x55: {  	[spmem:s2] =	stream.indirect.scatter.add.f32 [tilespmem:s9], [sflag:$0x1], $0x1, s19, s12, $0xb8;
	[tilespmem:$0x2D80] =	vst v63  }
0x56: {  	_ =	swait.ge [sflag:s13], $0x80  }
0x57: {  	[sflag:s13] =	ssyncset.done $0x0  }
0x58: {  	[sflag:s13] =	ssyncadd.s32 $0xFFFFFF80  }
0x59: {  	_ =	swait.ge [sflag:s13], $0x80  }
0x5a: {  	[sflag:s13] =	ssyncset.done $0x0  }
0x5b: {  	[sflag:s13] =	ssyncadd.s32 $0xFFFFFF80  }
0x5c: {  	_ =	swait.ge [sflag:s13], $0x80  }
0x5d: {  	[sflag:s13] =	ssyncset.done $0x0  }
0x5e: {  	[sflag:s13] =	ssyncadd.s32 $0xFFFFFF80  }
0x5f: {  	_ =	swait.ge [sflag:s13], $0x80  }
0x60: {  	[sflag:s13] =	ssyncset.done $0x0  }
0x61: {  	[sflag:s13] =	ssyncadd.s32 $0xFFFFFF80  }
0x62: {  	_ =	swait.ge [sflag:s13], $0x80  }
0x63: {  	[sflag:s13] =	ssyncset.done $0x0  }
0x64: {  	[sflag:s13] =	ssyncadd.s32 $0xFFFFFF80  }
0x65: {  	_ =	swait.ge [sflag:s13], $0x80  }
0x66: {  	[sflag:s13] =	ssyncset.done $0x0  }
0x67: {  	[sflag:s13] =	ssyncadd.s32 $0xFFFFFF80  }
.Ltmp0:
0x68: {  	_ =	swait.ge [sflag:s13], $0x80;
	(pc) =	sbr.rel @p0 .LBB2_2-.Ltmp0, $4  }
0x69: {  	[sflag:s13] =	ssyncset.done $0x0  }
0x6a: {  	[sflag:s13] =	ssyncadd.s32 $0xFFFFFF80  }
0x6b: {  	_ =	swait.ge [sflag:s13], $0x80  }
0x6c: {  	s19 =	smov.u32 s18;
	[sflag:s13] =	ssyncset.done $0x0  }
0x6d: {  	s17 =	sshra.s32 s17, $0x2;
	[sflag:s13] =	ssyncadd.s32 $0xFFFFFF80  }
0x6e: {  	[spmem:s2] =	stream.indirect.scatter.add.f32 [tilespmem:s9], [sflag:$0x1], $0x1, s17, s12, $0xb8;
	[tilespmem:$0x2D80] =	vst v63  }
0x6f: {  	s18 =	sadd.s32 $0x80, s17  }
0x70: {  	[spmem:s2] =	stream.indirect.scatter.add.f32 [tilespmem:s9], [sflag:$0x1], $0x1, s18, s12, $0xb8;
	[tilespmem:$0x2D80] =	vst v63  }
0x71: {  	s26 =	sadd.s32 $0x100, s17  }
0x72: {  	[spmem:s2] =	stream.indirect.scatter.add.f32 [tilespmem:s9], [sflag:$0x1], $0x1, s26, s12, $0xb8;
	[tilespmem:$0x2D80] =	vst v63  }
0x73: {  	s28 =	sadd.s32 $0x180, s17  }
0x74: {  	[spmem:s2] =	stream.indirect.scatter.add.f32 [tilespmem:s9], [sflag:$0x1], $0x1, s28, s12, $0xb8;
	[tilespmem:$0x2D80] =	vst v63  }
0x75: {  	s29 =	sadd.s32 $0x200, s17  }
0x76: {  	[spmem:s2] =	stream.indirect.scatter.add.f32 [tilespmem:s9], [sflag:$0x1], $0x1, s29, s12, $0xb8;
	[tilespmem:$0x2D80] =	vst v63  }
0x77: {  	s30 =	sadd.s32 $0x280, s17  }
0x78: {  	[spmem:s2] =	stream.indirect.scatter.add.f32 [tilespmem:s9], [sflag:$0x1], $0x1, s30, s12, $0xb8;
	[tilespmem:$0x2D80] =	vst v63  }
0x79: {  	s31 =	sadd.s32 $0x300, s17  }
0x7a: {  	[spmem:s2] =	stream.indirect.scatter.add.f32 [tilespmem:s9], [sflag:$0x1], $0x1, s31, s12, $0xb8;
	[tilespmem:$0x2D80] =	vst v63  }
0x7b: {  	s17 =	sadd.s32 $0x380, s17  }
0x7c: {  	[spmem:s2] =	stream.indirect.scatter.add.f32 [tilespmem:s9], [sflag:$0x1], $0x1, s17, s12, $0xb8;
	[tilespmem:$0x2D80] =	vst v63  }
0x7d: {  	_ =	swait.ge [sflag:s13], $0x80  }
0x7e: {  	[sflag:s13] =	ssyncset.done $0x0  }
0x7f: {  	[sflag:s13] =	ssyncadd.s32 $0xFFFFFF80  }
0x80: {  	_ =	swait.ge [sflag:s13], $0x80  }
0x81: {  	[sflag:s13] =	ssyncset.done $0x0  }
0x82: {  	[sflag:s13] =	ssyncadd.s32 $0xFFFFFF80  }
0x83: {  	_ =	swait.ge [sflag:s13], $0x80  }
0x84: {  	[sflag:s13] =	ssyncset.done $0x0  }
0x85: {  	[sflag:s13] =	ssyncadd.s32 $0xFFFFFF80  }
0x86: {  	_ =	swait.ge [sflag:s13], $0x80  }
0x87: {  	[sflag:s13] =	ssyncset.done $0x0  }
0x88: {  	[sflag:s13] =	ssyncadd.s32 $0xFFFFFF80  }
0x89: {  	_ =	swait.ge [sflag:s13], $0x80  }
0x8a: {  	[sflag:s13] =	ssyncset.done $0x0  }
0x8b: {  	[sflag:s13] =	ssyncadd.s32 $0xFFFFFF80  }
0x8c: {  	_ =	swait.ge [sflag:s13], $0x80  }
0x8d: {  	[sflag:s13] =	ssyncset.done $0x0  }
0x8e: {  	[sflag:s13] =	ssyncadd.s32 $0xFFFFFF80  }
0x8f: {  	_ =	swait.ge [sflag:s13], $0x80  }
0x90: {  	[sflag:s13] =	ssyncset.done $0x0  }
0x91: {  	[sflag:s13] =	ssyncadd.s32 $0xFFFFFF80  }
0x92: {  	_ =	swait.ge [sflag:s13], $0x80  }
0x93: {  	[sflag:s13] =	ssyncset.done $0x0  }
0x94: {  	[sflag:s13] =	ssyncadd.s32 $0xFFFFFF80  }
0x95: {  	[bflag:$0x0] =	sbarrier.arrive $0xFFFF  }
0x96: {  	[tilespmem:s11], [sflag:$0x2] =	stream.linear.gather [spmem:s7], $0x280, $0x38;
	[tilespmem:$0x2D80] =	vst v63  }
0x97: {  	s16 =	sadd.s32 $0x1, s16;
	_ =	swait.ge [sflag:s10], $0x280  }
0x98: {  	p0 =	sne.s32 s16, s8;
	[sflag:s10] =	ssyncset.done $0x0  }
.Ltmp1:
0x99: {  	[sflag:s10] =	ssyncadd.s32 $0xFFFFFD80;
	(pc) =	sbr.rel @p0 .LBB2_1-.Ltmp1, $4  }
0x9a: {  	[hbm4b:s14+s12] =	stream.strided.scatter [tilespmem:s11], [sflag:$0x2], $0x280, s15, s12, $0x38;
	[tilespmem:$0x2D80] =	vst v63  }
0x9b: {  	_ =	swait.ge [sflag:s10], $0x280  }
0x9c: {  	[sflag:s10] =	ssyncset.done $0x0  }
0x9d: {  	[sflag:s10] =	ssyncadd.s32 $0xFFFFFD80  }
0x9e: {  	_ =	sfence.sel $0x180000  }
0x9f: {  	[bflag:$0x0] =	sbarrier.arrive $0xFFFF  }
0xa0: {  	p0 =	sne.s32 s0, $0x0;
	_ =	strace $0x90000047  }
0xa1: {  	s0 =	sadd.s32 @!p0 $0x100000, s1;
	[bflag:$0x2] =	sbarrier.arrive $0xFFFF  }
0xa2: {  	[sflag:s0] =	ssyncadd.tile.s32 @!p0 $0x1;
	_ =	shalt  }
.Lfunc_end2:
_tile_overlayer_lowered:
.L_overlay_start_2:
0xa3: {  	(tag) =	ssettag $0x2  }
0xa4: {  	s0 =	rddreg [dreg:$0x0];
	s2 =	stileid.u32  }
0xa5: {  	s1 =	rddreg [dreg:$0x1];
	p0 =	sne.s32 s2, $0x0  }
0xa6: {  	s3 =	rddreg [dreg:$0x2];
	[bflag:$0x3] =	sbarrier.arrive $0xFFFF;
	s2 =	simm.s32 @!p0 $0x1C02  }
0xa7: {  	[timem:s3], [sflag:s2] =	dma.local @!p0 [hbm:s0], s1  }
0xa8: {  	s0 =	simm.s32 @!p0 $0x2  }
0xa9: {  	_ =	swait.ge @!p0 [sflag:s0], s1  }
0xaa: {  	s1 =	ssub.s32 @!p0 $0x0, s1;
	[sflag:s0] =	ssyncset.done @!p0 $0x0  }
0xab: {  	[sflag:s0] =	ssyncadd.s32 @!p0 s1  }
0xac: {  	[bflag:$0x3] =	sbarrier.arrive $0xFFFF  }
0xad: {  	_ =	shalt  }

</sc_bundles>
